<compile_context>
chip_gen: v7x
topology: tpu7x:2x2x1
jax: 0.10.2.dev20260603
libtpu: 0.0.44.dev20260713+nightly
codegen_flags: <defaults>
</compile_context>

<pallas_src>
import functools

import jax
import jax.numpy as jnp
from jax import lax
from jax.experimental import pallas as pl
from jax.experimental.pallas import tpu as pltpu
from jax.experimental.pallas import tpu_sc as plsc

B = 16384
D = 64
NC = 2
NS = 16
NW = NC * NS
BPW = B // NW
CHUNK = 128
NCHUNK = BPW // CHUNK
NSLOT = 3


def _body(uid, iid, cid, bid, ut, it, ct, bt, out_hbm,
          idx_v, rows_v, gsem0, gsem1, gsem2, wsem0, wsem1, wsem2):
    wid = lax.axis_index("s") * NC + lax.axis_index("c")
    idx_hbms = (uid, iid, cid, bid)
    tables = (ut, it, ct, bt)
    gsems = (gsem0, gsem1, gsem2)
    wsems = (wsem0, wsem1, wsem2)

    for f in range(4):
        for ci in range(NCHUNK):
            pltpu.sync_copy(
                idx_hbms[f].at[pl.ds(wid * BPW + ci * CHUNK, CHUNK)],
                idx_v.at[f, ci])

    def fire(ci, slot):
        return [
            pltpu.async_copy(
                tables[f].at[idx_v.at[f, ci]],
                rows_v.at[slot, f],
                gsems[slot],
            )
            for f in range(4)
        ]

    def drain_and_write(ci, slot, gcopies):
        cbase = wid * BPW + ci * CHUNK
        ws = []
        for f in range(4):
            gcopies[f].wait()
            ws.append(
                pltpu.async_copy(
                    rows_v.at[slot, f],
                    out_hbm.at[pl.ds(cbase, CHUNK), f],
                    wsems[slot],
                )
            )
        return ws

    g = [fire(0, 0), fire(1, 1), fire(2, 2), None]
    w = [None] * NCHUNK
    w[0] = drain_and_write(0, 0, g[0])
    w[1] = drain_and_write(1, 1, g[1])
    for c in w[0]:
        c.wait()
    g[3] = fire(3, 0)
    w[2] = drain_and_write(2, 2, g[2])
    w[3] = drain_and_write(3, 0, g[3])
    for ci in range(1, NCHUNK):
        for c in w[ci]:
            c.wait()


_sc_call = pl.kernel(
    _body,
    out_type=jax.ShapeDtypeStruct((B, 4, D), jnp.float32),
    mesh=plsc.VectorSubcoreMesh(core_axis_name="c", subcore_axis_name="s"),
    compiler_params=pltpu.CompilerParams(use_tc_tiling_on_sc=False),
    scratch_types=(
        [
            pltpu.VMEM((4, NCHUNK, CHUNK), jnp.int32),
            pltpu.VMEM((NSLOT, 4, CHUNK, D), jnp.float32),
        ]
        + [pltpu.SemaphoreType.DMA for _ in range(6)]
    ),
)


def kernel(user_id, item_id, category, brand,
           user_table, item_table, category_table, brand_table):
    out = _sc_call(
        user_id, item_id, category, brand,
        user_table, item_table, category_table, brand_table,
    )
    return out.reshape(B, 4 * D)

# --- scband reference (transcript-rebuilt; emitter-appended) ---
"""Pipeline reference for scband-tdemulti-feat-embedding-27118423507287 (READ-ONLY COPY).

The authoritative reference and input builder live on the scoring server;
editing this copy changes nothing except your own understanding.
"""

import jax, jax.numpy as jnp
import numpy as np

B = 16384
D = 64
V_USER = 1000000
V_ITEM = 100000
V_CAT = 1000
V_BRAND = 1000


def setup_inputs(seed: int = 0) -> dict:
    key = jax.random.key(seed)
    ks = jax.random.split(key, 8)
    user_id = jax.random.randint(ks[0], (B,), 0, V_USER, dtype=jnp.int32)
    item_id = jax.random.randint(ks[1], (B,), 0, V_ITEM, dtype=jnp.int32)
    category = jax.random.randint(ks[2], (B,), 0, V_CAT, dtype=jnp.int32)
    brand = jax.random.randint(ks[3], (B,), 0, V_BRAND, dtype=jnp.int32)
    # Learned parameters: one table per feature.
    # user_id/item_id go through the TDE (torchrec EmbeddingCollection) path: plain lookup, no padding_idx.
    user_table = jax.random.normal(ks[4], (V_USER, D), dtype=jnp.float32) * 0.02
    item_table = jax.random.normal(ks[5], (V_ITEM, D), dtype=jnp.float32) * 0.02
    # category/brand stay in MultiFeatEmbedding with padding_idx=0 -> row 0 is zeros.
    category_table = jax.random.normal(ks[6], (V_CAT, D), dtype=jnp.float32) * 0.02
    category_table = category_table.at[0].set(0.0)
    brand_table = jax.random.normal(ks[7], (V_BRAND, D), dtype=jnp.float32) * 0.02
    brand_table = brand_table.at[0].set(0.0)
    return {
        "user_id": user_id,
        "item_id": item_id,
        "category": category,
        "brand": brand,
        "user_table": user_table,
        "item_table": item_table,
        "category_table": category_table,
        "brand_table": brand_table,
    }


def reference(user_id, item_id, category, brand, user_table, item_table, category_table, brand_table):
    # TDE path for user_id / item_id: JaggedTensor round-trip of a dense [B] tensor
    # followed by to_padded_dense() is functionally a plain row gather.
    user_emb = jnp.take(user_table, user_id, axis=0)
    item_emb = jnp.take(item_table, item_id, axis=0)
    # Plain nn.Embedding path for category / brand (padding_idx=0 rows already zeroed).
    cat_emb = jnp.take(category_table, category, axis=0)
    brand_emb = jnp.take(brand_table, brand, axis=0)
    # concat_embeddings=True -> concat along last dim: [B, 4*D]
    return jnp.concatenate([user_emb, item_emb, cat_emb, brand_emb], axis=-1)

if __name__ == "__main__":
    import jax
    _d = setup_inputs()
    print(jax.jit(kernel)(*tuple(_d.values())))

</pallas_src>

<mosaic_0001>
#map = affine_map<(d0, d1) -> (0)>
#map1 = affine_map<(d0, d1) -> (0, 0)>
#map2 = affine_map<(d0, d1) -> (0, 0, 0)>
module attributes {stable_mosaic.version = 14 : i64} {
  func.func @_body(%arg0: i32, %arg1: i32, %arg2: memref<16384xi32, #tpu.memory_space<hbm>>, %arg3: memref<16384xi32, #tpu.memory_space<hbm>>, %arg4: memref<16384xi32, #tpu.memory_space<hbm>>, %arg5: memref<16384xi32, #tpu.memory_space<hbm>>, %arg6: memref<1000000x64xf32, #tpu.memory_space<hbm>>, %arg7: memref<100000x64xf32, #tpu.memory_space<hbm>>, %arg8: memref<1000x64xf32, #tpu.memory_space<hbm>>, %arg9: memref<1000x64xf32, #tpu.memory_space<hbm>>, %arg10: memref<16384x4x64xf32, #tpu.memory_space<hbm>>, %arg11: memref<4x4x128xi32, #tpu.memory_space<vmem>>, %arg12: memref<3x4x128x64xf32, #tpu.memory_space<vmem>>, %arg13: memref<!tpu.dma_semaphore, #tpu.memory_space<semaphore_mem>>, %arg14: memref<!tpu.dma_semaphore, #tpu.memory_space<semaphore_mem>>, %arg15: memref<!tpu.dma_semaphore, #tpu.memory_space<semaphore_mem>>, %arg16: memref<!tpu.dma_semaphore, #tpu.memory_space<semaphore_mem>>, %arg17: memref<!tpu.dma_semaphore, #tpu.memory_space<semaphore_mem>>, %arg18: memref<!tpu.dma_semaphore, #tpu.memory_space<semaphore_mem>>) attributes {dimension_semantics = [#tpu.dimension_semantics<core_parallel>, #tpu.dimension_semantics<subcore_parallel>], iteration_bounds = array<i64: 2, 16>, scalar_prefetch = 0 : i64, scratch_operands = 8 : i64, tpu.core_type = #tpu.core_type<sc_vector_subcore>, window_params = [{transform_indices = #map}, {transform_indices = #map}, {transform_indices = #map}, {transform_indices = #map}, {transform_indices = #map1}, {transform_indices = #map1}, {transform_indices = #map1}, {transform_indices = #map1}, {transform_indices = #map2}]} {
    %mul3A = arith.constant 2 : i32
    %mul3A_0 = arith.muli %arg1, %mul3A : i32
    %add3A = arith.addi %mul3A_0, %arg0 : i32
    %mul3A_1 = arith.constant 512 : i32
    %mul3A_2 = arith.muli %add3A, %mul3A_1 : i32
    %add3A_3 = arith.constant 0 : i32
    %add3A_4 = arith.addi %mul3A_2, %add3A_3 : i32
    %run_scoped3A = arith.constant 0 : i32
    %run_scoped3A_5 = arith.constant 0 : i32
    "tpu.region"() ({
      %run_scoped3A_1102 = tpu.sem_alloc : memref<!tpu.dma_semaphore, #tpu.memory_space<semaphore_mem>>
      %dma_start3A_1103 = arith.constant 0 : i32
      %dma_start3A_1104 = tpu.memref_slice %arg11[%run_scoped3A, %run_scoped3A_5, %dma_start3A_1103] : memref<4x4x128xi32, #tpu.memory_space<vmem>> -> memref<1x1x128xi32, #tpu.memory_space<vmem>>
      %dma_start3A_1105 = tpu.memref_squeeze %dma_start3A_1104 : memref<1x1x128xi32, #tpu.memory_space<vmem>> -> memref<128xi32, #tpu.memory_space<vmem>>
      %dma_start3A_1106 = tpu.memref_slice %arg2[%add3A_4] : memref<16384xi32, #tpu.memory_space<hbm>> -> memref<128xi32, #tpu.memory_space<hbm>>
      %dma_start3A_1107 = arith.constant 0 : i32
      %dma_start3A_1108 = tpu.memref_slice %arg11[%run_scoped3A, %run_scoped3A_5, %dma_start3A_1107] : memref<4x4x128xi32, #tpu.memory_space<vmem>> -> memref<1x1x128xi32, #tpu.memory_space<vmem>>
      %dma_start3A_1109 = tpu.memref_squeeze %dma_start3A_1108 : memref<1x1x128xi32, #tpu.memory_space<vmem>> -> memref<128xi32, #tpu.memory_space<vmem>>
      %dma_start3A_1110 = tpu.memref_slice %arg2[%add3A_4] : memref<16384xi32, #tpu.memory_space<hbm>> -> memref<128xi32, #tpu.memory_space<hbm>>
      tpu.enqueue_dma source(%dma_start3A_1110 : memref<128xi32, #tpu.memory_space<hbm>>) target(%dma_start3A_1109 : memref<128xi32, #tpu.memory_space<vmem>>) target_semaphore(%run_scoped3A_1102 : memref<!tpu.dma_semaphore, #tpu.memory_space<semaphore_mem>>)
      %dma_wait3A_1111 = arith.constant 0 : i32
      %dma_wait3A_1112 = tpu.memref_slice %arg11[%run_scoped3A, %run_scoped3A_5, %dma_wait3A_1111] : memref<4x4x128xi32, #tpu.memory_space<vmem>> -> memref<1x1x128xi32, #tpu.memory_space<vmem>>
      %dma_wait3A_1113 = tpu.memref_squeeze %dma_wait3A_1112 : memref<1x1x128xi32, #tpu.memory_space<vmem>> -> memref<128xi32, #tpu.memory_space<vmem>>
      %dma_wait3A_1114 = tpu.memref_slice %arg2[%add3A_4] : memref<16384xi32, #tpu.memory_space<hbm>> -> memref<128xi32, #tpu.memory_space<hbm>>
      %dma_wait3A_1115 = arith.constant 0 : i32
      %dma_wait3A_1116 = tpu.memref_slice %arg11[%run_scoped3A, %run_scoped3A_5, %dma_wait3A_1115] : memref<4x4x128xi32, #tpu.memory_space<vmem>> -> memref<1x1x128xi32, #tpu.memory_space<vmem>>
      %dma_wait3A_1117 = tpu.memref_squeeze %dma_wait3A_1116 : memref<1x1x128xi32, #tpu.memory_space<vmem>> -> memref<128xi32, #tpu.memory_space<vmem>>
      %dma_wait3A_1118 = tpu.memref_slice %arg2[%add3A_4] : memref<16384xi32, #tpu.memory_space<hbm>> -> memref<128xi32, #tpu.memory_space<hbm>>
      tpu.wait_dma2 semaphore(%run_scoped3A_1102 : memref<!tpu.dma_semaphore, #tpu.memory_space<semaphore_mem>>) src(%dma_wait3A_1118 : memref<128xi32, #tpu.memory_space<hbm>>) dst(%dma_wait3A_1117 : memref<128xi32, #tpu.memory_space<vmem>>)
      tpu.yield
    }) : () -> ()
    %mul3A_6 = arith.constant 512 : i32
    %mul3A_7 = arith.muli %add3A, %mul3A_6 : i32
    %add3A_8 = arith.constant 128 : i32
    %add3A_9 = arith.addi %mul3A_7, %add3A_8 : i32
    %run_scoped3A_10 = arith.constant 0 : i32
    %run_scoped3A_11 = arith.constant 1 : i32
    "tpu.region"() ({
      %run_scoped3A_1102 = tpu.sem_alloc : memref<!tpu.dma_semaphore, #tpu.memory_space<semaphore_mem>>
      %dma_start3A_1103 = arith.constant 0 : i32
      %dma_start3A_1104 = tpu.memref_slice %arg11[%run_scoped3A_10, %run_scoped3A_11, %dma_start3A_1103] : memref<4x4x128xi32, #tpu.memory_space<vmem>> -> memref<1x1x128xi32, #tpu.memory_space<vmem>>
      %dma_start3A_1105 = tpu.memref_squeeze %dma_start3A_1104 : memref<1x1x128xi32, #tpu.memory_space<vmem>> -> memref<128xi32, #tpu.memory_space<vmem>>
      %dma_start3A_1106 = tpu.memref_slice %arg2[%add3A_9] : memref<16384xi32, #tpu.memory_space<hbm>> -> memref<128xi32, #tpu.memory_space<hbm>>
      %dma_start3A_1107 = arith.constant 0 : i32
      %dma_start3A_1108 = tpu.memref_slice %arg11[%run_scoped3A_10, %run_scoped3A_11, %dma_start3A_1107] : memref<4x4x128xi32, #tpu.memory_space<vmem>> -> memref<1x1x128xi32, #tpu.memory_space<vmem>>
      %dma_start3A_1109 = tpu.memref_squeeze %dma_start3A_1108 : memref<1x1x128xi32, #tpu.memory_space<vmem>> -> memref<128xi32, #tpu.memory_space<vmem>>
      %dma_start3A_1110 = tpu.memref_slice %arg2[%add3A_9] : memref<16384xi32, #tpu.memory_space<hbm>> -> memref<128xi32, #tpu.memory_space<hbm>>
      tpu.enqueue_dma source(%dma_start3A_1110 : memref<128xi32, #tpu.memory_space<hbm>>) target(%dma_start3A_1109 : memref<128xi32, #tpu.memory_space<vmem>>) target_semaphore(%run_scoped3A_1102 : memref<!tpu.dma_semaphore, #tpu.memory_space<semaphore_mem>>)
      %dma_wait3A_1111 = arith.constant 0 : i32
      %dma_wait3A_1112 = tpu.memref_slice %arg11[%run_scoped3A_10, %run_scoped3A_11, %dma_wait3A_1111] : memref<4x4x128xi32, #tpu.memory_space<vmem>> -> memref<1x1x128xi32, #tpu.memory_space<vmem>>
      %dma_wait3A_1113 = tpu.memref_squeeze %dma_wait3A_1112 : memref<1x1x128xi32, #tpu.memory_space<vmem>> -> memref<128xi32, #tpu.memory_space<vmem>>
      %dma_wait3A_1114 = tpu.memref_slice %arg2[%add3A_9] : memref<16384xi32, #tpu.memory_space<hbm>> -> memref<128xi32, #tpu.memory_space<hbm>>
      %dma_wait3A_1115 = arith.constant 0 : i32
      %dma_wait3A_1116 = tpu.memref_slice %arg11[%run_scoped3A_10, %run_scoped3A_11, %dma_wait3A_1115] : memref<4x4x128xi32, #tpu.memory_space<vmem>> -> memref<1x1x128xi32, #tpu.memory_space<vmem>>
      %dma_wait3A_1117 = tpu.memref_squeeze %dma_wait3A_1116 : memref<1x1x128xi32, #tpu.memory_space<vmem>> -> memref<128xi32, #tpu.memory_space<vmem>>
      %dma_wait3A_1118 = tpu.memref_slice %arg2[%add3A_9] : memref<16384xi32, #tpu.memory_space<hbm>> -> memref<128xi32, #tpu.memory_space<hbm>>
      tpu.wait_dma2 semaphore(%run_scoped3A_1102 : memref<!tpu.dma_semaphore, #tpu.memory_space<semaphore_mem>>) src(%dma_wait3A_1118 : memref<128xi32, #tpu.memory_space<hbm>>) dst(%dma_wait3A_1117 : memref<128xi32, #tpu.memory_space<vmem>>)
      tpu.yield
    }) : () -> ()
    %mul3A_12 = arith.constant 512 : i32
    %mul3A_13 = arith.muli %add3A, %mul3A_12 : i32
    %add3A_14 = arith.constant 256 : i32
    %add3A_15 = arith.addi %mul3A_13, %add3A_14 : i32
    %run_scoped3A_16 = arith.constant 0 : i32
    %run_scoped3A_17 = arith.constant 2 : i32
    "tpu.region"() ({
      %run_scoped3A_1102 = tpu.sem_alloc : memref<!tpu.dma_semaphore, #tpu.memory_space<semaphore_mem>>
      %dma_start3A_1103 = arith.constant 0 : i32
      %dma_start3A_1104 = tpu.memref_slice %arg11[%run_scoped3A_16, %run_scoped3A_17, %dma_start3A_1103] : memref<4x4x128xi32, #tpu.memory_space<vmem>> -> memref<1x1x128xi32, #tpu.memory_space<vmem>>
      %dma_start3A_1105 = tpu.memref_squeeze %dma_start3A_1104 : memref<1x1x128xi32, #tpu.memory_space<vmem>> -> memref<128xi32, #tpu.memory_space<vmem>>
      %dma_start3A_1106 = tpu.memref_slice %arg2[%add3A_15] : memref<16384xi32, #tpu.memory_space<hbm>> -> memref<128xi32, #tpu.memory_space<hbm>>
      %dma_start3A_1107 = arith.constant 0 : i32
      %dma_start3A_1108 = tpu.memref_slice %arg11[%run_scoped3A_16, %run_scoped3A_17, %dma_start3A_1107] : memref<4x4x128xi32, #tpu.memory_space<vmem>> -> memref<1x1x128xi32, #tpu.memory_space<vmem>>
      %dma_start3A_1109 = tpu.memref_squeeze %dma_start3A_1108 : memref<1x1x128xi32, #tpu.memory_space<vmem>> -> memref<128xi32, #tpu.memory_space<vmem>>
      %dma_start3A_1110 = tpu.memref_slice %arg2[%add3A_15] : memref<16384xi32, #tpu.memory_space<hbm>> -> memref<128xi32, #tpu.memory_space<hbm>>
      tpu.enqueue_dma source(%dma_start3A_1110 : memref<128xi32, #tpu.memory_space<hbm>>) target(%dma_start3A_1109 : memref<128xi32, #tpu.memory_space<vmem>>) target_semaphore(%run_scoped3A_1102 : memref<!tpu.dma_semaphore, #tpu.memory_space<semaphore_mem>>)
      %dma_wait3A_1111 = arith.constant 0 : i32
      %dma_wait3A_1112 = tpu.memref_slice %arg11[%run_scoped3A_16, %run_scoped3A_17, %dma_wait3A_1111] : memref<4x4x128xi32, #tpu.memory_space<vmem>> -> memref<1x1x128xi32, #tpu.memory_space<vmem>>
      %dma_wait3A_1113 = tpu.memref_squeeze %dma_wait3A_1112 : memref<1x1x128xi32, #tpu.memory_space<vmem>> -> memref<128xi32, #tpu.memory_space<vmem>>
      %dma_wait3A_1114 = tpu.memref_slice %arg2[%add3A_15] : memref<16384xi32, #tpu.memory_space<hbm>> -> memref<128xi32, #tpu.memory_space<hbm>>
      %dma_wait3A_1115 = arith.constant 0 : i32
      %dma_wait3A_1116 = tpu.memref_slice %arg11[%run_scoped3A_16, %run_scoped3A_17, %dma_wait3A_1115] : memref<4x4x128xi32, #tpu.memory_space<vmem>> -> memref<1x1x128xi32, #tpu.memory_space<vmem>>
      %dma_wait3A_1117 = tpu.memref_squeeze %dma_wait3A_1116 : memref<1x1x128xi32, #tpu.memory_space<vmem>> -> memref<128xi32, #tpu.memory_space<vmem>>
      %dma_wait3A_1118 = tpu.memref_slice %arg2[%add3A_15] : memref<16384xi32, #tpu.memory_space<hbm>> -> memref<128xi32, #tpu.memory_space<hbm>>
      tpu.wait_dma2 semaphore(%run_scoped3A_1102 : memref<!tpu.dma_semaphore, #tpu.memory_space<semaphore_mem>>) src(%dma_wait3A_1118 : memref<128xi32, #tpu.memory_space<hbm>>) dst(%dma_wait3A_1117 : memref<128xi32, #tpu.memory_space<vmem>>)
      tpu.yield
    }) : () -> ()
    %mul3A_18 = arith.constant 512 : i32
    %mul3A_19 = arith.muli %add3A, %mul3A_18 : i32
    %add3A_20 = arith.constant 384 : i32
    %add3A_21 = arith.addi %mul3A_19, %add3A_20 : i32
    %run_scoped3A_22 = arith.constant 0 : i32
    %run_scoped3A_23 = arith.constant 3 : i32
    "tpu.region"() ({
      %run_scoped3A_1102 = tpu.sem_alloc : memref<!tpu.dma_semaphore, #tpu.memory_space<semaphore_mem>>
      %dma_start3A_1103 = arith.constant 0 : i32
      %dma_start3A_1104 = tpu.memref_slice %arg11[%run_scoped3A_22, %run_scoped3A_23, %dma_start3A_1103] : memref<4x4x128xi32, #tpu.memory_space<vmem>> -> memref<1x1x128xi32, #tpu.memory_space<vmem>>
      %dma_start3A_1105 = tpu.memref_squeeze %dma_start3A_1104 : memref<1x1x128xi32, #tpu.memory_space<vmem>> -> memref<128xi32, #tpu.memory_space<vmem>>
      %dma_start3A_1106 = tpu.memref_slice %arg2[%add3A_21] : memref<16384xi32, #tpu.memory_space<hbm>> -> memref<128xi32, #tpu.memory_space<hbm>>
      %dma_start3A_1107 = arith.constant 0 : i32
      %dma_start3A_1108 = tpu.memref_slice %arg11[%run_scoped3A_22, %run_scoped3A_23, %dma_start3A_1107] : memref<4x4x128xi32, #tpu.memory_space<vmem>> -> memref<1x1x128xi32, #tpu.memory_space<vmem>>
      %dma_start3A_1109 = tpu.memref_squeeze %dma_start3A_1108 : memref<1x1x128xi32, #tpu.memory_space<vmem>> -> memref<128xi32, #tpu.memory_space<vmem>>
      %dma_start3A_1110 = tpu.memref_slice %arg2[%add3A_21] : memref<16384xi32, #tpu.memory_space<hbm>> -> memref<128xi32, #tpu.memory_space<hbm>>
      tpu.enqueue_dma source(%dma_start3A_1110 : memref<128xi32, #tpu.memory_space<hbm>>) target(%dma_start3A_1109 : memref<128xi32, #tpu.memory_space<vmem>>) target_semaphore(%run_scoped3A_1102 : memref<!tpu.dma_semaphore, #tpu.memory_space<semaphore_mem>>)
      %dma_wait3A_1111 = arith.constant 0 : i32
      %dma_wait3A_1112 = tpu.memref_slice %arg11[%run_scoped3A_22, %run_scoped3A_23, %dma_wait3A_1111] : memref<4x4x128xi32, #tpu.memory_space<vmem>> -> memref<1x1x128xi32, #tpu.memory_space<vmem>>
      %dma_wait3A_1113 = tpu.memref_squeeze %dma_wait3A_1112 : memref<1x1x128xi32, #tpu.memory_space<vmem>> -> memref<128xi32, #tpu.memory_space<vmem>>
      %dma_wait3A_1114 = tpu.memref_slice %arg2[%add3A_21] : memref<16384xi32, #tpu.memory_space<hbm>> -> memref<128xi32, #tpu.memory_space<hbm>>
      %dma_wait3A_1115 = arith.constant 0 : i32
      %dma_wait3A_1116 = tpu.memref_slice %arg11[%run_scoped3A_22, %run_scoped3A_23, %dma_wait3A_1115] : memref<4x4x128xi32, #tpu.memory_space<vmem>> -> memref<1x1x128xi32, #tpu.memory_space<vmem>>
      %dma_wait3A_1117 = tpu.memref_squeeze %dma_wait3A_1116 : memref<1x1x128xi32, #tpu.memory_space<vmem>> -> memref<128xi32, #tpu.memory_space<vmem>>
      %dma_wait3A_1118 = tpu.memref_slice %arg2[%add3A_21] : memref<16384xi32, #tpu.memory_space<hbm>> -> memref<128xi32, #tpu.memory_space<hbm>>
      tpu.wait_dma2 semaphore(%run_scoped3A_1102 : memref<!tpu.dma_semaphore, #tpu.memory_space<semaphore_mem>>) src(%dma_wait3A_1118 : memref<128xi32, #tpu.memory_space<hbm>>) dst(%dma_wait3A_1117 : memref<128xi32, #tpu.memory_space<vmem>>)
      tpu.yield
    }) : () -> ()
    %mul3A_24 = arith.constant 512 : i32
    %mul3A_25 = arith.muli %add3A, %mul3A_24 : i32
    %add3A_26 = arith.constant 0 : i32
    %add3A_27 = arith.addi %mul3A_25, %add3A_26 : i32
    %run_scoped3A_28 = arith.constant 1 : i32
    %run_scoped3A_29 = arith.constant 0 : i32
    "tpu.region"() ({
      %run_scoped3A_1102 = tpu.sem_alloc : memref<!tpu.dma_semaphore, #tpu.memory_space<semaphore_mem>>
      %dma_start3A_1103 = arith.constant 0 : i32
      %dma_start3A_1104 = tpu.memref_slice %arg11[%run_scoped3A_28, %run_scoped3A_29, %dma_start3A_1103] : memref<4x4x128xi32, #tpu.memory_space<vmem>> -> memref<1x1x128xi32, #tpu.memory_space<vmem>>
      %dma_start3A_1105 = tpu.memref_squeeze %dma_start3A_1104 : memref<1x1x128xi32, #tpu.memory_space<vmem>> -> memref<128xi32, #tpu.memory_space<vmem>>
      %dma_start3A_1106 = tpu.memref_slice %arg3[%add3A_27] : memref<16384xi32, #tpu.memory_space<hbm>> -> memref<128xi32, #tpu.memory_space<hbm>>
      %dma_start3A_1107 = arith.constant 0 : i32
      %dma_start3A_1108 = tpu.memref_slice %arg11[%run_scoped3A_28, %run_scoped3A_29, %dma_start3A_1107] : memref<4x4x128xi32, #tpu.memory_space<vmem>> -> memref<1x1x128xi32, #tpu.memory_space<vmem>>
      %dma_start3A_1109 = tpu.memref_squeeze %dma_start3A_1108 : memref<1x1x128xi32, #tpu.memory_space<vmem>> -> memref<128xi32, #tpu.memory_space<vmem>>
      %dma_start3A_1110 = tpu.memref_slice %arg3[%add3A_27] : memref<16384xi32, #tpu.memory_space<hbm>> -> memref<128xi32, #tpu.memory_space<hbm>>
      tpu.enqueue_dma source(%dma_start3A_1110 : memref<128xi32, #tpu.memory_space<hbm>>) target(%dma_start3A_1109 : memref<128xi32, #tpu.memory_space<vmem>>) target_semaphore(%run_scoped3A_1102 : memref<!tpu.dma_semaphore, #tpu.memory_space<semaphore_mem>>)
      %dma_wait3A_1111 = arith.constant 0 : i32
      %dma_wait3A_1112 = tpu.memref_slice %arg11[%run_scoped3A_28, %run_scoped3A_29, %dma_wait3A_1111] : memref<4x4x128xi32, #tpu.memory_space<vmem>> -> memref<1x1x128xi32, #tpu.memory_space<vmem>>
      %dma_wait3A_1113 = tpu.memref_squeeze %dma_wait3A_1112 : memref<1x1x128xi32, #tpu.memory_space<vmem>> -> memref<128xi32, #tpu.memory_space<vmem>>
      %dma_wait3A_1114 = tpu.memref_slice %arg3[%add3A_27] : memref<16384xi32, #tpu.memory_space<hbm>> -> memref<128xi32, #tpu.memory_space<hbm>>
      %dma_wait3A_1115 = arith.constant 0 : i32
      %dma_wait3A_1116 = tpu.memref_slice %arg11[%run_scoped3A_28, %run_scoped3A_29, %dma_wait3A_1115] : memref<4x4x128xi32, #tpu.memory_space<vmem>> -> memref<1x1x128xi32, #tpu.memory_space<vmem>>
      %dma_wait3A_1117 = tpu.memref_squeeze %dma_wait3A_1116 : memref<1x1x128xi32, #tpu.memory_space<vmem>> -> memref<128xi32, #tpu.memory_space<vmem>>
      %dma_wait3A_1118 = tpu.memref_slice %arg3[%add3A_27] : memref<16384xi32, #tpu.memory_space<hbm>> -> memref<128xi32, #tpu.memory_space<hbm>>
      tpu.wait_dma2 semaphore(%run_scoped3A_1102 : memref<!tpu.dma_semaphore, #tpu.memory_space<semaphore_mem>>) src(%dma_wait3A_1118 : memref<128xi32, #tpu.memory_space<hbm>>) dst(%dma_wait3A_1117 : memref<128xi32, #tpu.memory_space<vmem>>)
      tpu.yield
    }) : () -> ()
    %mul3A_30 = arith.constant 512 : i32
    %mul3A_31 = arith.muli %add3A, %mul3A_30 : i32
    %add3A_32 = arith.constant 128 : i32
    %add3A_33 = arith.addi %mul3A_31, %add3A_32 : i32
    %run_scoped3A_34 = arith.constant 1 : i32
    %run_scoped3A_35 = arith.constant 1 : i32
    "tpu.region"() ({
      %run_scoped3A_1102 = tpu.sem_alloc : memref<!tpu.dma_semaphore, #tpu.memory_space<semaphore_mem>>
      %dma_start3A_1103 = arith.constant 0 : i32
      %dma_start3A_1104 = tpu.memref_slice %arg11[%run_scoped3A_34, %run_scoped3A_35, %dma_start3A_1103] : memref<4x4x128xi32, #tpu.memory_space<vmem>> -> memref<1x1x128xi32, #tpu.memory_space<vmem>>
      %dma_start3A_1105 = tpu.memref_squeeze %dma_start3A_1104 : memref<1x1x128xi32, #tpu.memory_space<vmem>> -> memref<128xi32, #tpu.memory_space<vmem>>
      %dma_start3A_1106 = tpu.memref_slice %arg3[%add3A_33] : memref<16384xi32, #tpu.memory_space<hbm>> -> memref<128xi32, #tpu.memory_space<hbm>>
      %dma_start3A_1107 = arith.constant 0 : i32
      %dma_start3A_1108 = tpu.memref_slice %arg11[%run_scoped3A_34, %run_scoped3A_35, %dma_start3A_1107] : memref<4x4x128xi32, #tpu.memory_space<vmem>> -> memref<1x1x128xi32, #tpu.memory_space<vmem>>
      %dma_start3A_1109 = tpu.memref_squeeze %dma_start3A_1108 : memref<1x1x128xi32, #tpu.memory_space<vmem>> -> memref<128xi32, #tpu.memory_space<vmem>>
      %dma_start3A_1110 = tpu.memref_slice %arg3[%add3A_33] : memref<16384xi32, #tpu.memory_space<hbm>> -> memref<128xi32, #tpu.memory_space<hbm>>
      tpu.enqueue_dma source(%dma_start3A_1110 : memref<128xi32, #tpu.memory_space<hbm>>) target(%dma_start3A_1109 : memref<128xi32, #tpu.memory_space<vmem>>) target_semaphore(%run_scoped3A_1102 : memref<!tpu.dma_semaphore, #tpu.memory_space<semaphore_mem>>)
      %dma_wait3A_1111 = arith.constant 0 : i32
      %dma_wait3A_1112 = tpu.memref_slice %arg11[%run_scoped3A_34, %run_scoped3A_35, %dma_wait3A_1111] : memref<4x4x128xi32, #tpu.memory_space<vmem>> -> memref<1x1x128xi32, #tpu.memory_space<vmem>>
      %dma_wait3A_1113 = tpu.memref_squeeze %dma_wait3A_1112 : memref<1x1x128xi32, #tpu.memory_space<vmem>> -> memref<128xi32, #tpu.memory_space<vmem>>
      %dma_wait3A_1114 = tpu.memref_slice %arg3[%add3A_33] : memref<16384xi32, #tpu.memory_space<hbm>> -> memref<128xi32, #tpu.memory_space<hbm>>
      %dma_wait3A_1115 = arith.constant 0 : i32
      %dma_wait3A_1116 = tpu.memref_slice %arg11[%run_scoped3A_34, %run_scoped3A_35, %dma_wait3A_1115] : memref<4x4x128xi32, #tpu.memory_space<vmem>> -> memref<1x1x128xi32, #tpu.memory_space<vmem>>
      %dma_wait3A_1117 = tpu.memref_squeeze %dma_wait3A_1116 : memref<1x1x128xi32, #tpu.memory_space<vmem>> -> memref<128xi32, #tpu.memory_space<vmem>>
      %dma_wait3A_1118 = tpu.memref_slice %arg3[%add3A_33] : memref<16384xi32, #tpu.memory_space<hbm>> -> memref<128xi32, #tpu.memory_space<hbm>>
      tpu.wait_dma2 semaphore(%run_scoped3A_1102 : memref<!tpu.dma_semaphore, #tpu.memory_space<semaphore_mem>>) src(%dma_wait3A_1118 : memref<128xi32, #tpu.memory_space<hbm>>) dst(%dma_wait3A_1117 : memref<128xi32, #tpu.memory_space<vmem>>)
      tpu.yield
    }) : () -> ()
    %mul3A_36 = arith.constant 512 : i32
    %mul3A_37 = arith.muli %add3A, %mul3A_36 : i32
    %add3A_38 = arith.constant 256 : i32
    %add3A_39 = arith.addi %mul3A_37, %add3A_38 : i32
    %run_scoped3A_40 = arith.constant 1 : i32
    %run_scoped3A_41 = arith.constant 2 : i32
    "tpu.region"() ({
      %run_scoped3A_1102 = tpu.sem_alloc : memref<!tpu.dma_semaphore, #tpu.memory_space<semaphore_mem>>
      %dma_start3A_1103 = arith.constant 0 : i32
      %dma_start3A_1104 = tpu.memref_slice %arg11[%run_scoped3A_40, %run_scoped3A_41, %dma_start3A_1103] : memref<4x4x128xi32, #tpu.memory_space<vmem>> -> memref<1x1x128xi32, #tpu.memory_space<vmem>>
      %dma_start3A_1105 = tpu.memref_squeeze %dma_start3A_1104 : memref<1x1x128xi32, #tpu.memory_space<vmem>> -> memref<128xi32, #tpu.memory_space<vmem>>
      %dma_start3A_1106 = tpu.memref_slice %arg3[%add3A_39] : memref<16384xi32, #tpu.memory_space<hbm>> -> memref<128xi32, #tpu.memory_space<hbm>>
      %dma_start3A_1107 = arith.constant 0 : i32
      %dma_start3A_1108 = tpu.memref_slice %arg11[%run_scoped3A_40, %run_scoped3A_41, %dma_start3A_1107] : memref<4x4x128xi32, #tpu.memory_space<vmem>> -> memref<1x1x128xi32, #tpu.memory_space<vmem>>
      %dma_start3A_1109 = tpu.memref_squeeze %dma_start3A_1108 : memref<1x1x128xi32, #tpu.memory_space<vmem>> -> memref<128xi32, #tpu.memory_space<vmem>>
      %dma_start3A_1110 = tpu.memref_slice %arg3[%add3A_39] : memref<16384xi32, #tpu.memory_space<hbm>> -> memref<128xi32, #tpu.memory_space<hbm>>
      tpu.enqueue_dma source(%dma_start3A_1110 : memref<128xi32, #tpu.memory_space<hbm>>) target(%dma_start3A_1109 : memref<128xi32, #tpu.memory_space<vmem>>) target_semaphore(%run_scoped3A_1102 : memref<!tpu.dma_semaphore, #tpu.memory_space<semaphore_mem>>)
      %dma_wait3A_1111 = arith.constant 0 : i32
      %dma_wait3A_1112 = tpu.memref_slice %arg11[%run_scoped3A_40, %run_scoped3A_41, %dma_wait3A_1111] : memref<4x4x128xi32, #tpu.memory_space<vmem>> -> memref<1x1x128xi32, #tpu.memory_space<vmem>>
      %dma_wait3A_1113 = tpu.memref_squeeze %dma_wait3A_1112 : memref<1x1x128xi32, #tpu.memory_space<vmem>> -> memref<128xi32, #tpu.memory_space<vmem>>
      %dma_wait3A_1114 = tpu.memref_slice %arg3[%add3A_39] : memref<16384xi32, #tpu.memory_space<hbm>> -> memref<128xi32, #tpu.memory_space<hbm>>
      %dma_wait3A_1115 = arith.constant 0 : i32
      %dma_wait3A_1116 = tpu.memref_slice %arg11[%run_scoped3A_40, %run_scoped3A_41, %dma_wait3A_1115] : memref<4x4x128xi32, #tpu.memory_space<vmem>> -> memref<1x1x128xi32, #tpu.memory_space<vmem>>
      %dma_wait3A_1117 = tpu.memref_squeeze %dma_wait3A_1116 : memref<1x1x128xi32, #tpu.memory_space<vmem>> -> memref<128xi32, #tpu.memory_space<vmem>>
      %dma_wait3A_1118 = tpu.memref_slice %arg3[%add3A_39] : memref<16384xi32, #tpu.memory_space<hbm>> -> memref<128xi32, #tpu.memory_space<hbm>>
      tpu.wait_dma2 semaphore(%run_scoped3A_1102 : memref<!tpu.dma_semaphore, #tpu.memory_space<semaphore_mem>>) src(%dma_wait3A_1118 : memref<128xi32, #tpu.memory_space<hbm>>) dst(%dma_wait3A_1117 : memref<128xi32, #tpu.memory_space<vmem>>)
      tpu.yield
    }) : () -> ()
    %mul3A_42 = arith.constant 512 : i32
    %mul3A_43 = arith.muli %add3A, %mul3A_42 : i32
    %add3A_44 = arith.constant 384 : i32
    %add3A_45 = arith.addi %mul3A_43, %add3A_44 : i32
    %run_scoped3A_46 = arith.constant 1 : i32
    %run_scoped3A_47 = arith.constant 3 : i32
    "tpu.region"() ({
      %run_scoped3A_1102 = tpu.sem_alloc : memref<!tpu.dma_semaphore, #tpu.memory_space<semaphore_mem>>
      %dma_start3A_1103 = arith.constant 0 : i32
      %dma_start3A_1104 = tpu.memref_slice %arg11[%run_scoped3A_46, %run_scoped3A_47, %dma_start3A_1103] : memref<4x4x128xi32, #tpu.memory_space<vmem>> -> memref<1x1x128xi32, #tpu.memory_space<vmem>>
      %dma_start3A_1105 = tpu.memref_squeeze %dma_start3A_1104 : memref<1x1x128xi32, #tpu.memory_space<vmem>> -> memref<128xi32, #tpu.memory_space<vmem>>
      %dma_start3A_1106 = tpu.memref_slice %arg3[%add3A_45] : memref<16384xi32, #tpu.memory_space<hbm>> -> memref<128xi32, #tpu.memory_space<hbm>>
      %dma_start3A_1107 = arith.constant 0 : i32
      %dma_start3A_1108 = tpu.memref_slice %arg11[%run_scoped3A_46, %run_scoped3A_47, %dma_start3A_1107] : memref<4x4x128xi32, #tpu.memory_space<vmem>> -> memref<1x1x128xi32, #tpu.memory_space<vmem>>
      %dma_start3A_1109 = tpu.memref_squeeze %dma_start3A_1108 : memref<1x1x128xi32, #tpu.memory_space<vmem>> -> memref<128xi32, #tpu.memory_space<vmem>>
      %dma_start3A_1110 = tpu.memref_slice %arg3[%add3A_45] : memref<16384xi32, #tpu.memory_space<hbm>> -> memref<128xi32, #tpu.memory_space<hbm>>
      tpu.enqueue_dma source(%dma_start3A_1110 : memref<128xi32, #tpu.memory_space<hbm>>) target(%dma_start3A_1109 : memref<128xi32, #tpu.memory_space<vmem>>) target_semaphore(%run_scoped3A_1102 : memref<!tpu.dma_semaphore, #tpu.memory_space<semaphore_mem>>)
      %dma_wait3A_1111 = arith.constant 0 : i32
      %dma_wait3A_1112 = tpu.memref_slice %arg11[%run_scoped3A_46, %run_scoped3A_47, %dma_wait3A_1111] : memref<4x4x128xi32, #tpu.memory_space<vmem>> -> memref<1x1x128xi32, #tpu.memory_space<vmem>>
      %dma_wait3A_1113 = tpu.memref_squeeze %dma_wait3A_1112 : memref<1x1x128xi32, #tpu.memory_space<vmem>> -> memref<128xi32, #tpu.memory_space<vmem>>
      %dma_wait3A_1114 = tpu.memref_slice %arg3[%add3A_45] : memref<16384xi32, #tpu.memory_space<hbm>> -> memref<128xi32, #tpu.memory_space<hbm>>
      %dma_wait3A_1115 = arith.constant 0 : i32
      %dma_wait3A_1116 = tpu.memref_slice %arg11[%run_scoped3A_46, %run_scoped3A_47, %dma_wait3A_1115] : memref<4x4x128xi32, #tpu.memory_space<vmem>> -> memref<1x1x128xi32, #tpu.memory_space<vmem>>
      %dma_wait3A_1117 = tpu.memref_squeeze %dma_wait3A_1116 : memref<1x1x128xi32, #tpu.memory_space<vmem>> -> memref<128xi32, #tpu.memory_space<vmem>>
      %dma_wait3A_1118 = tpu.memref_slice %arg3[%add3A_45] : memref<16384xi32, #tpu.memory_space<hbm>> -> memref<128xi32, #tpu.memory_space<hbm>>
      tpu.wait_dma2 semaphore(%run_scoped3A_1102 : memref<!tpu.dma_semaphore, #tpu.memory_space<semaphore_mem>>) src(%dma_wait3A_1118 : memref<128xi32, #tpu.memory_space<hbm>>) dst(%dma_wait3A_1117 : memref<128xi32, #tpu.memory_space<vmem>>)
      tpu.yield
    }) : () -> ()
    %mul3A_48 = arith.constant 512 : i32
    %mul3A_49 = arith.muli %add3A, %mul3A_48 : i32
    %add3A_50 = arith.constant 0 : i32
    %add3A_51 = arith.addi %mul3A_49, %add3A_50 : i32
    %run_scoped3A_52 = arith.constant 2 : i32
    %run_scoped3A_53 = arith.constant 0 : i32
    "tpu.region"() ({
      %run_scoped3A_1102 = tpu.sem_alloc : memref<!tpu.dma_semaphore, #tpu.memory_space<semaphore_mem>>
      %dma_start3A_1103 = arith.constant 0 : i32
      %dma_start3A_1104 = tpu.memref_slice %arg11[%run_scoped3A_52, %run_scoped3A_53, %dma_start3A_1103] : memref<4x4x128xi32, #tpu.memory_space<vmem>> -> memref<1x1x128xi32, #tpu.memory_space<vmem>>
      %dma_start3A_1105 = tpu.memref_squeeze %dma_start3A_1104 : memref<1x1x128xi32, #tpu.memory_space<vmem>> -> memref<128xi32, #tpu.memory_space<vmem>>
      %dma_start3A_1106 = tpu.memref_slice %arg4[%add3A_51] : memref<16384xi32, #tpu.memory_space<hbm>> -> memref<128xi32, #tpu.memory_space<hbm>>
      %dma_start3A_1107 = arith.constant 0 : i32
      %dma_start3A_1108 = tpu.memref_slice %arg11[%run_scoped3A_52, %run_scoped3A_53, %dma_start3A_1107] : memref<4x4x128xi32, #tpu.memory_space<vmem>> -> memref<1x1x128xi32, #tpu.memory_space<vmem>>
      %dma_start3A_1109 = tpu.memref_squeeze %dma_start3A_1108 : memref<1x1x128xi32, #tpu.memory_space<vmem>> -> memref<128xi32, #tpu.memory_space<vmem>>
      %dma_start3A_1110 = tpu.memref_slice %arg4[%add3A_51] : memref<16384xi32, #tpu.memory_space<hbm>> -> memref<128xi32, #tpu.memory_space<hbm>>
      tpu.enqueue_dma source(%dma_start3A_1110 : memref<128xi32, #tpu.memory_space<hbm>>) target(%dma_start3A_1109 : memref<128xi32, #tpu.memory_space<vmem>>) target_semaphore(%run_scoped3A_1102 : memref<!tpu.dma_semaphore, #tpu.memory_space<semaphore_mem>>)
      %dma_wait3A_1111 = arith.constant 0 : i32
      %dma_wait3A_1112 = tpu.memref_slice %arg11[%run_scoped3A_52, %run_scoped3A_53, %dma_wait3A_1111] : memref<4x4x128xi32, #tpu.memory_space<vmem>> -> memref<1x1x128xi32, #tpu.memory_space<vmem>>
      %dma_wait3A_1113 = tpu.memref_squeeze %dma_wait3A_1112 : memref<1x1x128xi32, #tpu.memory_space<vmem>> -> memref<128xi32, #tpu.memory_space<vmem>>
      %dma_wait3A_1114 = tpu.memref_slice %arg4[%add3A_51] : memref<16384xi32, #tpu.memory_space<hbm>> -> memref<128xi32, #tpu.memory_space<hbm>>
      %dma_wait3A_1115 = arith.constant 0 : i32
      %dma_wait3A_1116 = tpu.memref_slice %arg11[%run_scoped3A_52, %run_scoped3A_53, %dma_wait3A_1115] : memref<4x4x128xi32, #tpu.memory_space<vmem>> -> memref<1x1x128xi32, #tpu.memory_space<vmem>>
      %dma_wait3A_1117 = tpu.memref_squeeze %dma_wait3A_1116 : memref<1x1x128xi32, #tpu.memory_space<vmem>> -> memref<128xi32, #tpu.memory_space<vmem>>
      %dma_wait3A_1118 = tpu.memref_slice %arg4[%add3A_51] : memref<16384xi32, #tpu.memory_space<hbm>> -> memref<128xi32, #tpu.memory_space<hbm>>
      tpu.wait_dma2 semaphore(%run_scoped3A_1102 : memref<!tpu.dma_semaphore, #tpu.memory_space<semaphore_mem>>) src(%dma_wait3A_1118 : memref<128xi32, #tpu.memory_space<hbm>>) dst(%dma_wait3A_1117 : memref<128xi32, #tpu.memory_space<vmem>>)
      tpu.yield
    }) : () -> ()
    %mul3A_54 = arith.constant 512 : i32
    %mul3A_55 = arith.muli %add3A, %mul3A_54 : i32
    %add3A_56 = arith.constant 128 : i32
    %add3A_57 = arith.addi %mul3A_55, %add3A_56 : i32
    %run_scoped3A_58 = arith.constant 2 : i32
    %run_scoped3A_59 = arith.constant 1 : i32
    "tpu.region"() ({
      %run_scoped3A_1102 = tpu.sem_alloc : memref<!tpu.dma_semaphore, #tpu.memory_space<semaphore_mem>>
      %dma_start3A_1103 = arith.constant 0 : i32
      %dma_start3A_1104 = tpu.memref_slice %arg11[%run_scoped3A_58, %run_scoped3A_59, %dma_start3A_1103] : memref<4x4x128xi32, #tpu.memory_space<vmem>> -> memref<1x1x128xi32, #tpu.memory_space<vmem>>
      %dma_start3A_1105 = tpu.memref_squeeze %dma_start3A_1104 : memref<1x1x128xi32, #tpu.memory_space<vmem>> -> memref<128xi32, #tpu.memory_space<vmem>>
      %dma_start3A_1106 = tpu.memref_slice %arg4[%add3A_57] : memref<16384xi32, #tpu.memory_space<hbm>> -> memref<128xi32, #tpu.memory_space<hbm>>
      %dma_start3A_1107 = arith.constant 0 : i32
      %dma_start3A_1108 = tpu.memref_slice %arg11[%run_scoped3A_58, %run_scoped3A_59, %dma_start3A_1107] : memref<4x4x128xi32, #tpu.memory_space<vmem>> -> memref<1x1x128xi32, #tpu.memory_space<vmem>>
      %dma_start3A_1109 = tpu.memref_squeeze %dma_start3A_1108 : memref<1x1x128xi32, #tpu.memory_space<vmem>> -> memref<128xi32, #tpu.memory_space<vmem>>
      %dma_start3A_1110 = tpu.memref_slice %arg4[%add3A_57] : memref<16384xi32, #tpu.memory_space<hbm>> -> memref<128xi32, #tpu.memory_space<hbm>>
      tpu.enqueue_dma source(%dma_start3A_1110 : memref<128xi32, #tpu.memory_space<hbm>>) target(%dma_start3A_1109 : memref<128xi32, #tpu.memory_space<vmem>>) target_semaphore(%run_scoped3A_1102 : memref<!tpu.dma_semaphore, #tpu.memory_space<semaphore_mem>>)
      %dma_wait3A_1111 = arith.constant 0 : i32
      %dma_wait3A_1112 = tpu.memref_slice %arg11[%run_scoped3A_58, %run_scoped3A_59, %dma_wait3A_1111] : memref<4x4x128xi32, #tpu.memory_space<vmem>> -> memref<1x1x128xi32, #tpu.memory_space<vmem>>
      %dma_wait3A_1113 = tpu.memref_squeeze %dma_wait3A_1112 : memref<1x1x128xi32, #tpu.memory_space<vmem>> -> memref<128xi32, #tpu.memory_space<vmem>>
      %dma_wait3A_1114 = tpu.memref_slice %arg4[%add3A_57] : memref<16384xi32, #tpu.memory_space<hbm>> -> memref<128xi32, #tpu.memory_space<hbm>>
      %dma_wait3A_1115 = arith.constant 0 : i32
      %dma_wait3A_1116 = tpu.memref_slice %arg11[%run_scoped3A_58, %run_scoped3A_59, %dma_wait3A_1115] : memref<4x4x128xi32, #tpu.memory_space<vmem>> -> memref<1x1x128xi32, #tpu.memory_space<vmem>>
      %dma_wait3A_1117 = tpu.memref_squeeze %dma_wait3A_1116 : memref<1x1x128xi32, #tpu.memory_space<vmem>> -> memref<128xi32, #tpu.memory_space<vmem>>
      %dma_wait3A_1118 = tpu.memref_slice %arg4[%add3A_57] : memref<16384xi32, #tpu.memory_space<hbm>> -> memref<128xi32, #tpu.memory_space<hbm>>
      tpu.wait_dma2 semaphore(%run_scoped3A_1102 : memref<!tpu.dma_semaphore, #tpu.memory_space<semaphore_mem>>) src(%dma_wait3A_1118 : memref<128xi32, #tpu.memory_space<hbm>>) dst(%dma_wait3A_1117 : memref<128xi32, #tpu.memory_space<vmem>>)
      tpu.yield
    }) : () -> ()
    %mul3A_60 = arith.constant 512 : i32
    %mul3A_61 = arith.muli %add3A, %mul3A_60 : i32
    %add3A_62 = arith.constant 256 : i32
    %add3A_63 = arith.addi %mul3A_61, %add3A_62 : i32
    %run_scoped3A_64 = arith.constant 2 : i32
    %run_scoped3A_65 = arith.constant 2 : i32
    "tpu.region"() ({
      %run_scoped3A_1102 = tpu.sem_alloc : memref<!tpu.dma_semaphore, #tpu.memory_space<semaphore_mem>>
      %dma_start3A_1103 = arith.constant 0 : i32
      %dma_start3A_1104 = tpu.memref_slice %arg11[%run_scoped3A_64, %run_scoped3A_65, %dma_start3A_1103] : memref<4x4x128xi32, #tpu.memory_space<vmem>> -> memref<1x1x128xi32, #tpu.memory_space<vmem>>
      %dma_start3A_1105 = tpu.memref_squeeze %dma_start3A_1104 : memref<1x1x128xi32, #tpu.memory_space<vmem>> -> memref<128xi32, #tpu.memory_space<vmem>>
      %dma_start3A_1106 = tpu.memref_slice %arg4[%add3A_63] : memref<16384xi32, #tpu.memory_space<hbm>> -> memref<128xi32, #tpu.memory_space<hbm>>
      %dma_start3A_1107 = arith.constant 0 : i32
      %dma_start3A_1108 = tpu.memref_slice %arg11[%run_scoped3A_64, %run_scoped3A_65, %dma_start3A_1107] : memref<4x4x128xi32, #tpu.memory_space<vmem>> -> memref<1x1x128xi32, #tpu.memory_space<vmem>>
      %dma_start3A_1109 = tpu.memref_squeeze %dma_start3A_1108 : memref<1x1x128xi32, #tpu.memory_space<vmem>> -> memref<128xi32, #tpu.memory_space<vmem>>
      %dma_start3A_1110 = tpu.memref_slice %arg4[%add3A_63] : memref<16384xi32, #tpu.memory_space<hbm>> -> memref<128xi32, #tpu.memory_space<hbm>>
      tpu.enqueue_dma source(%dma_start3A_1110 : memref<128xi32, #tpu.memory_space<hbm>>) target(%dma_start3A_1109 : memref<128xi32, #tpu.memory_space<vmem>>) target_semaphore(%run_scoped3A_1102 : memref<!tpu.dma_semaphore, #tpu.memory_space<semaphore_mem>>)
      %dma_wait3A_1111 = arith.constant 0 : i32
      %dma_wait3A_1112 = tpu.memref_slice %arg11[%run_scoped3A_64, %run_scoped3A_65, %dma_wait3A_1111] : memref<4x4x128xi32, #tpu.memory_space<vmem>> -> memref<1x1x128xi32, #tpu.memory_space<vmem>>
      %dma_wait3A_1113 = tpu.memref_squeeze %dma_wait3A_1112 : memref<1x1x128xi32, #tpu.memory_space<vmem>> -> memref<128xi32, #tpu.memory_space<vmem>>
      %dma_wait3A_1114 = tpu.memref_slice %arg4[%add3A_63] : memref<16384xi32, #tpu.memory_space<hbm>> -> memref<128xi32, #tpu.memory_space<hbm>>
      %dma_wait3A_1115 = arith.constant 0 : i32
      %dma_wait3A_1116 = tpu.memref_slice %arg11[%run_scoped3A_64, %run_scoped3A_65, %dma_wait3A_1115] : memref<4x4x128xi32, #tpu.memory_space<vmem>> -> memref<1x1x128xi32, #tpu.memory_space<vmem>>
      %dma_wait3A_1117 = tpu.memref_squeeze %dma_wait3A_1116 : memref<1x1x128xi32, #tpu.memory_space<vmem>> -> memref<128xi32, #tpu.memory_space<vmem>>
      %dma_wait3A_1118 = tpu.memref_slice %arg4[%add3A_63] : memref<16384xi32, #tpu.memory_space<hbm>> -> memref<128xi32, #tpu.memory_space<hbm>>
      tpu.wait_dma2 semaphore(%run_scoped3A_1102 : memref<!tpu.dma_semaphore, #tpu.memory_space<semaphore_mem>>) src(%dma_wait3A_1118 : memref<128xi32, #tpu.memory_space<hbm>>) dst(%dma_wait3A_1117 : memref<128xi32, #tpu.memory_space<vmem>>)
      tpu.yield
    }) : () -> ()
    %mul3A_66 = arith.constant 512 : i32
    %mul3A_67 = arith.muli %add3A, %mul3A_66 : i32
    %add3A_68 = arith.constant 384 : i32
    %add3A_69 = arith.addi %mul3A_67, %add3A_68 : i32
    %run_scoped3A_70 = arith.constant 2 : i32
    %run_scoped3A_71 = arith.constant 3 : i32
    "tpu.region"() ({
      %run_scoped3A_1102 = tpu.sem_alloc : memref<!tpu.dma_semaphore, #tpu.memory_space<semaphore_mem>>
      %dma_start3A_1103 = arith.constant 0 : i32
      %dma_start3A_1104 = tpu.memref_slice %arg11[%run_scoped3A_70, %run_scoped3A_71, %dma_start3A_1103] : memref<4x4x128xi32, #tpu.memory_space<vmem>> -> memref<1x1x128xi32, #tpu.memory_space<vmem>>
      %dma_start3A_1105 = tpu.memref_squeeze %dma_start3A_1104 : memref<1x1x128xi32, #tpu.memory_space<vmem>> -> memref<128xi32, #tpu.memory_space<vmem>>
      %dma_start3A_1106 = tpu.memref_slice %arg4[%add3A_69] : memref<16384xi32, #tpu.memory_space<hbm>> -> memref<128xi32, #tpu.memory_space<hbm>>
      %dma_start3A_1107 = arith.constant 0 : i32
      %dma_start3A_1108 = tpu.memref_slice %arg11[%run_scoped3A_70, %run_scoped3A_71, %dma_start3A_1107] : memref<4x4x128xi32, #tpu.memory_space<vmem>> -> memref<1x1x128xi32, #tpu.memory_space<vmem>>
      %dma_start3A_1109 = tpu.memref_squeeze %dma_start3A_1108 : memref<1x1x128xi32, #tpu.memory_space<vmem>> -> memref<128xi32, #tpu.memory_space<vmem>>
      %dma_start3A_1110 = tpu.memref_slice %arg4[%add3A_69] : memref<16384xi32, #tpu.memory_space<hbm>> -> memref<128xi32, #tpu.memory_space<hbm>>
      tpu.enqueue_dma source(%dma_start3A_1110 : memref<128xi32, #tpu.memory_space<hbm>>) target(%dma_start3A_1109 : memref<128xi32, #tpu.memory_space<vmem>>) target_semaphore(%run_scoped3A_1102 : memref<!tpu.dma_semaphore, #tpu.memory_space<semaphore_mem>>)
      %dma_wait3A_1111 = arith.constant 0 : i32
      %dma_wait3A_1112 = tpu.memref_slice %arg11[%run_scoped3A_70, %run_scoped3A_71, %dma_wait3A_1111] : memref<4x4x128xi32, #tpu.memory_space<vmem>> -> memref<1x1x128xi32, #tpu.memory_space<vmem>>
      %dma_wait3A_1113 = tpu.memref_squeeze %dma_wait3A_1112 : memref<1x1x128xi32, #tpu.memory_space<vmem>> -> memref<128xi32, #tpu.memory_space<vmem>>
      %dma_wait3A_1114 = tpu.memref_slice %arg4[%add3A_69] : memref<16384xi32, #tpu.memory_space<hbm>> -> memref<128xi32, #tpu.memory_space<hbm>>
      %dma_wait3A_1115 = arith.constant 0 : i32
      %dma_wait3A_1116 = tpu.memref_slice %arg11[%run_scoped3A_70, %run_scoped3A_71, %dma_wait3A_1115] : memref<4x4x128xi32, #tpu.memory_space<vmem>> -> memref<1x1x128xi32, #tpu.memory_space<vmem>>
      %dma_wait3A_1117 = tpu.memref_squeeze %dma_wait3A_1116 : memref<1x1x128xi32, #tpu.memory_space<vmem>> -> memref<128xi32, #tpu.memory_space<vmem>>
      %dma_wait3A_1118 = tpu.memref_slice %arg4[%add3A_69] : memref<16384xi32, #tpu.memory_space<hbm>> -> memref<128xi32, #tpu.memory_space<hbm>>
      tpu.wait_dma2 semaphore(%run_scoped3A_1102 : memref<!tpu.dma_semaphore, #tpu.memory_space<semaphore_mem>>) src(%dma_wait3A_1118 : memref<128xi32, #tpu.memory_space<hbm>>) dst(%dma_wait3A_1117 : memref<128xi32, #tpu.memory_space<vmem>>)
      tpu.yield
    }) : () -> ()
    %mul3A_72 = arith.constant 512 : i32
    %mul3A_73 = arith.muli %add3A, %mul3A_72 : i32
    %add3A_74 = arith.constant 0 : i32
    %add3A_75 = arith.addi %mul3A_73, %add3A_74 : i32
    %run_scoped3A_76 = arith.constant 3 : i32
    %run_scoped3A_77 = arith.constant 0 : i32
    "tpu.region"() ({
      %run_scoped3A_1102 = tpu.sem_alloc : memref<!tpu.dma_semaphore, #tpu.memory_space<semaphore_mem>>
      %dma_start3A_1103 = arith.constant 0 : i32
      %dma_start3A_1104 = tpu.memref_slice %arg11[%run_scoped3A_76, %run_scoped3A_77, %dma_start3A_1103] : memref<4x4x128xi32, #tpu.memory_space<vmem>> -> memref<1x1x128xi32, #tpu.memory_space<vmem>>
      %dma_start3A_1105 = tpu.memref_squeeze %dma_start3A_1104 : memref<1x1x128xi32, #tpu.memory_space<vmem>> -> memref<128xi32, #tpu.memory_space<vmem>>
      %dma_start3A_1106 = tpu.memref_slice %arg5[%add3A_75] : memref<16384xi32, #tpu.memory_space<hbm>> -> memref<128xi32, #tpu.memory_space<hbm>>
      %dma_start3A_1107 = arith.constant 0 : i32
      %dma_start3A_1108 = tpu.memref_slice %arg11[%run_scoped3A_76, %run_scoped3A_77, %dma_start3A_1107] : memref<4x4x128xi32, #tpu.memory_space<vmem>> -> memref<1x1x128xi32, #tpu.memory_space<vmem>>
      %dma_start3A_1109 = tpu.memref_squeeze %dma_start3A_1108 : memref<1x1x128xi32, #tpu.memory_space<vmem>> -> memref<128xi32, #tpu.memory_space<vmem>>
      %dma_start3A_1110 = tpu.memref_slice %arg5[%add3A_75] : memref<16384xi32, #tpu.memory_space<hbm>> -> memref<128xi32, #tpu.memory_space<hbm>>
      tpu.enqueue_dma source(%dma_start3A_1110 : memref<128xi32, #tpu.memory_space<hbm>>) target(%dma_start3A_1109 : memref<128xi32, #tpu.memory_space<vmem>>) target_semaphore(%run_scoped3A_1102 : memref<!tpu.dma_semaphore, #tpu.memory_space<semaphore_mem>>)
      %dma_wait3A_1111 = arith.constant 0 : i32
      %dma_wait3A_1112 = tpu.memref_slice %arg11[%run_scoped3A_76, %run_scoped3A_77, %dma_wait3A_1111] : memref<4x4x128xi32, #tpu.memory_space<vmem>> -> memref<1x1x128xi32, #tpu.memory_space<vmem>>
      %dma_wait3A_1113 = tpu.memref_squeeze %dma_wait3A_1112 : memref<1x1x128xi32, #tpu.memory_space<vmem>> -> memref<128xi32, #tpu.memory_space<vmem>>
      %dma_wait3A_1114 = tpu.memref_slice %arg5[%add3A_75] : memref<16384xi32, #tpu.memory_space<hbm>> -> memref<128xi32, #tpu.memory_space<hbm>>
      %dma_wait3A_1115 = arith.constant 0 : i32
      %dma_wait3A_1116 = tpu.memref_slice %arg11[%run_scoped3A_76, %run_scoped3A_77, %dma_wait3A_1115] : memref<4x4x128xi32, #tpu.memory_space<vmem>> -> memref<1x1x128xi32, #tpu.memory_space<vmem>>
      %dma_wait3A_1117 = tpu.memref_squeeze %dma_wait3A_1116 : memref<1x1x128xi32, #tpu.memory_space<vmem>> -> memref<128xi32, #tpu.memory_space<vmem>>
      %dma_wait3A_1118 = tpu.memref_slice %arg5[%add3A_75] : memref<16384xi32, #tpu.memory_space<hbm>> -> memref<128xi32, #tpu.memory_space<hbm>>
      tpu.wait_dma2 semaphore(%run_scoped3A_1102 : memref<!tpu.dma_semaphore, #tpu.memory_space<semaphore_mem>>) src(%dma_wait3A_1118 : memref<128xi32, #tpu.memory_space<hbm>>) dst(%dma_wait3A_1117 : memref<128xi32, #tpu.memory_space<vmem>>)
      tpu.yield
    }) : () -> ()
    %mul3A_78 = arith.constant 512 : i32
    %mul3A_79 = arith.muli %add3A, %mul3A_78 : i32
    %add3A_80 = arith.constant 128 : i32
    %add3A_81 = arith.addi %mul3A_79, %add3A_80 : i32
    %run_scoped3A_82 = arith.constant 3 : i32
    %run_scoped3A_83 = arith.constant 1 : i32
    "tpu.region"() ({
      %run_scoped3A_1102 = tpu.sem_alloc : memref<!tpu.dma_semaphore, #tpu.memory_space<semaphore_mem>>
      %dma_start3A_1103 = arith.constant 0 : i32
      %dma_start3A_1104 = tpu.memref_slice %arg11[%run_scoped3A_82, %run_scoped3A_83, %dma_start3A_1103] : memref<4x4x128xi32, #tpu.memory_space<vmem>> -> memref<1x1x128xi32, #tpu.memory_space<vmem>>
      %dma_start3A_1105 = tpu.memref_squeeze %dma_start3A_1104 : memref<1x1x128xi32, #tpu.memory_space<vmem>> -> memref<128xi32, #tpu.memory_space<vmem>>
      %dma_start3A_1106 = tpu.memref_slice %arg5[%add3A_81] : memref<16384xi32, #tpu.memory_space<hbm>> -> memref<128xi32, #tpu.memory_space<hbm>>
      %dma_start3A_1107 = arith.constant 0 : i32
      %dma_start3A_1108 = tpu.memref_slice %arg11[%run_scoped3A_82, %run_scoped3A_83, %dma_start3A_1107] : memref<4x4x128xi32, #tpu.memory_space<vmem>> -> memref<1x1x128xi32, #tpu.memory_space<vmem>>
      %dma_start3A_1109 = tpu.memref_squeeze %dma_start3A_1108 : memref<1x1x128xi32, #tpu.memory_space<vmem>> -> memref<128xi32, #tpu.memory_space<vmem>>
      %dma_start3A_1110 = tpu.memref_slice %arg5[%add3A_81] : memref<16384xi32, #tpu.memory_space<hbm>> -> memref<128xi32, #tpu.memory_space<hbm>>
      tpu.enqueue_dma source(%dma_start3A_1110 : memref<128xi32, #tpu.memory_space<hbm>>) target(%dma_start3A_1109 : memref<128xi32, #tpu.memory_space<vmem>>) target_semaphore(%run_scoped3A_1102 : memref<!tpu.dma_semaphore, #tpu.memory_space<semaphore_mem>>)
      %dma_wait3A_1111 = arith.constant 0 : i32
      %dma_wait3A_1112 = tpu.memref_slice %arg11[%run_scoped3A_82, %run_scoped3A_83, %dma_wait3A_1111] : memref<4x4x128xi32, #tpu.memory_space<vmem>> -> memref<1x1x128xi32, #tpu.memory_space<vmem>>
      %dma_wait3A_1113 = tpu.memref_squeeze %dma_wait3A_1112 : memref<1x1x128xi32, #tpu.memory_space<vmem>> -> memref<128xi32, #tpu.memory_space<vmem>>
      %dma_wait3A_1114 = tpu.memref_slice %arg5[%add3A_81] : memref<16384xi32, #tpu.memory_space<hbm>> -> memref<128xi32, #tpu.memory_space<hbm>>
      %dma_wait3A_1115 = arith.constant 0 : i32
      %dma_wait3A_1116 = tpu.memref_slice %arg11[%run_scoped3A_82, %run_scoped3A_83, %dma_wait3A_1115] : memref<4x4x128xi32, #tpu.memory_space<vmem>> -> memref<1x1x128xi32, #tpu.memory_space<vmem>>
      %dma_wait3A_1117 = tpu.memref_squeeze %dma_wait3A_1116 : memref<1x1x128xi32, #tpu.memory_space<vmem>> -> memref<128xi32, #tpu.memory_space<vmem>>
      %dma_wait3A_1118 = tpu.memref_slice %arg5[%add3A_81] : memref<16384xi32, #tpu.memory_space<hbm>> -> memref<128xi32, #tpu.memory_space<hbm>>
      tpu.wait_dma2 semaphore(%run_scoped3A_1102 : memref<!tpu.dma_semaphore, #tpu.memory_space<semaphore_mem>>) src(%dma_wait3A_1118 : memref<128xi32, #tpu.memory_space<hbm>>) dst(%dma_wait3A_1117 : memref<128xi32, #tpu.memory_space<vmem>>)
      tpu.yield
    }) : () -> ()
    %mul3A_84 = arith.constant 512 : i32
    %mul3A_85 = arith.muli %add3A, %mul3A_84 : i32
    %add3A_86 = arith.constant 256 : i32
    %add3A_87 = arith.addi %mul3A_85, %add3A_86 : i32
    %run_scoped3A_88 = arith.constant 3 : i32
    %run_scoped3A_89 = arith.constant 2 : i32
    "tpu.region"() ({
      %run_scoped3A_1102 = tpu.sem_alloc : memref<!tpu.dma_semaphore, #tpu.memory_space<semaphore_mem>>
      %dma_start3A_1103 = arith.constant 0 : i32
      %dma_start3A_1104 = tpu.memref_slice %arg11[%run_scoped3A_88, %run_scoped3A_89, %dma_start3A_1103] : memref<4x4x128xi32, #tpu.memory_space<vmem>> -> memref<1x1x128xi32, #tpu.memory_space<vmem>>
      %dma_start3A_1105 = tpu.memref_squeeze %dma_start3A_1104 : memref<1x1x128xi32, #tpu.memory_space<vmem>> -> memref<128xi32, #tpu.memory_space<vmem>>
      %dma_start3A_1106 = tpu.memref_slice %arg5[%add3A_87] : memref<16384xi32, #tpu.memory_space<hbm>> -> memref<128xi32, #tpu.memory_space<hbm>>
      %dma_start3A_1107 = arith.constant 0 : i32
      %dma_start3A_1108 = tpu.memref_slice %arg11[%run_scoped3A_88, %run_scoped3A_89, %dma_start3A_1107] : memref<4x4x128xi32, #tpu.memory_space<vmem>> -> memref<1x1x128xi32, #tpu.memory_space<vmem>>
      %dma_start3A_1109 = tpu.memref_squeeze %dma_start3A_1108 : memref<1x1x128xi32, #tpu.memory_space<vmem>> -> memref<128xi32, #tpu.memory_space<vmem>>
      %dma_start3A_1110 = tpu.memref_slice %arg5[%add3A_87] : memref<16384xi32, #tpu.memory_space<hbm>> -> memref<128xi32, #tpu.memory_space<hbm>>
      tpu.enqueue_dma source(%dma_start3A_1110 : memref<128xi32, #tpu.memory_space<hbm>>) target(%dma_start3A_1109 : memref<128xi32, #tpu.memory_space<vmem>>) target_semaphore(%run_scoped3A_1102 : memref<!tpu.dma_semaphore, #tpu.memory_space<semaphore_mem>>)
      %dma_wait3A_1111 = arith.constant 0 : i32
      %dma_wait3A_1112 = tpu.memref_slice %arg11[%run_scoped3A_88, %run_scoped3A_89, %dma_wait3A_1111] : memref<4x4x128xi32, #tpu.memory_space<vmem>> -> memref<1x1x128xi32, #tpu.memory_space<vmem>>
      %dma_wait3A_1113 = tpu.memref_squeeze %dma_wait3A_1112 : memref<1x1x128xi32, #tpu.memory_space<vmem>> -> memref<128xi32, #tpu.memory_space<vmem>>
      %dma_wait3A_1114 = tpu.memref_slice %arg5[%add3A_87] : memref<16384xi32, #tpu.memory_space<hbm>> -> memref<128xi32, #tpu.memory_space<hbm>>
      %dma_wait3A_1115 = arith.constant 0 : i32
      %dma_wait3A_1116 = tpu.memref_slice %arg11[%run_scoped3A_88, %run_scoped3A_89, %dma_wait3A_1115] : memref<4x4x128xi32, #tpu.memory_space<vmem>> -> memref<1x1x128xi32, #tpu.memory_space<vmem>>
      %dma_wait3A_1117 = tpu.memref_squeeze %dma_wait3A_1116 : memref<1x1x128xi32, #tpu.memory_space<vmem>> -> memref<128xi32, #tpu.memory_space<vmem>>
      %dma_wait3A_1118 = tpu.memref_slice %arg5[%add3A_87] : memref<16384xi32, #tpu.memory_space<hbm>> -> memref<128xi32, #tpu.memory_space<hbm>>
      tpu.wait_dma2 semaphore(%run_scoped3A_1102 : memref<!tpu.dma_semaphore, #tpu.memory_space<semaphore_mem>>) src(%dma_wait3A_1118 : memref<128xi32, #tpu.memory_space<hbm>>) dst(%dma_wait3A_1117 : memref<128xi32, #tpu.memory_space<vmem>>)
      tpu.yield
    }) : () -> ()
    %mul3A_90 = arith.constant 512 : i32
    %mul3A_91 = arith.muli %add3A, %mul3A_90 : i32
    %add3A_92 = arith.constant 384 : i32
    %add3A_93 = arith.addi %mul3A_91, %add3A_92 : i32
    %run_scoped3A_94 = arith.constant 3 : i32
    %run_scoped3A_95 = arith.constant 3 : i32
    "tpu.region"() ({
      %run_scoped3A_1102 = tpu.sem_alloc : memref<!tpu.dma_semaphore, #tpu.memory_space<semaphore_mem>>
      %dma_start3A_1103 = arith.constant 0 : i32
      %dma_start3A_1104 = tpu.memref_slice %arg11[%run_scoped3A_94, %run_scoped3A_95, %dma_start3A_1103] : memref<4x4x128xi32, #tpu.memory_space<vmem>> -> memref<1x1x128xi32, #tpu.memory_space<vmem>>
      %dma_start3A_1105 = tpu.memref_squeeze %dma_start3A_1104 : memref<1x1x128xi32, #tpu.memory_space<vmem>> -> memref<128xi32, #tpu.memory_space<vmem>>
      %dma_start3A_1106 = tpu.memref_slice %arg5[%add3A_93] : memref<16384xi32, #tpu.memory_space<hbm>> -> memref<128xi32, #tpu.memory_space<hbm>>
      %dma_start3A_1107 = arith.constant 0 : i32
      %dma_start3A_1108 = tpu.memref_slice %arg11[%run_scoped3A_94, %run_scoped3A_95, %dma_start3A_1107] : memref<4x4x128xi32, #tpu.memory_space<vmem>> -> memref<1x1x128xi32, #tpu.memory_space<vmem>>
      %dma_start3A_1109 = tpu.memref_squeeze %dma_start3A_1108 : memref<1x1x128xi32, #tpu.memory_space<vmem>> -> memref<128xi32, #tpu.memory_space<vmem>>
      %dma_start3A_1110 = tpu.memref_slice %arg5[%add3A_93] : memref<16384xi32, #tpu.memory_space<hbm>> -> memref<128xi32, #tpu.memory_space<hbm>>
      tpu.enqueue_dma source(%dma_start3A_1110 : memref<128xi32, #tpu.memory_space<hbm>>) target(%dma_start3A_1109 : memref<128xi32, #tpu.memory_space<vmem>>) target_semaphore(%run_scoped3A_1102 : memref<!tpu.dma_semaphore, #tpu.memory_space<semaphore_mem>>)
      %dma_wait3A_1111 = arith.constant 0 : i32
      %dma_wait3A_1112 = tpu.memref_slice %arg11[%run_scoped3A_94, %run_scoped3A_95, %dma_wait3A_1111] : memref<4x4x128xi32, #tpu.memory_space<vmem>> -> memref<1x1x128xi32, #tpu.memory_space<vmem>>
      %dma_wait3A_1113 = tpu.memref_squeeze %dma_wait3A_1112 : memref<1x1x128xi32, #tpu.memory_space<vmem>> -> memref<128xi32, #tpu.memory_space<vmem>>
      %dma_wait3A_1114 = tpu.memref_slice %arg5[%add3A_93] : memref<16384xi32, #tpu.memory_space<hbm>> -> memref<128xi32, #tpu.memory_space<hbm>>
      %dma_wait3A_1115 = arith.constant 0 : i32
      %dma_wait3A_1116 = tpu.memref_slice %arg11[%run_scoped3A_94, %run_scoped3A_95, %dma_wait3A_1115] : memref<4x4x128xi32, #tpu.memory_space<vmem>> -> memref<1x1x128xi32, #tpu.memory_space<vmem>>
      %dma_wait3A_1117 = tpu.memref_squeeze %dma_wait3A_1116 : memref<1x1x128xi32, #tpu.memory_space<vmem>> -> memref<128xi32, #tpu.memory_space<vmem>>
      %dma_wait3A_1118 = tpu.memref_slice %arg5[%add3A_93] : memref<16384xi32, #tpu.memory_space<hbm>> -> memref<128xi32, #tpu.memory_space<hbm>>
      tpu.wait_dma2 semaphore(%run_scoped3A_1102 : memref<!tpu.dma_semaphore, #tpu.memory_space<semaphore_mem>>) src(%dma_wait3A_1118 : memref<128xi32, #tpu.memory_space<hbm>>) dst(%dma_wait3A_1117 : memref<128xi32, #tpu.memory_space<vmem>>)
      tpu.yield
    }) : () -> ()
    %dma_start3A = arith.constant 0 : i32
    %dma_start3A_96 = arith.constant 0 : i32
    %dma_start3A_97 = arith.constant 0 : i32
    %dma_start3A_98 = arith.constant 0 : i32
    %dma_start3A_99 = arith.constant 0 : i32
    %dma_start3A_100 = arith.constant 0 : i32
    %dma_start3A_101 = tpu.memref_slice %arg12[%dma_start3A_97, %dma_start3A_98, %dma_start3A_99, %dma_start3A_100] : memref<3x4x128x64xf32, #tpu.memory_space<vmem>> -> memref<1x1x128x64xf32, #tpu.memory_space<vmem>>
    %dma_start3A_102 = tpu.memref_squeeze %dma_start3A_101 : memref<1x1x128x64xf32, #tpu.memory_space<vmem>> -> memref<128x64xf32, #tpu.memory_space<vmem>>
    %dma_start3A_103 = arith.constant 0 : i32
    %dma_start3A_104 = tpu.memref_slice %arg11[%dma_start3A, %dma_start3A_96, %dma_start3A_103] : memref<4x4x128xi32, #tpu.memory_space<vmem>> -> memref<1x1x128xi32, #tpu.memory_space<vmem>>
    %dma_start3A_105 = tpu.memref_squeeze %dma_start3A_104 : memref<1x1x128xi32, #tpu.memory_space<vmem>> -> memref<128xi32, #tpu.memory_space<vmem>>
    %dma_start3A_106 = arith.constant 0 : i32
    %dma_start3A_107 = arith.constant 0 : i32
    %dma_start3A_108 = tpu.memref_slice %arg6[%dma_start3A_106, %dma_start3A_107] : memref<1000000x64xf32, #tpu.memory_space<hbm>> -> memref<1000000x64xf32, #tpu.memory_space<hbm>>
    tpu.enqueue_indirect_dma source(%dma_start3A_108 : memref<1000000x64xf32, #tpu.memory_space<hbm>>) target(%dma_start3A_102 : memref<128x64xf32, #tpu.memory_space<vmem>>) offsets(%dma_start3A_105 : memref<128xi32, #tpu.memory_space<vmem>>) semaphore(%arg13 : memref<!tpu.dma_semaphore, #tpu.memory_space<semaphore_mem>>)
    %dma_start3A_109 = arith.constant 1 : i32
    %dma_start3A_110 = arith.constant 0 : i32
    %dma_start3A_111 = arith.constant 0 : i32
    %dma_start3A_112 = arith.constant 1 : i32
    %dma_start3A_113 = arith.constant 0 : i32
    %dma_start3A_114 = arith.constant 0 : i32
    %dma_start3A_115 = tpu.memref_slice %arg12[%dma_start3A_111, %dma_start3A_112, %dma_start3A_113, %dma_start3A_114] : memref<3x4x128x64xf32, #tpu.memory_space<vmem>> -> memref<1x1x128x64xf32, #tpu.memory_space<vmem>>
    %dma_start3A_116 = tpu.memref_squeeze %dma_start3A_115 : memref<1x1x128x64xf32, #tpu.memory_space<vmem>> -> memref<128x64xf32, #tpu.memory_space<vmem>>
    %dma_start3A_117 = arith.constant 0 : i32
    %dma_start3A_118 = tpu.memref_slice %arg11[%dma_start3A_109, %dma_start3A_110, %dma_start3A_117] : memref<4x4x128xi32, #tpu.memory_space<vmem>> -> memref<1x1x128xi32, #tpu.memory_space<vmem>>
    %dma_start3A_119 = tpu.memref_squeeze %dma_start3A_118 : memref<1x1x128xi32, #tpu.memory_space<vmem>> -> memref<128xi32, #tpu.memory_space<vmem>>
    %dma_start3A_120 = arith.constant 0 : i32
    %dma_start3A_121 = arith.constant 0 : i32
    %dma_start3A_122 = tpu.memref_slice %arg7[%dma_start3A_120, %dma_start3A_121] : memref<100000x64xf32, #tpu.memory_space<hbm>> -> memref<100000x64xf32, #tpu.memory_space<hbm>>
    tpu.enqueue_indirect_dma source(%dma_start3A_122 : memref<100000x64xf32, #tpu.memory_space<hbm>>) target(%dma_start3A_116 : memref<128x64xf32, #tpu.memory_space<vmem>>) offsets(%dma_start3A_119 : memref<128xi32, #tpu.memory_space<vmem>>) semaphore(%arg13 : memref<!tpu.dma_semaphore, #tpu.memory_space<semaphore_mem>>)
    %dma_start3A_123 = arith.constant 2 : i32
    %dma_start3A_124 = arith.constant 0 : i32
    %dma_start3A_125 = arith.constant 0 : i32
    %dma_start3A_126 = arith.constant 2 : i32
    %dma_start3A_127 = arith.constant 0 : i32
    %dma_start3A_128 = arith.constant 0 : i32
    %dma_start3A_129 = tpu.memref_slice %arg12[%dma_start3A_125, %dma_start3A_126, %dma_start3A_127, %dma_start3A_128] : memref<3x4x128x64xf32, #tpu.memory_space<vmem>> -> memref<1x1x128x64xf32, #tpu.memory_space<vmem>>
    %dma_start3A_130 = tpu.memref_squeeze %dma_start3A_129 : memref<1x1x128x64xf32, #tpu.memory_space<vmem>> -> memref<128x64xf32, #tpu.memory_space<vmem>>
    %dma_start3A_131 = arith.constant 0 : i32
    %dma_start3A_132 = tpu.memref_slice %arg11[%dma_start3A_123, %dma_start3A_124, %dma_start3A_131] : memref<4x4x128xi32, #tpu.memory_space<vmem>> -> memref<1x1x128xi32, #tpu.memory_space<vmem>>
    %dma_start3A_133 = tpu.memref_squeeze %dma_start3A_132 : memref<1x1x128xi32, #tpu.memory_space<vmem>> -> memref<128xi32, #tpu.memory_space<vmem>>
    %dma_start3A_134 = arith.constant 0 : i32
    %dma_start3A_135 = arith.constant 0 : i32
    %dma_start3A_136 = tpu.memref_slice %arg8[%dma_start3A_134, %dma_start3A_135] : memref<1000x64xf32, #tpu.memory_space<hbm>> -> memref<1000x64xf32, #tpu.memory_space<hbm>>
    tpu.enqueue_indirect_dma source(%dma_start3A_136 : memref<1000x64xf32, #tpu.memory_space<hbm>>) target(%dma_start3A_130 : memref<128x64xf32, #tpu.memory_space<vmem>>) offsets(%dma_start3A_133 : memref<128xi32, #tpu.memory_space<vmem>>) semaphore(%arg13 : memref<!tpu.dma_semaphore, #tpu.memory_space<semaphore_mem>>)
    %dma_start3A_137 = arith.constant 3 : i32
    %dma_start3A_138 = arith.constant 0 : i32
    %dma_start3A_139 = arith.constant 0 : i32
    %dma_start3A_140 = arith.constant 3 : i32
    %dma_start3A_141 = arith.constant 0 : i32
    %dma_start3A_142 = arith.constant 0 : i32
    %dma_start3A_143 = tpu.memref_slice %arg12[%dma_start3A_139, %dma_start3A_140, %dma_start3A_141, %dma_start3A_142] : memref<3x4x128x64xf32, #tpu.memory_space<vmem>> -> memref<1x1x128x64xf32, #tpu.memory_space<vmem>>
    %dma_start3A_144 = tpu.memref_squeeze %dma_start3A_143 : memref<1x1x128x64xf32, #tpu.memory_space<vmem>> -> memref<128x64xf32, #tpu.memory_space<vmem>>
    %dma_start3A_145 = arith.constant 0 : i32
    %dma_start3A_146 = tpu.memref_slice %arg11[%dma_start3A_137, %dma_start3A_138, %dma_start3A_145] : memref<4x4x128xi32, #tpu.memory_space<vmem>> -> memref<1x1x128xi32, #tpu.memory_space<vmem>>
    %dma_start3A_147 = tpu.memref_squeeze %dma_start3A_146 : memref<1x1x128xi32, #tpu.memory_space<vmem>> -> memref<128xi32, #tpu.memory_space<vmem>>
    %dma_start3A_148 = arith.constant 0 : i32
    %dma_start3A_149 = arith.constant 0 : i32
    %dma_start3A_150 = tpu.memref_slice %arg9[%dma_start3A_148, %dma_start3A_149] : memref<1000x64xf32, #tpu.memory_space<hbm>> -> memref<1000x64xf32, #tpu.memory_space<hbm>>
    tpu.enqueue_indirect_dma source(%dma_start3A_150 : memref<1000x64xf32, #tpu.memory_space<hbm>>) target(%dma_start3A_144 : memref<128x64xf32, #tpu.memory_space<vmem>>) offsets(%dma_start3A_147 : memref<128xi32, #tpu.memory_space<vmem>>) semaphore(%arg13 : memref<!tpu.dma_semaphore, #tpu.memory_space<semaphore_mem>>)
    %dma_start3A_151 = arith.constant 0 : i32
    %dma_start3A_152 = arith.constant 1 : i32
    %dma_start3A_153 = arith.constant 1 : i32
    %dma_start3A_154 = arith.constant 0 : i32
    %dma_start3A_155 = arith.constant 0 : i32
    %dma_start3A_156 = arith.constant 0 : i32
    %dma_start3A_157 = tpu.memref_slice %arg12[%dma_start3A_153, %dma_start3A_154, %dma_start3A_155, %dma_start3A_156] : memref<3x4x128x64xf32, #tpu.memory_space<vmem>> -> memref<1x1x128x64xf32, #tpu.memory_space<vmem>>
    %dma_start3A_158 = tpu.memref_squeeze %dma_start3A_157 : memref<1x1x128x64xf32, #tpu.memory_space<vmem>> -> memref<128x64xf32, #tpu.memory_space<vmem>>
    %dma_start3A_159 = arith.constant 0 : i32
    %dma_start3A_160 = tpu.memref_slice %arg11[%dma_start3A_151, %dma_start3A_152, %dma_start3A_159] : memref<4x4x128xi32, #tpu.memory_space<vmem>> -> memref<1x1x128xi32, #tpu.memory_space<vmem>>
    %dma_start3A_161 = tpu.memref_squeeze %dma_start3A_160 : memref<1x1x128xi32, #tpu.memory_space<vmem>> -> memref<128xi32, #tpu.memory_space<vmem>>
    %dma_start3A_162 = arith.constant 0 : i32
    %dma_start3A_163 = arith.constant 0 : i32
    %dma_start3A_164 = tpu.memref_slice %arg6[%dma_start3A_162, %dma_start3A_163] : memref<1000000x64xf32, #tpu.memory_space<hbm>> -> memref<1000000x64xf32, #tpu.memory_space<hbm>>
    tpu.enqueue_indirect_dma source(%dma_start3A_164 : memref<1000000x64xf32, #tpu.memory_space<hbm>>) target(%dma_start3A_158 : memref<128x64xf32, #tpu.memory_space<vmem>>) offsets(%dma_start3A_161 : memref<128xi32, #tpu.memory_space<vmem>>) semaphore(%arg14 : memref<!tpu.dma_semaphore, #tpu.memory_space<semaphore_mem>>)
    %dma_start3A_165 = arith.constant 1 : i32
    %dma_start3A_166 = arith.constant 1 : i32
    %dma_start3A_167 = arith.constant 1 : i32
    %dma_start3A_168 = arith.constant 1 : i32
    %dma_start3A_169 = arith.constant 0 : i32
    %dma_start3A_170 = arith.constant 0 : i32
    %dma_start3A_171 = tpu.memref_slice %arg12[%dma_start3A_167, %dma_start3A_168, %dma_start3A_169, %dma_start3A_170] : memref<3x4x128x64xf32, #tpu.memory_space<vmem>> -> memref<1x1x128x64xf32, #tpu.memory_space<vmem>>
    %dma_start3A_172 = tpu.memref_squeeze %dma_start3A_171 : memref<1x1x128x64xf32, #tpu.memory_space<vmem>> -> memref<128x64xf32, #tpu.memory_space<vmem>>
    %dma_start3A_173 = arith.constant 0 : i32
    %dma_start3A_174 = tpu.memref_slice %arg11[%dma_start3A_165, %dma_start3A_166, %dma_start3A_173] : memref<4x4x128xi32, #tpu.memory_space<vmem>> -> memref<1x1x128xi32, #tpu.memory_space<vmem>>
    %dma_start3A_175 = tpu.memref_squeeze %dma_start3A_174 : memref<1x1x128xi32, #tpu.memory_space<vmem>> -> memref<128xi32, #tpu.memory_space<vmem>>
    %dma_start3A_176 = arith.constant 0 : i32
    %dma_start3A_177 = arith.constant 0 : i32
    %dma_start3A_178 = tpu.memref_slice %arg7[%dma_start3A_176, %dma_start3A_177] : memref<100000x64xf32, #tpu.memory_space<hbm>> -> memref<100000x64xf32, #tpu.memory_space<hbm>>
    tpu.enqueue_indirect_dma source(%dma_start3A_178 : memref<100000x64xf32, #tpu.memory_space<hbm>>) target(%dma_start3A_172 : memref<128x64xf32, #tpu.memory_space<vmem>>) offsets(%dma_start3A_175 : memref<128xi32, #tpu.memory_space<vmem>>) semaphore(%arg14 : memref<!tpu.dma_semaphore, #tpu.memory_space<semaphore_mem>>)
    %dma_start3A_179 = arith.constant 2 : i32
    %dma_start3A_180 = arith.constant 1 : i32
    %dma_start3A_181 = arith.constant 1 : i32
    %dma_start3A_182 = arith.constant 2 : i32
    %dma_start3A_183 = arith.constant 0 : i32
    %dma_start3A_184 = arith.constant 0 : i32
    %dma_start3A_185 = tpu.memref_slice %arg12[%dma_start3A_181, %dma_start3A_182, %dma_start3A_183, %dma_start3A_184] : memref<3x4x128x64xf32, #tpu.memory_space<vmem>> -> memref<1x1x128x64xf32, #tpu.memory_space<vmem>>
    %dma_start3A_186 = tpu.memref_squeeze %dma_start3A_185 : memref<1x1x128x64xf32, #tpu.memory_space<vmem>> -> memref<128x64xf32, #tpu.memory_space<vmem>>
    %dma_start3A_187 = arith.constant 0 : i32
    %dma_start3A_188 = tpu.memref_slice %arg11[%dma_start3A_179, %dma_start3A_180, %dma_start3A_187] : memref<4x4x128xi32, #tpu.memory_space<vmem>> -> memref<1x1x128xi32, #tpu.memory_space<vmem>>
    %dma_start3A_189 = tpu.memref_squeeze %dma_start3A_188 : memref<1x1x128xi32, #tpu.memory_space<vmem>> -> memref<128xi32, #tpu.memory_space<vmem>>
    %dma_start3A_190 = arith.constant 0 : i32
    %dma_start3A_191 = arith.constant 0 : i32
    %dma_start3A_192 = tpu.memref_slice %arg8[%dma_start3A_190, %dma_start3A_191] : memref<1000x64xf32, #tpu.memory_space<hbm>> -> memref<1000x64xf32, #tpu.memory_space<hbm>>
    tpu.enqueue_indirect_dma source(%dma_start3A_192 : memref<1000x64xf32, #tpu.memory_space<hbm>>) target(%dma_start3A_186 : memref<128x64xf32, #tpu.memory_space<vmem>>) offsets(%dma_start3A_189 : memref<128xi32, #tpu.memory_space<vmem>>) semaphore(%arg14 : memref<!tpu.dma_semaphore, #tpu.memory_space<semaphore_mem>>)
    %dma_start3A_193 = arith.constant 3 : i32
    %dma_start3A_194 = arith.constant 1 : i32
    %dma_start3A_195 = arith.constant 1 : i32
    %dma_start3A_196 = arith.constant 3 : i32
    %dma_start3A_197 = arith.constant 0 : i32
    %dma_start3A_198 = arith.constant 0 : i32
    %dma_start3A_199 = tpu.memref_slice %arg12[%dma_start3A_195, %dma_start3A_196, %dma_start3A_197, %dma_start3A_198] : memref<3x4x128x64xf32, #tpu.memory_space<vmem>> -> memref<1x1x128x64xf32, #tpu.memory_space<vmem>>
    %dma_start3A_200 = tpu.memref_squeeze %dma_start3A_199 : memref<1x1x128x64xf32, #tpu.memory_space<vmem>> -> memref<128x64xf32, #tpu.memory_space<vmem>>
    %dma_start3A_201 = arith.constant 0 : i32
    %dma_start3A_202 = tpu.memref_slice %arg11[%dma_start3A_193, %dma_start3A_194, %dma_start3A_201] : memref<4x4x128xi32, #tpu.memory_space<vmem>> -> memref<1x1x128xi32, #tpu.memory_space<vmem>>
    %dma_start3A_203 = tpu.memref_squeeze %dma_start3A_202 : memref<1x1x128xi32, #tpu.memory_space<vmem>> -> memref<128xi32, #tpu.memory_space<vmem>>
    %dma_start3A_204 = arith.constant 0 : i32
    %dma_start3A_205 = arith.constant 0 : i32
    %dma_start3A_206 = tpu.memref_slice %arg9[%dma_start3A_204, %dma_start3A_205] : memref<1000x64xf32, #tpu.memory_space<hbm>> -> memref<1000x64xf32, #tpu.memory_space<hbm>>
    tpu.enqueue_indirect_dma source(%dma_start3A_206 : memref<1000x64xf32, #tpu.memory_space<hbm>>) target(%dma_start3A_200 : memref<128x64xf32, #tpu.memory_space<vmem>>) offsets(%dma_start3A_203 : memref<128xi32, #tpu.memory_space<vmem>>) semaphore(%arg14 : memref<!tpu.dma_semaphore, #tpu.memory_space<semaphore_mem>>)
    %dma_start3A_207 = arith.constant 0 : i32
    %dma_start3A_208 = arith.constant 2 : i32
    %dma_start3A_209 = arith.constant 2 : i32
    %dma_start3A_210 = arith.constant 0 : i32
    %dma_start3A_211 = arith.constant 0 : i32
    %dma_start3A_212 = arith.constant 0 : i32
    %dma_start3A_213 = tpu.memref_slice %arg12[%dma_start3A_209, %dma_start3A_210, %dma_start3A_211, %dma_start3A_212] : memref<3x4x128x64xf32, #tpu.memory_space<vmem>> -> memref<1x1x128x64xf32, #tpu.memory_space<vmem>>
    %dma_start3A_214 = tpu.memref_squeeze %dma_start3A_213 : memref<1x1x128x64xf32, #tpu.memory_space<vmem>> -> memref<128x64xf32, #tpu.memory_space<vmem>>
    %dma_start3A_215 = arith.constant 0 : i32
    %dma_start3A_216 = tpu.memref_slice %arg11[%dma_start3A_207, %dma_start3A_208, %dma_start3A_215] : memref<4x4x128xi32, #tpu.memory_space<vmem>> -> memref<1x1x128xi32, #tpu.memory_space<vmem>>
    %dma_start3A_217 = tpu.memref_squeeze %dma_start3A_216 : memref<1x1x128xi32, #tpu.memory_space<vmem>> -> memref<128xi32, #tpu.memory_space<vmem>>
    %dma_start3A_218 = arith.constant 0 : i32
    %dma_start3A_219 = arith.constant 0 : i32
    %dma_start3A_220 = tpu.memref_slice %arg6[%dma_start3A_218, %dma_start3A_219] : memref<1000000x64xf32, #tpu.memory_space<hbm>> -> memref<1000000x64xf32, #tpu.memory_space<hbm>>
    tpu.enqueue_indirect_dma source(%dma_start3A_220 : memref<1000000x64xf32, #tpu.memory_space<hbm>>) target(%dma_start3A_214 : memref<128x64xf32, #tpu.memory_space<vmem>>) offsets(%dma_start3A_217 : memref<128xi32, #tpu.memory_space<vmem>>) semaphore(%arg15 : memref<!tpu.dma_semaphore, #tpu.memory_space<semaphore_mem>>)
    %dma_start3A_221 = arith.constant 1 : i32
    %dma_start3A_222 = arith.constant 2 : i32
    %dma_start3A_223 = arith.constant 2 : i32
    %dma_start3A_224 = arith.constant 1 : i32
    %dma_start3A_225 = arith.constant 0 : i32
    %dma_start3A_226 = arith.constant 0 : i32
    %dma_start3A_227 = tpu.memref_slice %arg12[%dma_start3A_223, %dma_start3A_224, %dma_start3A_225, %dma_start3A_226] : memref<3x4x128x64xf32, #tpu.memory_space<vmem>> -> memref<1x1x128x64xf32, #tpu.memory_space<vmem>>
    %dma_start3A_228 = tpu.memref_squeeze %dma_start3A_227 : memref<1x1x128x64xf32, #tpu.memory_space<vmem>> -> memref<128x64xf32, #tpu.memory_space<vmem>>
    %dma_start3A_229 = arith.constant 0 : i32
    %dma_start3A_230 = tpu.memref_slice %arg11[%dma_start3A_221, %dma_start3A_222, %dma_start3A_229] : memref<4x4x128xi32, #tpu.memory_space<vmem>> -> memref<1x1x128xi32, #tpu.memory_space<vmem>>
    %dma_start3A_231 = tpu.memref_squeeze %dma_start3A_230 : memref<1x1x128xi32, #tpu.memory_space<vmem>> -> memref<128xi32, #tpu.memory_space<vmem>>
    %dma_start3A_232 = arith.constant 0 : i32
    %dma_start3A_233 = arith.constant 0 : i32
    %dma_start3A_234 = tpu.memref_slice %arg7[%dma_start3A_232, %dma_start3A_233] : memref<100000x64xf32, #tpu.memory_space<hbm>> -> memref<100000x64xf32, #tpu.memory_space<hbm>>
    tpu.enqueue_indirect_dma source(%dma_start3A_234 : memref<100000x64xf32, #tpu.memory_space<hbm>>) target(%dma_start3A_228 : memref<128x64xf32, #tpu.memory_space<vmem>>) offsets(%dma_start3A_231 : memref<128xi32, #tpu.memory_space<vmem>>) semaphore(%arg15 : memref<!tpu.dma_semaphore, #tpu.memory_space<semaphore_mem>>)
    %dma_start3A_235 = arith.constant 2 : i32
    %dma_start3A_236 = arith.constant 2 : i32
    %dma_start3A_237 = arith.constant 2 : i32
    %dma_start3A_238 = arith.constant 2 : i32
    %dma_start3A_239 = arith.constant 0 : i32
    %dma_start3A_240 = arith.constant 0 : i32
    %dma_start3A_241 = tpu.memref_slice %arg12[%dma_start3A_237, %dma_start3A_238, %dma_start3A_239, %dma_start3A_240] : memref<3x4x128x64xf32, #tpu.memory_space<vmem>> -> memref<1x1x128x64xf32, #tpu.memory_space<vmem>>
    %dma_start3A_242 = tpu.memref_squeeze %dma_start3A_241 : memref<1x1x128x64xf32, #tpu.memory_space<vmem>> -> memref<128x64xf32, #tpu.memory_space<vmem>>
    %dma_start3A_243 = arith.constant 0 : i32
    %dma_start3A_244 = tpu.memref_slice %arg11[%dma_start3A_235, %dma_start3A_236, %dma_start3A_243] : memref<4x4x128xi32, #tpu.memory_space<vmem>> -> memref<1x1x128xi32, #tpu.memory_space<vmem>>
    %dma_start3A_245 = tpu.memref_squeeze %dma_start3A_244 : memref<1x1x128xi32, #tpu.memory_space<vmem>> -> memref<128xi32, #tpu.memory_space<vmem>>
    %dma_start3A_246 = arith.constant 0 : i32
    %dma_start3A_247 = arith.constant 0 : i32
    %dma_start3A_248 = tpu.memref_slice %arg8[%dma_start3A_246, %dma_start3A_247] : memref<1000x64xf32, #tpu.memory_space<hbm>> -> memref<1000x64xf32, #tpu.memory_space<hbm>>
    tpu.enqueue_indirect_dma source(%dma_start3A_248 : memref<1000x64xf32, #tpu.memory_space<hbm>>) target(%dma_start3A_242 : memref<128x64xf32, #tpu.memory_space<vmem>>) offsets(%dma_start3A_245 : memref<128xi32, #tpu.memory_space<vmem>>) semaphore(%arg15 : memref<!tpu.dma_semaphore, #tpu.memory_space<semaphore_mem>>)
    %dma_start3A_249 = arith.constant 3 : i32
    %dma_start3A_250 = arith.constant 2 : i32
    %dma_start3A_251 = arith.constant 2 : i32
    %dma_start3A_252 = arith.constant 3 : i32
    %dma_start3A_253 = arith.constant 0 : i32
    %dma_start3A_254 = arith.constant 0 : i32
    %dma_start3A_255 = tpu.memref_slice %arg12[%dma_start3A_251, %dma_start3A_252, %dma_start3A_253, %dma_start3A_254] : memref<3x4x128x64xf32, #tpu.memory_space<vmem>> -> memref<1x1x128x64xf32, #tpu.memory_space<vmem>>
    %dma_start3A_256 = tpu.memref_squeeze %dma_start3A_255 : memref<1x1x128x64xf32, #tpu.memory_space<vmem>> -> memref<128x64xf32, #tpu.memory_space<vmem>>
    %dma_start3A_257 = arith.constant 0 : i32
    %dma_start3A_258 = tpu.memref_slice %arg11[%dma_start3A_249, %dma_start3A_250, %dma_start3A_257] : memref<4x4x128xi32, #tpu.memory_space<vmem>> -> memref<1x1x128xi32, #tpu.memory_space<vmem>>
    %dma_start3A_259 = tpu.memref_squeeze %dma_start3A_258 : memref<1x1x128xi32, #tpu.memory_space<vmem>> -> memref<128xi32, #tpu.memory_space<vmem>>
    %dma_start3A_260 = arith.constant 0 : i32
    %dma_start3A_261 = arith.constant 0 : i32
    %dma_start3A_262 = tpu.memref_slice %arg9[%dma_start3A_260, %dma_start3A_261] : memref<1000x64xf32, #tpu.memory_space<hbm>> -> memref<1000x64xf32, #tpu.memory_space<hbm>>
    tpu.enqueue_indirect_dma source(%dma_start3A_262 : memref<1000x64xf32, #tpu.memory_space<hbm>>) target(%dma_start3A_256 : memref<128x64xf32, #tpu.memory_space<vmem>>) offsets(%dma_start3A_259 : memref<128xi32, #tpu.memory_space<vmem>>) semaphore(%arg15 : memref<!tpu.dma_semaphore, #tpu.memory_space<semaphore_mem>>)
    %mul3A_263 = arith.constant 512 : i32
    %mul3A_264 = arith.muli %add3A, %mul3A_263 : i32
    %add3A_265 = arith.constant 0 : i32
    %add3A_266 = arith.addi %mul3A_264, %add3A_265 : i32
    %dma_wait3A = arith.constant 0 : i32
    %dma_wait3A_267 = arith.constant 0 : i32
    %dma_wait3A_268 = arith.constant 0 : i32
    %dma_wait3A_269 = arith.constant 0 : i32
    %dma_wait3A_270 = arith.constant 0 : i32
    %dma_wait3A_271 = arith.constant 0 : i32
    %dma_wait3A_272 = tpu.memref_slice %arg12[%dma_wait3A_268, %dma_wait3A_269, %dma_wait3A_270, %dma_wait3A_271] : memref<3x4x128x64xf32, #tpu.memory_space<vmem>> -> memref<1x1x128x64xf32, #tpu.memory_space<vmem>>
    %dma_wait3A_273 = tpu.memref_squeeze %dma_wait3A_272 : memref<1x1x128x64xf32, #tpu.memory_space<vmem>> -> memref<128x64xf32, #tpu.memory_space<vmem>>
    %dma_wait3A_274 = arith.constant 0 : i32
    %dma_wait3A_275 = tpu.memref_slice %arg11[%dma_wait3A, %dma_wait3A_267, %dma_wait3A_274] : memref<4x4x128xi32, #tpu.memory_space<vmem>> -> memref<1x1x128xi32, #tpu.memory_space<vmem>>
    %dma_wait3A_276 = tpu.memref_squeeze %dma_wait3A_275 : memref<1x1x128xi32, #tpu.memory_space<vmem>> -> memref<128xi32, #tpu.memory_space<vmem>>
    %dma_wait3A_277 = arith.constant 0 : i32
    %dma_wait3A_278 = arith.constant 0 : i32
    %dma_wait3A_279 = tpu.memref_slice %arg6[%dma_wait3A_277, %dma_wait3A_278] : memref<1000000x64xf32, #tpu.memory_space<hbm>> -> memref<1000000x64xf32, #tpu.memory_space<hbm>>
    tpu.wait_indirect_dma semaphore(%arg13 : memref<!tpu.dma_semaphore, #tpu.memory_space<semaphore_mem>>) src(%dma_wait3A_279 : memref<1000000x64xf32, #tpu.memory_space<hbm>>) dst(%dma_wait3A_273 : memref<128x64xf32, #tpu.memory_space<vmem>>)
    %dma_start3A_280 = arith.constant 0 : i32
    %dma_start3A_281 = arith.constant 0 : i32
    %dma_start3A_282 = arith.constant 0 : i32
    %dma_start3A_283 = arith.constant 0 : i32
    %dma_start3A_284 = arith.constant 0 : i32
    %dma_start3A_285 = tpu.memref_slice %arg12[%dma_start3A_280, %dma_start3A_281, %dma_start3A_283, %dma_start3A_284] : memref<3x4x128x64xf32, #tpu.memory_space<vmem>> -> memref<1x1x128x64xf32, #tpu.memory_space<vmem>>
    %dma_start3A_286 = tpu.memref_squeeze %dma_start3A_285 : memref<1x1x128x64xf32, #tpu.memory_space<vmem>> -> memref<128x64xf32, #tpu.memory_space<vmem>>
    %dma_start3A_287 = arith.constant 0 : i32
    %dma_start3A_288 = tpu.memref_slice %arg10[%add3A_266, %dma_start3A_282, %dma_start3A_287] : memref<16384x4x64xf32, #tpu.memory_space<hbm>> -> memref<128x1x64xf32, #tpu.memory_space<hbm>>
    %dma_start3A_289 = tpu.memref_squeeze %dma_start3A_288 : memref<128x1x64xf32, #tpu.memory_space<hbm>> -> memref<128x64xf32, #tpu.memory_space<hbm>>
    %dma_start3A_290 = arith.constant 0 : i32
    %dma_start3A_291 = tpu.memref_slice %arg10[%add3A_266, %dma_start3A_282, %dma_start3A_290] : memref<16384x4x64xf32, #tpu.memory_space<hbm>> -> memref<128x1x64xf32, #tpu.memory_space<hbm>>
    %dma_start3A_292 = tpu.memref_squeeze %dma_start3A_291 : memref<128x1x64xf32, #tpu.memory_space<hbm>> -> memref<128x64xf32, #tpu.memory_space<hbm>>
    %dma_start3A_293 = arith.constant 0 : i32
    %dma_start3A_294 = arith.constant 0 : i32
    %dma_start3A_295 = tpu.memref_slice %arg12[%dma_start3A_280, %dma_start3A_281, %dma_start3A_293, %dma_start3A_294] : memref<3x4x128x64xf32, #tpu.memory_space<vmem>> -> memref<1x1x128x64xf32, #tpu.memory_space<vmem>>
    %dma_start3A_296 = tpu.memref_squeeze %dma_start3A_295 : memref<1x1x128x64xf32, #tpu.memory_space<vmem>> -> memref<128x64xf32, #tpu.memory_space<vmem>>
    tpu.enqueue_dma source(%dma_start3A_296 : memref<128x64xf32, #tpu.memory_space<vmem>>) target(%dma_start3A_292 : memref<128x64xf32, #tpu.memory_space<hbm>>) target_semaphore(%arg16 : memref<!tpu.dma_semaphore, #tpu.memory_space<semaphore_mem>>)
    %dma_wait3A_297 = arith.constant 1 : i32
    %dma_wait3A_298 = arith.constant 0 : i32
    %dma_wait3A_299 = arith.constant 0 : i32
    %dma_wait3A_300 = arith.constant 1 : i32
    %dma_wait3A_301 = arith.constant 0 : i32
    %dma_wait3A_302 = arith.constant 0 : i32
    %dma_wait3A_303 = tpu.memref_slice %arg12[%dma_wait3A_299, %dma_wait3A_300, %dma_wait3A_301, %dma_wait3A_302] : memref<3x4x128x64xf32, #tpu.memory_space<vmem>> -> memref<1x1x128x64xf32, #tpu.memory_space<vmem>>
    %dma_wait3A_304 = tpu.memref_squeeze %dma_wait3A_303 : memref<1x1x128x64xf32, #tpu.memory_space<vmem>> -> memref<128x64xf32, #tpu.memory_space<vmem>>
    %dma_wait3A_305 = arith.constant 0 : i32
    %dma_wait3A_306 = tpu.memref_slice %arg11[%dma_wait3A_297, %dma_wait3A_298, %dma_wait3A_305] : memref<4x4x128xi32, #tpu.memory_space<vmem>> -> memref<1x1x128xi32, #tpu.memory_space<vmem>>
    %dma_wait3A_307 = tpu.memref_squeeze %dma_wait3A_306 : memref<1x1x128xi32, #tpu.memory_space<vmem>> -> memref<128xi32, #tpu.memory_space<vmem>>
    %dma_wait3A_308 = arith.constant 0 : i32
    %dma_wait3A_309 = arith.constant 0 : i32
    %dma_wait3A_310 = tpu.memref_slice %arg7[%dma_wait3A_308, %dma_wait3A_309] : memref<100000x64xf32, #tpu.memory_space<hbm>> -> memref<100000x64xf32, #tpu.memory_space<hbm>>
    tpu.wait_indirect_dma semaphore(%arg13 : memref<!tpu.dma_semaphore, #tpu.memory_space<semaphore_mem>>) src(%dma_wait3A_310 : memref<100000x64xf32, #tpu.memory_space<hbm>>) dst(%dma_wait3A_304 : memref<128x64xf32, #tpu.memory_space<vmem>>)
    %dma_start3A_311 = arith.constant 0 : i32
    %dma_start3A_312 = arith.constant 1 : i32
    %dma_start3A_313 = arith.constant 1 : i32
    %dma_start3A_314 = arith.constant 0 : i32
    %dma_start3A_315 = arith.constant 0 : i32
    %dma_start3A_316 = tpu.memref_slice %arg12[%dma_start3A_311, %dma_start3A_312, %dma_start3A_314, %dma_start3A_315] : memref<3x4x128x64xf32, #tpu.memory_space<vmem>> -> memref<1x1x128x64xf32, #tpu.memory_space<vmem>>
    %dma_start3A_317 = tpu.memref_squeeze %dma_start3A_316 : memref<1x1x128x64xf32, #tpu.memory_space<vmem>> -> memref<128x64xf32, #tpu.memory_space<vmem>>
    %dma_start3A_318 = arith.constant 0 : i32
    %dma_start3A_319 = tpu.memref_slice %arg10[%add3A_266, %dma_start3A_313, %dma_start3A_318] : memref<16384x4x64xf32, #tpu.memory_space<hbm>> -> memref<128x1x64xf32, #tpu.memory_space<hbm>>
    %dma_start3A_320 = tpu.memref_squeeze %dma_start3A_319 : memref<128x1x64xf32, #tpu.memory_space<hbm>> -> memref<128x64xf32, #tpu.memory_space<hbm>>
    %dma_start3A_321 = arith.constant 0 : i32
    %dma_start3A_322 = tpu.memref_slice %arg10[%add3A_266, %dma_start3A_313, %dma_start3A_321] : memref<16384x4x64xf32, #tpu.memory_space<hbm>> -> memref<128x1x64xf32, #tpu.memory_space<hbm>>
    %dma_start3A_323 = tpu.memref_squeeze %dma_start3A_322 : memref<128x1x64xf32, #tpu.memory_space<hbm>> -> memref<128x64xf32, #tpu.memory_space<hbm>>
    %dma_start3A_324 = arith.constant 0 : i32
    %dma_start3A_325 = arith.constant 0 : i32
    %dma_start3A_326 = tpu.memref_slice %arg12[%dma_start3A_311, %dma_start3A_312, %dma_start3A_324, %dma_start3A_325] : memref<3x4x128x64xf32, #tpu.memory_space<vmem>> -> memref<1x1x128x64xf32, #tpu.memory_space<vmem>>
    %dma_start3A_327 = tpu.memref_squeeze %dma_start3A_326 : memref<1x1x128x64xf32, #tpu.memory_space<vmem>> -> memref<128x64xf32, #tpu.memory_space<vmem>>
    tpu.enqueue_dma source(%dma_start3A_327 : memref<128x64xf32, #tpu.memory_space<vmem>>) target(%dma_start3A_323 : memref<128x64xf32, #tpu.memory_space<hbm>>) target_semaphore(%arg16 : memref<!tpu.dma_semaphore, #tpu.memory_space<semaphore_mem>>)
    %dma_wait3A_328 = arith.constant 2 : i32
    %dma_wait3A_329 = arith.constant 0 : i32
    %dma_wait3A_330 = arith.constant 0 : i32
    %dma_wait3A_331 = arith.constant 2 : i32
    %dma_wait3A_332 = arith.constant 0 : i32
    %dma_wait3A_333 = arith.constant 0 : i32
    %dma_wait3A_334 = tpu.memref_slice %arg12[%dma_wait3A_330, %dma_wait3A_331, %dma_wait3A_332, %dma_wait3A_333] : memref<3x4x128x64xf32, #tpu.memory_space<vmem>> -> memref<1x1x128x64xf32, #tpu.memory_space<vmem>>
    %dma_wait3A_335 = tpu.memref_squeeze %dma_wait3A_334 : memref<1x1x128x64xf32, #tpu.memory_space<vmem>> -> memref<128x64xf32, #tpu.memory_space<vmem>>
    %dma_wait3A_336 = arith.constant 0 : i32
    %dma_wait3A_337 = tpu.memref_slice %arg11[%dma_wait3A_328, %dma_wait3A_329, %dma_wait3A_336] : memref<4x4x128xi32, #tpu.memory_space<vmem>> -> memref<1x1x128xi32, #tpu.memory_space<vmem>>
    %dma_wait3A_338 = tpu.memref_squeeze %dma_wait3A_337 : memref<1x1x128xi32, #tpu.memory_space<vmem>> -> memref<128xi32, #tpu.memory_space<vmem>>
    %dma_wait3A_339 = arith.constant 0 : i32
    %dma_wait3A_340 = arith.constant 0 : i32
    %dma_wait3A_341 = tpu.memref_slice %arg8[%dma_wait3A_339, %dma_wait3A_340] : memref<1000x64xf32, #tpu.memory_space<hbm>> -> memref<1000x64xf32, #tpu.memory_space<hbm>>
    tpu.wait_indirect_dma semaphore(%arg13 : memref<!tpu.dma_semaphore, #tpu.memory_space<semaphore_mem>>) src(%dma_wait3A_341 : memref<1000x64xf32, #tpu.memory_space<hbm>>) dst(%dma_wait3A_335 : memref<128x64xf32, #tpu.memory_space<vmem>>)
    %dma_start3A_342 = arith.constant 0 : i32
    %dma_start3A_343 = arith.constant 2 : i32
    %dma_start3A_344 = arith.constant 2 : i32
    %dma_start3A_345 = arith.constant 0 : i32
    %dma_start3A_346 = arith.constant 0 : i32
    %dma_start3A_347 = tpu.memref_slice %arg12[%dma_start3A_342, %dma_start3A_343, %dma_start3A_345, %dma_start3A_346] : memref<3x4x128x64xf32, #tpu.memory_space<vmem>> -> memref<1x1x128x64xf32, #tpu.memory_space<vmem>>
    %dma_start3A_348 = tpu.memref_squeeze %dma_start3A_347 : memref<1x1x128x64xf32, #tpu.memory_space<vmem>> -> memref<128x64xf32, #tpu.memory_space<vmem>>
    %dma_start3A_349 = arith.constant 0 : i32
    %dma_start3A_350 = tpu.memref_slice %arg10[%add3A_266, %dma_start3A_344, %dma_start3A_349] : memref<16384x4x64xf32, #tpu.memory_space<hbm>> -> memref<128x1x64xf32, #tpu.memory_space<hbm>>
    %dma_start3A_351 = tpu.memref_squeeze %dma_start3A_350 : memref<128x1x64xf32, #tpu.memory_space<hbm>> -> memref<128x64xf32, #tpu.memory_space<hbm>>
    %dma_start3A_352 = arith.constant 0 : i32
    %dma_start3A_353 = tpu.memref_slice %arg10[%add3A_266, %dma_start3A_344, %dma_start3A_352] : memref<16384x4x64xf32, #tpu.memory_space<hbm>> -> memref<128x1x64xf32, #tpu.memory_space<hbm>>
    %dma_start3A_354 = tpu.memref_squeeze %dma_start3A_353 : memref<128x1x64xf32, #tpu.memory_space<hbm>> -> memref<128x64xf32, #tpu.memory_space<hbm>>
    %dma_start3A_355 = arith.constant 0 : i32
    %dma_start3A_356 = arith.constant 0 : i32
    %dma_start3A_357 = tpu.memref_slice %arg12[%dma_start3A_342, %dma_start3A_343, %dma_start3A_355, %dma_start3A_356] : memref<3x4x128x64xf32, #tpu.memory_space<vmem>> -> memref<1x1x128x64xf32, #tpu.memory_space<vmem>>
    %dma_start3A_358 = tpu.memref_squeeze %dma_start3A_357 : memref<1x1x128x64xf32, #tpu.memory_space<vmem>> -> memref<128x64xf32, #tpu.memory_space<vmem>>
    tpu.enqueue_dma source(%dma_start3A_358 : memref<128x64xf32, #tpu.memory_space<vmem>>) target(%dma_start3A_354 : memref<128x64xf32, #tpu.memory_space<hbm>>) target_semaphore(%arg16 : memref<!tpu.dma_semaphore, #tpu.memory_space<semaphore_mem>>)
    %dma_wait3A_359 = arith.constant 3 : i32
    %dma_wait3A_360 = arith.constant 0 : i32
    %dma_wait3A_361 = arith.constant 0 : i32
    %dma_wait3A_362 = arith.constant 3 : i32
    %dma_wait3A_363 = arith.constant 0 : i32
    %dma_wait3A_364 = arith.constant 0 : i32
    %dma_wait3A_365 = tpu.memref_slice %arg12[%dma_wait3A_361, %dma_wait3A_362, %dma_wait3A_363, %dma_wait3A_364] : memref<3x4x128x64xf32, #tpu.memory_space<vmem>> -> memref<1x1x128x64xf32, #tpu.memory_space<vmem>>
    %dma_wait3A_366 = tpu.memref_squeeze %dma_wait3A_365 : memref<1x1x128x64xf32, #tpu.memory_space<vmem>> -> memref<128x64xf32, #tpu.memory_space<vmem>>
    %dma_wait3A_367 = arith.constant 0 : i32
    %dma_wait3A_368 = tpu.memref_slice %arg11[%dma_wait3A_359, %dma_wait3A_360, %dma_wait3A_367] : memref<4x4x128xi32, #tpu.memory_space<vmem>> -> memref<1x1x128xi32, #tpu.memory_space<vmem>>
    %dma_wait3A_369 = tpu.memref_squeeze %dma_wait3A_368 : memref<1x1x128xi32, #tpu.memory_space<vmem>> -> memref<128xi32, #tpu.memory_space<vmem>>
    %dma_wait3A_370 = arith.constant 0 : i32
    %dma_wait3A_371 = arith.constant 0 : i32
    %dma_wait3A_372 = tpu.memref_slice %arg9[%dma_wait3A_370, %dma_wait3A_371] : memref<1000x64xf32, #tpu.memory_space<hbm>> -> memref<1000x64xf32, #tpu.memory_space<hbm>>
    tpu.wait_indirect_dma semaphore(%arg13 : memref<!tpu.dma_semaphore, #tpu.memory_space<semaphore_mem>>) src(%dma_wait3A_372 : memref<1000x64xf32, #tpu.memory_space<hbm>>) dst(%dma_wait3A_366 : memref<128x64xf32, #tpu.memory_space<vmem>>)
    %dma_start3A_373 = arith.constant 0 : i32
    %dma_start3A_374 = arith.constant 3 : i32
    %dma_start3A_375 = arith.constant 3 : i32
    %dma_start3A_376 = arith.constant 0 : i32
    %dma_start3A_377 = arith.constant 0 : i32
    %dma_start3A_378 = tpu.memref_slice %arg12[%dma_start3A_373, %dma_start3A_374, %dma_start3A_376, %dma_start3A_377] : memref<3x4x128x64xf32, #tpu.memory_space<vmem>> -> memref<1x1x128x64xf32, #tpu.memory_space<vmem>>
    %dma_start3A_379 = tpu.memref_squeeze %dma_start3A_378 : memref<1x1x128x64xf32, #tpu.memory_space<vmem>> -> memref<128x64xf32, #tpu.memory_space<vmem>>
    %dma_start3A_380 = arith.constant 0 : i32
    %dma_start3A_381 = tpu.memref_slice %arg10[%add3A_266, %dma_start3A_375, %dma_start3A_380] : memref<16384x4x64xf32, #tpu.memory_space<hbm>> -> memref<128x1x64xf32, #tpu.memory_space<hbm>>
    %dma_start3A_382 = tpu.memref_squeeze %dma_start3A_381 : memref<128x1x64xf32, #tpu.memory_space<hbm>> -> memref<128x64xf32, #tpu.memory_space<hbm>>
    %dma_start3A_383 = arith.constant 0 : i32
    %dma_start3A_384 = tpu.memref_slice %arg10[%add3A_266, %dma_start3A_375, %dma_start3A_383] : memref<16384x4x64xf32, #tpu.memory_space<hbm>> -> memref<128x1x64xf32, #tpu.memory_space<hbm>>
    %dma_start3A_385 = tpu.memref_squeeze %dma_start3A_384 : memref<128x1x64xf32, #tpu.memory_space<hbm>> -> memref<128x64xf32, #tpu.memory_space<hbm>>
    %dma_start3A_386 = arith.constant 0 : i32
    %dma_start3A_387 = arith.constant 0 : i32
    %dma_start3A_388 = tpu.memref_slice %arg12[%dma_start3A_373, %dma_start3A_374, %dma_start3A_386, %dma_start3A_387] : memref<3x4x128x64xf32, #tpu.memory_space<vmem>> -> memref<1x1x128x64xf32, #tpu.memory_space<vmem>>
    %dma_start3A_389 = tpu.memref_squeeze %dma_start3A_388 : memref<1x1x128x64xf32, #tpu.memory_space<vmem>> -> memref<128x64xf32, #tpu.memory_space<vmem>>
    tpu.enqueue_dma source(%dma_start3A_389 : memref<128x64xf32, #tpu.memory_space<vmem>>) target(%dma_start3A_385 : memref<128x64xf32, #tpu.memory_space<hbm>>) target_semaphore(%arg16 : memref<!tpu.dma_semaphore, #tpu.memory_space<semaphore_mem>>)
    %mul3A_390 = arith.constant 512 : i32
    %mul3A_391 = arith.muli %add3A, %mul3A_390 : i32
    %add3A_392 = arith.constant 128 : i32
    %add3A_393 = arith.addi %mul3A_391, %add3A_392 : i32
    %dma_wait3A_394 = arith.constant 0 : i32
    %dma_wait3A_395 = arith.constant 1 : i32
    %dma_wait3A_396 = arith.constant 1 : i32
    %dma_wait3A_397 = arith.constant 0 : i32
    %dma_wait3A_398 = arith.constant 0 : i32
    %dma_wait3A_399 = arith.constant 0 : i32
    %dma_wait3A_400 = tpu.memref_slice %arg12[%dma_wait3A_396, %dma_wait3A_397, %dma_wait3A_398, %dma_wait3A_399] : memref<3x4x128x64xf32, #tpu.memory_space<vmem>> -> memref<1x1x128x64xf32, #tpu.memory_space<vmem>>
    %dma_wait3A_401 = tpu.memref_squeeze %dma_wait3A_400 : memref<1x1x128x64xf32, #tpu.memory_space<vmem>> -> memref<128x64xf32, #tpu.memory_space<vmem>>
    %dma_wait3A_402 = arith.constant 0 : i32
    %dma_wait3A_403 = tpu.memref_slice %arg11[%dma_wait3A_394, %dma_wait3A_395, %dma_wait3A_402] : memref<4x4x128xi32, #tpu.memory_space<vmem>> -> memref<1x1x128xi32, #tpu.memory_space<vmem>>
    %dma_wait3A_404 = tpu.memref_squeeze %dma_wait3A_403 : memref<1x1x128xi32, #tpu.memory_space<vmem>> -> memref<128xi32, #tpu.memory_space<vmem>>
    %dma_wait3A_405 = arith.constant 0 : i32
    %dma_wait3A_406 = arith.constant 0 : i32
    %dma_wait3A_407 = tpu.memref_slice %arg6[%dma_wait3A_405, %dma_wait3A_406] : memref<1000000x64xf32, #tpu.memory_space<hbm>> -> memref<1000000x64xf32, #tpu.memory_space<hbm>>
    tpu.wait_indirect_dma semaphore(%arg14 : memref<!tpu.dma_semaphore, #tpu.memory_space<semaphore_mem>>) src(%dma_wait3A_407 : memref<1000000x64xf32, #tpu.memory_space<hbm>>) dst(%dma_wait3A_401 : memref<128x64xf32, #tpu.memory_space<vmem>>)
    %dma_start3A_408 = arith.constant 1 : i32
    %dma_start3A_409 = arith.constant 0 : i32
    %dma_start3A_410 = arith.constant 0 : i32
    %dma_start3A_411 = arith.constant 0 : i32
    %dma_start3A_412 = arith.constant 0 : i32
    %dma_start3A_413 = tpu.memref_slice %arg12[%dma_start3A_408, %dma_start3A_409, %dma_start3A_411, %dma_start3A_412] : memref<3x4x128x64xf32, #tpu.memory_space<vmem>> -> memref<1x1x128x64xf32, #tpu.memory_space<vmem>>
    %dma_start3A_414 = tpu.memref_squeeze %dma_start3A_413 : memref<1x1x128x64xf32, #tpu.memory_space<vmem>> -> memref<128x64xf32, #tpu.memory_space<vmem>>
    %dma_start3A_415 = arith.constant 0 : i32
    %dma_start3A_416 = tpu.memref_slice %arg10[%add3A_393, %dma_start3A_410, %dma_start3A_415] : memref<16384x4x64xf32, #tpu.memory_space<hbm>> -> memref<128x1x64xf32, #tpu.memory_space<hbm>>
    %dma_start3A_417 = tpu.memref_squeeze %dma_start3A_416 : memref<128x1x64xf32, #tpu.memory_space<hbm>> -> memref<128x64xf32, #tpu.memory_space<hbm>>
    %dma_start3A_418 = arith.constant 0 : i32
    %dma_start3A_419 = tpu.memref_slice %arg10[%add3A_393, %dma_start3A_410, %dma_start3A_418] : memref<16384x4x64xf32, #tpu.memory_space<hbm>> -> memref<128x1x64xf32, #tpu.memory_space<hbm>>
    %dma_start3A_420 = tpu.memref_squeeze %dma_start3A_419 : memref<128x1x64xf32, #tpu.memory_space<hbm>> -> memref<128x64xf32, #tpu.memory_space<hbm>>
    %dma_start3A_421 = arith.constant 0 : i32
    %dma_start3A_422 = arith.constant 0 : i32
    %dma_start3A_423 = tpu.memref_slice %arg12[%dma_start3A_408, %dma_start3A_409, %dma_start3A_421, %dma_start3A_422] : memref<3x4x128x64xf32, #tpu.memory_space<vmem>> -> memref<1x1x128x64xf32, #tpu.memory_space<vmem>>
    %dma_start3A_424 = tpu.memref_squeeze %dma_start3A_423 : memref<1x1x128x64xf32, #tpu.memory_space<vmem>> -> memref<128x64xf32, #tpu.memory_space<vmem>>
    tpu.enqueue_dma source(%dma_start3A_424 : memref<128x64xf32, #tpu.memory_space<vmem>>) target(%dma_start3A_420 : memref<128x64xf32, #tpu.memory_space<hbm>>) target_semaphore(%arg17 : memref<!tpu.dma_semaphore, #tpu.memory_space<semaphore_mem>>)
    %dma_wait3A_425 = arith.constant 1 : i32
    %dma_wait3A_426 = arith.constant 1 : i32
    %dma_wait3A_427 = arith.constant 1 : i32
    %dma_wait3A_428 = arith.constant 1 : i32
    %dma_wait3A_429 = arith.constant 0 : i32
    %dma_wait3A_430 = arith.constant 0 : i32
    %dma_wait3A_431 = tpu.memref_slice %arg12[%dma_wait3A_427, %dma_wait3A_428, %dma_wait3A_429, %dma_wait3A_430] : memref<3x4x128x64xf32, #tpu.memory_space<vmem>> -> memref<1x1x128x64xf32, #tpu.memory_space<vmem>>
    %dma_wait3A_432 = tpu.memref_squeeze %dma_wait3A_431 : memref<1x1x128x64xf32, #tpu.memory_space<vmem>> -> memref<128x64xf32, #tpu.memory_space<vmem>>
    %dma_wait3A_433 = arith.constant 0 : i32
    %dma_wait3A_434 = tpu.memref_slice %arg11[%dma_wait3A_425, %dma_wait3A_426, %dma_wait3A_433] : memref<4x4x128xi32, #tpu.memory_space<vmem>> -> memref<1x1x128xi32, #tpu.memory_space<vmem>>
    %dma_wait3A_435 = tpu.memref_squeeze %dma_wait3A_434 : memref<1x1x128xi32, #tpu.memory_space<vmem>> -> memref<128xi32, #tpu.memory_space<vmem>>
    %dma_wait3A_436 = arith.constant 0 : i32
    %dma_wait3A_437 = arith.constant 0 : i32
    %dma_wait3A_438 = tpu.memref_slice %arg7[%dma_wait3A_436, %dma_wait3A_437] : memref<100000x64xf32, #tpu.memory_space<hbm>> -> memref<100000x64xf32, #tpu.memory_space<hbm>>
    tpu.wait_indirect_dma semaphore(%arg14 : memref<!tpu.dma_semaphore, #tpu.memory_space<semaphore_mem>>) src(%dma_wait3A_438 : memref<100000x64xf32, #tpu.memory_space<hbm>>) dst(%dma_wait3A_432 : memref<128x64xf32, #tpu.memory_space<vmem>>)
    %dma_start3A_439 = arith.constant 1 : i32
    %dma_start3A_440 = arith.constant 1 : i32
    %dma_start3A_441 = arith.constant 1 : i32
    %dma_start3A_442 = arith.constant 0 : i32
    %dma_start3A_443 = arith.constant 0 : i32
    %dma_start3A_444 = tpu.memref_slice %arg12[%dma_start3A_439, %dma_start3A_440, %dma_start3A_442, %dma_start3A_443] : memref<3x4x128x64xf32, #tpu.memory_space<vmem>> -> memref<1x1x128x64xf32, #tpu.memory_space<vmem>>
    %dma_start3A_445 = tpu.memref_squeeze %dma_start3A_444 : memref<1x1x128x64xf32, #tpu.memory_space<vmem>> -> memref<128x64xf32, #tpu.memory_space<vmem>>
    %dma_start3A_446 = arith.constant 0 : i32
    %dma_start3A_447 = tpu.memref_slice %arg10[%add3A_393, %dma_start3A_441, %dma_start3A_446] : memref<16384x4x64xf32, #tpu.memory_space<hbm>> -> memref<128x1x64xf32, #tpu.memory_space<hbm>>
    %dma_start3A_448 = tpu.memref_squeeze %dma_start3A_447 : memref<128x1x64xf32, #tpu.memory_space<hbm>> -> memref<128x64xf32, #tpu.memory_space<hbm>>
    %dma_start3A_449 = arith.constant 0 : i32
    %dma_start3A_450 = tpu.memref_slice %arg10[%add3A_393, %dma_start3A_441, %dma_start3A_449] : memref<16384x4x64xf32, #tpu.memory_space<hbm>> -> memref<128x1x64xf32, #tpu.memory_space<hbm>>
    %dma_start3A_451 = tpu.memref_squeeze %dma_start3A_450 : memref<128x1x64xf32, #tpu.memory_space<hbm>> -> memref<128x64xf32, #tpu.memory_space<hbm>>
    %dma_start3A_452 = arith.constant 0 : i32
    %dma_start3A_453 = arith.constant 0 : i32
    %dma_start3A_454 = tpu.memref_slice %arg12[%dma_start3A_439, %dma_start3A_440, %dma_start3A_452, %dma_start3A_453] : memref<3x4x128x64xf32, #tpu.memory_space<vmem>> -> memref<1x1x128x64xf32, #tpu.memory_space<vmem>>
    %dma_start3A_455 = tpu.memref_squeeze %dma_start3A_454 : memref<1x1x128x64xf32, #tpu.memory_space<vmem>> -> memref<128x64xf32, #tpu.memory_space<vmem>>
    tpu.enqueue_dma source(%dma_start3A_455 : memref<128x64xf32, #tpu.memory_space<vmem>>) target(%dma_start3A_451 : memref<128x64xf32, #tpu.memory_space<hbm>>) target_semaphore(%arg17 : memref<!tpu.dma_semaphore, #tpu.memory_space<semaphore_mem>>)
    %dma_wait3A_456 = arith.constant 2 : i32
    %dma_wait3A_457 = arith.constant 1 : i32
    %dma_wait3A_458 = arith.constant 1 : i32
    %dma_wait3A_459 = arith.constant 2 : i32
    %dma_wait3A_460 = arith.constant 0 : i32
    %dma_wait3A_461 = arith.constant 0 : i32
    %dma_wait3A_462 = tpu.memref_slice %arg12[%dma_wait3A_458, %dma_wait3A_459, %dma_wait3A_460, %dma_wait3A_461] : memref<3x4x128x64xf32, #tpu.memory_space<vmem>> -> memref<1x1x128x64xf32, #tpu.memory_space<vmem>>
    %dma_wait3A_463 = tpu.memref_squeeze %dma_wait3A_462 : memref<1x1x128x64xf32, #tpu.memory_space<vmem>> -> memref<128x64xf32, #tpu.memory_space<vmem>>
    %dma_wait3A_464 = arith.constant 0 : i32
    %dma_wait3A_465 = tpu.memref_slice %arg11[%dma_wait3A_456, %dma_wait3A_457, %dma_wait3A_464] : memref<4x4x128xi32, #tpu.memory_space<vmem>> -> memref<1x1x128xi32, #tpu.memory_space<vmem>>
    %dma_wait3A_466 = tpu.memref_squeeze %dma_wait3A_465 : memref<1x1x128xi32, #tpu.memory_space<vmem>> -> memref<128xi32, #tpu.memory_space<vmem>>
    %dma_wait3A_467 = arith.constant 0 : i32
    %dma_wait3A_468 = arith.constant 0 : i32
    %dma_wait3A_469 = tpu.memref_slice %arg8[%dma_wait3A_467, %dma_wait3A_468] : memref<1000x64xf32, #tpu.memory_space<hbm>> -> memref<1000x64xf32, #tpu.memory_space<hbm>>
    tpu.wait_indirect_dma semaphore(%arg14 : memref<!tpu.dma_semaphore, #tpu.memory_space<semaphore_mem>>) src(%dma_wait3A_469 : memref<1000x64xf32, #tpu.memory_space<hbm>>) dst(%dma_wait3A_463 : memref<128x64xf32, #tpu.memory_space<vmem>>)
    %dma_start3A_470 = arith.constant 1 : i32
    %dma_start3A_471 = arith.constant 2 : i32
    %dma_start3A_472 = arith.constant 2 : i32
    %dma_start3A_473 = arith.constant 0 : i32
    %dma_start3A_474 = arith.constant 0 : i32
    %dma_start3A_475 = tpu.memref_slice %arg12[%dma_start3A_470, %dma_start3A_471, %dma_start3A_473, %dma_start3A_474] : memref<3x4x128x64xf32, #tpu.memory_space<vmem>> -> memref<1x1x128x64xf32, #tpu.memory_space<vmem>>
    %dma_start3A_476 = tpu.memref_squeeze %dma_start3A_475 : memref<1x1x128x64xf32, #tpu.memory_space<vmem>> -> memref<128x64xf32, #tpu.memory_space<vmem>>
    %dma_start3A_477 = arith.constant 0 : i32
    %dma_start3A_478 = tpu.memref_slice %arg10[%add3A_393, %dma_start3A_472, %dma_start3A_477] : memref<16384x4x64xf32, #tpu.memory_space<hbm>> -> memref<128x1x64xf32, #tpu.memory_space<hbm>>
    %dma_start3A_479 = tpu.memref_squeeze %dma_start3A_478 : memref<128x1x64xf32, #tpu.memory_space<hbm>> -> memref<128x64xf32, #tpu.memory_space<hbm>>
    %dma_start3A_480 = arith.constant 0 : i32
    %dma_start3A_481 = tpu.memref_slice %arg10[%add3A_393, %dma_start3A_472, %dma_start3A_480] : memref<16384x4x64xf32, #tpu.memory_space<hbm>> -> memref<128x1x64xf32, #tpu.memory_space<hbm>>
    %dma_start3A_482 = tpu.memref_squeeze %dma_start3A_481 : memref<128x1x64xf32, #tpu.memory_space<hbm>> -> memref<128x64xf32, #tpu.memory_space<hbm>>
    %dma_start3A_483 = arith.constant 0 : i32
    %dma_start3A_484 = arith.constant 0 : i32
    %dma_start3A_485 = tpu.memref_slice %arg12[%dma_start3A_470, %dma_start3A_471, %dma_start3A_483, %dma_start3A_484] : memref<3x4x128x64xf32, #tpu.memory_space<vmem>> -> memref<1x1x128x64xf32, #tpu.memory_space<vmem>>
    %dma_start3A_486 = tpu.memref_squeeze %dma_start3A_485 : memref<1x1x128x64xf32, #tpu.memory_space<vmem>> -> memref<128x64xf32, #tpu.memory_space<vmem>>
    tpu.enqueue_dma source(%dma_start3A_486 : memref<128x64xf32, #tpu.memory_space<vmem>>) target(%dma_start3A_482 : memref<128x64xf32, #tpu.memory_space<hbm>>) target_semaphore(%arg17 : memref<!tpu.dma_semaphore, #tpu.memory_space<semaphore_mem>>)
    %dma_wait3A_487 = arith.constant 3 : i32
    %dma_wait3A_488 = arith.constant 1 : i32
    %dma_wait3A_489 = arith.constant 1 : i32
    %dma_wait3A_490 = arith.constant 3 : i32
    %dma_wait3A_491 = arith.constant 0 : i32
    %dma_wait3A_492 = arith.constant 0 : i32
    %dma_wait3A_493 = tpu.memref_slice %arg12[%dma_wait3A_489, %dma_wait3A_490, %dma_wait3A_491, %dma_wait3A_492] : memref<3x4x128x64xf32, #tpu.memory_space<vmem>> -> memref<1x1x128x64xf32, #tpu.memory_space<vmem>>
    %dma_wait3A_494 = tpu.memref_squeeze %dma_wait3A_493 : memref<1x1x128x64xf32, #tpu.memory_space<vmem>> -> memref<128x64xf32, #tpu.memory_space<vmem>>
    %dma_wait3A_495 = arith.constant 0 : i32
    %dma_wait3A_496 = tpu.memref_slice %arg11[%dma_wait3A_487, %dma_wait3A_488, %dma_wait3A_495] : memref<4x4x128xi32, #tpu.memory_space<vmem>> -> memref<1x1x128xi32, #tpu.memory_space<vmem>>
    %dma_wait3A_497 = tpu.memref_squeeze %dma_wait3A_496 : memref<1x1x128xi32, #tpu.memory_space<vmem>> -> memref<128xi32, #tpu.memory_space<vmem>>
    %dma_wait3A_498 = arith.constant 0 : i32
    %dma_wait3A_499 = arith.constant 0 : i32
    %dma_wait3A_500 = tpu.memref_slice %arg9[%dma_wait3A_498, %dma_wait3A_499] : memref<1000x64xf32, #tpu.memory_space<hbm>> -> memref<1000x64xf32, #tpu.memory_space<hbm>>
    tpu.wait_indirect_dma semaphore(%arg14 : memref<!tpu.dma_semaphore, #tpu.memory_space<semaphore_mem>>) src(%dma_wait3A_500 : memref<1000x64xf32, #tpu.memory_space<hbm>>) dst(%dma_wait3A_494 : memref<128x64xf32, #tpu.memory_space<vmem>>)
    %dma_start3A_501 = arith.constant 1 : i32
    %dma_start3A_502 = arith.constant 3 : i32
    %dma_start3A_503 = arith.constant 3 : i32
    %dma_start3A_504 = arith.constant 0 : i32
    %dma_start3A_505 = arith.constant 0 : i32
    %dma_start3A_506 = tpu.memref_slice %arg12[%dma_start3A_501, %dma_start3A_502, %dma_start3A_504, %dma_start3A_505] : memref<3x4x128x64xf32, #tpu.memory_space<vmem>> -> memref<1x1x128x64xf32, #tpu.memory_space<vmem>>
    %dma_start3A_507 = tpu.memref_squeeze %dma_start3A_506 : memref<1x1x128x64xf32, #tpu.memory_space<vmem>> -> memref<128x64xf32, #tpu.memory_space<vmem>>
    %dma_start3A_508 = arith.constant 0 : i32
    %dma_start3A_509 = tpu.memref_slice %arg10[%add3A_393, %dma_start3A_503, %dma_start3A_508] : memref<16384x4x64xf32, #tpu.memory_space<hbm>> -> memref<128x1x64xf32, #tpu.memory_space<hbm>>
    %dma_start3A_510 = tpu.memref_squeeze %dma_start3A_509 : memref<128x1x64xf32, #tpu.memory_space<hbm>> -> memref<128x64xf32, #tpu.memory_space<hbm>>
    %dma_start3A_511 = arith.constant 0 : i32
    %dma_start3A_512 = tpu.memref_slice %arg10[%add3A_393, %dma_start3A_503, %dma_start3A_511] : memref<16384x4x64xf32, #tpu.memory_space<hbm>> -> memref<128x1x64xf32, #tpu.memory_space<hbm>>
    %dma_start3A_513 = tpu.memref_squeeze %dma_start3A_512 : memref<128x1x64xf32, #tpu.memory_space<hbm>> -> memref<128x64xf32, #tpu.memory_space<hbm>>
    %dma_start3A_514 = arith.constant 0 : i32
    %dma_start3A_515 = arith.constant 0 : i32
    %dma_start3A_516 = tpu.memref_slice %arg12[%dma_start3A_501, %dma_start3A_502, %dma_start3A_514, %dma_start3A_515] : memref<3x4x128x64xf32, #tpu.memory_space<vmem>> -> memref<1x1x128x64xf32, #tpu.memory_space<vmem>>
    %dma_start3A_517 = tpu.memref_squeeze %dma_start3A_516 : memref<1x1x128x64xf32, #tpu.memory_space<vmem>> -> memref<128x64xf32, #tpu.memory_space<vmem>>
    tpu.enqueue_dma source(%dma_start3A_517 : memref<128x64xf32, #tpu.memory_space<vmem>>) target(%dma_start3A_513 : memref<128x64xf32, #tpu.memory_space<hbm>>) target_semaphore(%arg17 : memref<!tpu.dma_semaphore, #tpu.memory_space<semaphore_mem>>)
    %dma_wait3A_518 = arith.constant 0 : i32
    %dma_wait3A_519 = arith.constant 0 : i32
    %dma_wait3A_520 = arith.constant 0 : i32
    %dma_wait3A_521 = arith.constant 0 : i32
    %dma_wait3A_522 = arith.constant 0 : i32
    %dma_wait3A_523 = tpu.memref_slice %arg12[%dma_wait3A_518, %dma_wait3A_519, %dma_wait3A_521, %dma_wait3A_522] : memref<3x4x128x64xf32, #tpu.memory_space<vmem>> -> memref<1x1x128x64xf32, #tpu.memory_space<vmem>>
    %dma_wait3A_524 = tpu.memref_squeeze %dma_wait3A_523 : memref<1x1x128x64xf32, #tpu.memory_space<vmem>> -> memref<128x64xf32, #tpu.memory_space<vmem>>
    %dma_wait3A_525 = arith.constant 0 : i32
    %dma_wait3A_526 = tpu.memref_slice %arg10[%add3A_266, %dma_wait3A_520, %dma_wait3A_525] : memref<16384x4x64xf32, #tpu.memory_space<hbm>> -> memref<128x1x64xf32, #tpu.memory_space<hbm>>
    %dma_wait3A_527 = tpu.memref_squeeze %dma_wait3A_526 : memref<128x1x64xf32, #tpu.memory_space<hbm>> -> memref<128x64xf32, #tpu.memory_space<hbm>>
    %dma_wait3A_528 = arith.constant 0 : i32
    %dma_wait3A_529 = tpu.memref_slice %arg10[%add3A_266, %dma_wait3A_520, %dma_wait3A_528] : memref<16384x4x64xf32, #tpu.memory_space<hbm>> -> memref<128x1x64xf32, #tpu.memory_space<hbm>>
    %dma_wait3A_530 = tpu.memref_squeeze %dma_wait3A_529 : memref<128x1x64xf32, #tpu.memory_space<hbm>> -> memref<128x64xf32, #tpu.memory_space<hbm>>
    %dma_wait3A_531 = arith.constant 0 : i32
    %dma_wait3A_532 = arith.constant 0 : i32
    %dma_wait3A_533 = tpu.memref_slice %arg12[%dma_wait3A_518, %dma_wait3A_519, %dma_wait3A_531, %dma_wait3A_532] : memref<3x4x128x64xf32, #tpu.memory_space<vmem>> -> memref<1x1x128x64xf32, #tpu.memory_space<vmem>>
    %dma_wait3A_534 = tpu.memref_squeeze %dma_wait3A_533 : memref<1x1x128x64xf32, #tpu.memory_space<vmem>> -> memref<128x64xf32, #tpu.memory_space<vmem>>
    tpu.wait_dma2 semaphore(%arg16 : memref<!tpu.dma_semaphore, #tpu.memory_space<semaphore_mem>>) src(%dma_wait3A_534 : memref<128x64xf32, #tpu.memory_space<vmem>>) dst(%dma_wait3A_530 : memref<128x64xf32, #tpu.memory_space<hbm>>)
    %dma_wait3A_535 = arith.constant 0 : i32
    %dma_wait3A_536 = arith.constant 1 : i32
    %dma_wait3A_537 = arith.constant 1 : i32
    %dma_wait3A_538 = arith.constant 0 : i32
    %dma_wait3A_539 = arith.constant 0 : i32
    %dma_wait3A_540 = tpu.memref_slice %arg12[%dma_wait3A_535, %dma_wait3A_536, %dma_wait3A_538, %dma_wait3A_539] : memref<3x4x128x64xf32, #tpu.memory_space<vmem>> -> memref<1x1x128x64xf32, #tpu.memory_space<vmem>>
    %dma_wait3A_541 = tpu.memref_squeeze %dma_wait3A_540 : memref<1x1x128x64xf32, #tpu.memory_space<vmem>> -> memref<128x64xf32, #tpu.memory_space<vmem>>
    %dma_wait3A_542 = arith.constant 0 : i32
    %dma_wait3A_543 = tpu.memref_slice %arg10[%add3A_266, %dma_wait3A_537, %dma_wait3A_542] : memref<16384x4x64xf32, #tpu.memory_space<hbm>> -> memref<128x1x64xf32, #tpu.memory_space<hbm>>
    %dma_wait3A_544 = tpu.memref_squeeze %dma_wait3A_543 : memref<128x1x64xf32, #tpu.memory_space<hbm>> -> memref<128x64xf32, #tpu.memory_space<hbm>>
    %dma_wait3A_545 = arith.constant 0 : i32
    %dma_wait3A_546 = tpu.memref_slice %arg10[%add3A_266, %dma_wait3A_537, %dma_wait3A_545] : memref<16384x4x64xf32, #tpu.memory_space<hbm>> -> memref<128x1x64xf32, #tpu.memory_space<hbm>>
    %dma_wait3A_547 = tpu.memref_squeeze %dma_wait3A_546 : memref<128x1x64xf32, #tpu.memory_space<hbm>> -> memref<128x64xf32, #tpu.memory_space<hbm>>
    %dma_wait3A_548 = arith.constant 0 : i32
    %dma_wait3A_549 = arith.constant 0 : i32
    %dma_wait3A_550 = tpu.memref_slice %arg12[%dma_wait3A_535, %dma_wait3A_536, %dma_wait3A_548, %dma_wait3A_549] : memref<3x4x128x64xf32, #tpu.memory_space<vmem>> -> memref<1x1x128x64xf32, #tpu.memory_space<vmem>>
    %dma_wait3A_551 = tpu.memref_squeeze %dma_wait3A_550 : memref<1x1x128x64xf32, #tpu.memory_space<vmem>> -> memref<128x64xf32, #tpu.memory_space<vmem>>
    tpu.wait_dma2 semaphore(%arg16 : memref<!tpu.dma_semaphore, #tpu.memory_space<semaphore_mem>>) src(%dma_wait3A_551 : memref<128x64xf32, #tpu.memory_space<vmem>>) dst(%dma_wait3A_547 : memref<128x64xf32, #tpu.memory_space<hbm>>)
    %dma_wait3A_552 = arith.constant 0 : i32
    %dma_wait3A_553 = arith.constant 2 : i32
    %dma_wait3A_554 = arith.constant 2 : i32
    %dma_wait3A_555 = arith.constant 0 : i32
    %dma_wait3A_556 = arith.constant 0 : i32
    %dma_wait3A_557 = tpu.memref_slice %arg12[%dma_wait3A_552, %dma_wait3A_553, %dma_wait3A_555, %dma_wait3A_556] : memref<3x4x128x64xf32, #tpu.memory_space<vmem>> -> memref<1x1x128x64xf32, #tpu.memory_space<vmem>>
    %dma_wait3A_558 = tpu.memref_squeeze %dma_wait3A_557 : memref<1x1x128x64xf32, #tpu.memory_space<vmem>> -> memref<128x64xf32, #tpu.memory_space<vmem>>
    %dma_wait3A_559 = arith.constant 0 : i32
    %dma_wait3A_560 = tpu.memref_slice %arg10[%add3A_266, %dma_wait3A_554, %dma_wait3A_559] : memref<16384x4x64xf32, #tpu.memory_space<hbm>> -> memref<128x1x64xf32, #tpu.memory_space<hbm>>
    %dma_wait3A_561 = tpu.memref_squeeze %dma_wait3A_560 : memref<128x1x64xf32, #tpu.memory_space<hbm>> -> memref<128x64xf32, #tpu.memory_space<hbm>>
    %dma_wait3A_562 = arith.constant 0 : i32
    %dma_wait3A_563 = tpu.memref_slice %arg10[%add3A_266, %dma_wait3A_554, %dma_wait3A_562] : memref<16384x4x64xf32, #tpu.memory_space<hbm>> -> memref<128x1x64xf32, #tpu.memory_space<hbm>>
    %dma_wait3A_564 = tpu.memref_squeeze %dma_wait3A_563 : memref<128x1x64xf32, #tpu.memory_space<hbm>> -> memref<128x64xf32, #tpu.memory_space<hbm>>
    %dma_wait3A_565 = arith.constant 0 : i32
    %dma_wait3A_566 = arith.constant 0 : i32
    %dma_wait3A_567 = tpu.memref_slice %arg12[%dma_wait3A_552, %dma_wait3A_553, %dma_wait3A_565, %dma_wait3A_566] : memref<3x4x128x64xf32, #tpu.memory_space<vmem>> -> memref<1x1x128x64xf32, #tpu.memory_space<vmem>>
    %dma_wait3A_568 = tpu.memref_squeeze %dma_wait3A_567 : memref<1x1x128x64xf32, #tpu.memory_space<vmem>> -> memref<128x64xf32, #tpu.memory_space<vmem>>
    tpu.wait_dma2 semaphore(%arg16 : memref<!tpu.dma_semaphore, #tpu.memory_space<semaphore_mem>>) src(%dma_wait3A_568 : memref<128x64xf32, #tpu.memory_space<vmem>>) dst(%dma_wait3A_564 : memref<128x64xf32, #tpu.memory_space<hbm>>)
    %dma_wait3A_569 = arith.constant 0 : i32
    %dma_wait3A_570 = arith.constant 3 : i32
    %dma_wait3A_571 = arith.constant 3 : i32
    %dma_wait3A_572 = arith.constant 0 : i32
    %dma_wait3A_573 = arith.constant 0 : i32
    %dma_wait3A_574 = tpu.memref_slice %arg12[%dma_wait3A_569, %dma_wait3A_570, %dma_wait3A_572, %dma_wait3A_573] : memref<3x4x128x64xf32, #tpu.memory_space<vmem>> -> memref<1x1x128x64xf32, #tpu.memory_space<vmem>>
    %dma_wait3A_575 = tpu.memref_squeeze %dma_wait3A_574 : memref<1x1x128x64xf32, #tpu.memory_space<vmem>> -> memref<128x64xf32, #tpu.memory_space<vmem>>
    %dma_wait3A_576 = arith.constant 0 : i32
    %dma_wait3A_577 = tpu.memref_slice %arg10[%add3A_266, %dma_wait3A_571, %dma_wait3A_576] : memref<16384x4x64xf32, #tpu.memory_space<hbm>> -> memref<128x1x64xf32, #tpu.memory_space<hbm>>
    %dma_wait3A_578 = tpu.memref_squeeze %dma_wait3A_577 : memref<128x1x64xf32, #tpu.memory_space<hbm>> -> memref<128x64xf32, #tpu.memory_space<hbm>>
    %dma_wait3A_579 = arith.constant 0 : i32
    %dma_wait3A_580 = tpu.memref_slice %arg10[%add3A_266, %dma_wait3A_571, %dma_wait3A_579] : memref<16384x4x64xf32, #tpu.memory_space<hbm>> -> memref<128x1x64xf32, #tpu.memory_space<hbm>>
    %dma_wait3A_581 = tpu.memref_squeeze %dma_wait3A_580 : memref<128x1x64xf32, #tpu.memory_space<hbm>> -> memref<128x64xf32, #tpu.memory_space<hbm>>
    %dma_wait3A_582 = arith.constant 0 : i32
    %dma_wait3A_583 = arith.constant 0 : i32
    %dma_wait3A_584 = tpu.memref_slice %arg12[%dma_wait3A_569, %dma_wait3A_570, %dma_wait3A_582, %dma_wait3A_583] : memref<3x4x128x64xf32, #tpu.memory_space<vmem>> -> memref<1x1x128x64xf32, #tpu.memory_space<vmem>>
    %dma_wait3A_585 = tpu.memref_squeeze %dma_wait3A_584 : memref<1x1x128x64xf32, #tpu.memory_space<vmem>> -> memref<128x64xf32, #tpu.memory_space<vmem>>
    tpu.wait_dma2 semaphore(%arg16 : memref<!tpu.dma_semaphore, #tpu.memory_space<semaphore_mem>>) src(%dma_wait3A_585 : memref<128x64xf32, #tpu.memory_space<vmem>>) dst(%dma_wait3A_581 : memref<128x64xf32, #tpu.memory_space<hbm>>)
    %dma_start3A_586 = arith.constant 0 : i32
    %dma_start3A_587 = arith.constant 3 : i32
    %dma_start3A_588 = arith.constant 0 : i32
    %dma_start3A_589 = arith.constant 0 : i32
    %dma_start3A_590 = arith.constant 0 : i32
    %dma_start3A_591 = arith.constant 0 : i32
    %dma_start3A_592 = tpu.memref_slice %arg12[%dma_start3A_588, %dma_start3A_589, %dma_start3A_590, %dma_start3A_591] : memref<3x4x128x64xf32, #tpu.memory_space<vmem>> -> memref<1x1x128x64xf32, #tpu.memory_space<vmem>>
    %dma_start3A_593 = tpu.memref_squeeze %dma_start3A_592 : memref<1x1x128x64xf32, #tpu.memory_space<vmem>> -> memref<128x64xf32, #tpu.memory_space<vmem>>
    %dma_start3A_594 = arith.constant 0 : i32
    %dma_start3A_595 = tpu.memref_slice %arg11[%dma_start3A_586, %dma_start3A_587, %dma_start3A_594] : memref<4x4x128xi32, #tpu.memory_space<vmem>> -> memref<1x1x128xi32, #tpu.memory_space<vmem>>
    %dma_start3A_596 = tpu.memref_squeeze %dma_start3A_595 : memref<1x1x128xi32, #tpu.memory_space<vmem>> -> memref<128xi32, #tpu.memory_space<vmem>>
    %dma_start3A_597 = arith.constant 0 : i32
    %dma_start3A_598 = arith.constant 0 : i32
    %dma_start3A_599 = tpu.memref_slice %arg6[%dma_start3A_597, %dma_start3A_598] : memref<1000000x64xf32, #tpu.memory_space<hbm>> -> memref<1000000x64xf32, #tpu.memory_space<hbm>>
    tpu.enqueue_indirect_dma source(%dma_start3A_599 : memref<1000000x64xf32, #tpu.memory_space<hbm>>) target(%dma_start3A_593 : memref<128x64xf32, #tpu.memory_space<vmem>>) offsets(%dma_start3A_596 : memref<128xi32, #tpu.memory_space<vmem>>) semaphore(%arg13 : memref<!tpu.dma_semaphore, #tpu.memory_space<semaphore_mem>>)
    %dma_start3A_600 = arith.constant 1 : i32
    %dma_start3A_601 = arith.constant 3 : i32
    %dma_start3A_602 = arith.constant 0 : i32
    %dma_start3A_603 = arith.constant 1 : i32
    %dma_start3A_604 = arith.constant 0 : i32
    %dma_start3A_605 = arith.constant 0 : i32
    %dma_start3A_606 = tpu.memref_slice %arg12[%dma_start3A_602, %dma_start3A_603, %dma_start3A_604, %dma_start3A_605] : memref<3x4x128x64xf32, #tpu.memory_space<vmem>> -> memref<1x1x128x64xf32, #tpu.memory_space<vmem>>
    %dma_start3A_607 = tpu.memref_squeeze %dma_start3A_606 : memref<1x1x128x64xf32, #tpu.memory_space<vmem>> -> memref<128x64xf32, #tpu.memory_space<vmem>>
    %dma_start3A_608 = arith.constant 0 : i32
    %dma_start3A_609 = tpu.memref_slice %arg11[%dma_start3A_600, %dma_start3A_601, %dma_start3A_608] : memref<4x4x128xi32, #tpu.memory_space<vmem>> -> memref<1x1x128xi32, #tpu.memory_space<vmem>>
    %dma_start3A_610 = tpu.memref_squeeze %dma_start3A_609 : memref<1x1x128xi32, #tpu.memory_space<vmem>> -> memref<128xi32, #tpu.memory_space<vmem>>
    %dma_start3A_611 = arith.constant 0 : i32
    %dma_start3A_612 = arith.constant 0 : i32
    %dma_start3A_613 = tpu.memref_slice %arg7[%dma_start3A_611, %dma_start3A_612] : memref<100000x64xf32, #tpu.memory_space<hbm>> -> memref<100000x64xf32, #tpu.memory_space<hbm>>
    tpu.enqueue_indirect_dma source(%dma_start3A_613 : memref<100000x64xf32, #tpu.memory_space<hbm>>) target(%dma_start3A_607 : memref<128x64xf32, #tpu.memory_space<vmem>>) offsets(%dma_start3A_610 : memref<128xi32, #tpu.memory_space<vmem>>) semaphore(%arg13 : memref<!tpu.dma_semaphore, #tpu.memory_space<semaphore_mem>>)
    %dma_start3A_614 = arith.constant 2 : i32
    %dma_start3A_615 = arith.constant 3 : i32
    %dma_start3A_616 = arith.constant 0 : i32
    %dma_start3A_617 = arith.constant 2 : i32
    %dma_start3A_618 = arith.constant 0 : i32
    %dma_start3A_619 = arith.constant 0 : i32
    %dma_start3A_620 = tpu.memref_slice %arg12[%dma_start3A_616, %dma_start3A_617, %dma_start3A_618, %dma_start3A_619] : memref<3x4x128x64xf32, #tpu.memory_space<vmem>> -> memref<1x1x128x64xf32, #tpu.memory_space<vmem>>
    %dma_start3A_621 = tpu.memref_squeeze %dma_start3A_620 : memref<1x1x128x64xf32, #tpu.memory_space<vmem>> -> memref<128x64xf32, #tpu.memory_space<vmem>>
    %dma_start3A_622 = arith.constant 0 : i32
    %dma_start3A_623 = tpu.memref_slice %arg11[%dma_start3A_614, %dma_start3A_615, %dma_start3A_622] : memref<4x4x128xi32, #tpu.memory_space<vmem>> -> memref<1x1x128xi32, #tpu.memory_space<vmem>>
    %dma_start3A_624 = tpu.memref_squeeze %dma_start3A_623 : memref<1x1x128xi32, #tpu.memory_space<vmem>> -> memref<128xi32, #tpu.memory_space<vmem>>
    %dma_start3A_625 = arith.constant 0 : i32
    %dma_start3A_626 = arith.constant 0 : i32
    %dma_start3A_627 = tpu.memref_slice %arg8[%dma_start3A_625, %dma_start3A_626] : memref<1000x64xf32, #tpu.memory_space<hbm>> -> memref<1000x64xf32, #tpu.memory_space<hbm>>
    tpu.enqueue_indirect_dma source(%dma_start3A_627 : memref<1000x64xf32, #tpu.memory_space<hbm>>) target(%dma_start3A_621 : memref<128x64xf32, #tpu.memory_space<vmem>>) offsets(%dma_start3A_624 : memref<128xi32, #tpu.memory_space<vmem>>) semaphore(%arg13 : memref<!tpu.dma_semaphore, #tpu.memory_space<semaphore_mem>>)
    %dma_start3A_628 = arith.constant 3 : i32
    %dma_start3A_629 = arith.constant 3 : i32
    %dma_start3A_630 = arith.constant 0 : i32
    %dma_start3A_631 = arith.constant 3 : i32
    %dma_start3A_632 = arith.constant 0 : i32
    %dma_start3A_633 = arith.constant 0 : i32
    %dma_start3A_634 = tpu.memref_slice %arg12[%dma_start3A_630, %dma_start3A_631, %dma_start3A_632, %dma_start3A_633] : memref<3x4x128x64xf32, #tpu.memory_space<vmem>> -> memref<1x1x128x64xf32, #tpu.memory_space<vmem>>
    %dma_start3A_635 = tpu.memref_squeeze %dma_start3A_634 : memref<1x1x128x64xf32, #tpu.memory_space<vmem>> -> memref<128x64xf32, #tpu.memory_space<vmem>>
    %dma_start3A_636 = arith.constant 0 : i32
    %dma_start3A_637 = tpu.memref_slice %arg11[%dma_start3A_628, %dma_start3A_629, %dma_start3A_636] : memref<4x4x128xi32, #tpu.memory_space<vmem>> -> memref<1x1x128xi32, #tpu.memory_space<vmem>>
    %dma_start3A_638 = tpu.memref_squeeze %dma_start3A_637 : memref<1x1x128xi32, #tpu.memory_space<vmem>> -> memref<128xi32, #tpu.memory_space<vmem>>
    %dma_start3A_639 = arith.constant 0 : i32
    %dma_start3A_640 = arith.constant 0 : i32
    %dma_start3A_641 = tpu.memref_slice %arg9[%dma_start3A_639, %dma_start3A_640] : memref<1000x64xf32, #tpu.memory_space<hbm>> -> memref<1000x64xf32, #tpu.memory_space<hbm>>
    tpu.enqueue_indirect_dma source(%dma_start3A_641 : memref<1000x64xf32, #tpu.memory_space<hbm>>) target(%dma_start3A_635 : memref<128x64xf32, #tpu.memory_space<vmem>>) offsets(%dma_start3A_638 : memref<128xi32, #tpu.memory_space<vmem>>) semaphore(%arg13 : memref<!tpu.dma_semaphore, #tpu.memory_space<semaphore_mem>>)
    %mul3A_642 = arith.constant 512 : i32
    %mul3A_643 = arith.muli %add3A, %mul3A_642 : i32
    %add3A_644 = arith.constant 256 : i32
    %add3A_645 = arith.addi %mul3A_643, %add3A_644 : i32
    %dma_wait3A_646 = arith.constant 0 : i32
    %dma_wait3A_647 = arith.constant 2 : i32
    %dma_wait3A_648 = arith.constant 2 : i32
    %dma_wait3A_649 = arith.constant 0 : i32
    %dma_wait3A_650 = arith.constant 0 : i32
    %dma_wait3A_651 = arith.constant 0 : i32
    %dma_wait3A_652 = tpu.memref_slice %arg12[%dma_wait3A_648, %dma_wait3A_649, %dma_wait3A_650, %dma_wait3A_651] : memref<3x4x128x64xf32, #tpu.memory_space<vmem>> -> memref<1x1x128x64xf32, #tpu.memory_space<vmem>>
    %dma_wait3A_653 = tpu.memref_squeeze %dma_wait3A_652 : memref<1x1x128x64xf32, #tpu.memory_space<vmem>> -> memref<128x64xf32, #tpu.memory_space<vmem>>
    %dma_wait3A_654 = arith.constant 0 : i32
    %dma_wait3A_655 = tpu.memref_slice %arg11[%dma_wait3A_646, %dma_wait3A_647, %dma_wait3A_654] : memref<4x4x128xi32, #tpu.memory_space<vmem>> -> memref<1x1x128xi32, #tpu.memory_space<vmem>>
    %dma_wait3A_656 = tpu.memref_squeeze %dma_wait3A_655 : memref<1x1x128xi32, #tpu.memory_space<vmem>> -> memref<128xi32, #tpu.memory_space<vmem>>
    %dma_wait3A_657 = arith.constant 0 : i32
    %dma_wait3A_658 = arith.constant 0 : i32
    %dma_wait3A_659 = tpu.memref_slice %arg6[%dma_wait3A_657, %dma_wait3A_658] : memref<1000000x64xf32, #tpu.memory_space<hbm>> -> memref<1000000x64xf32, #tpu.memory_space<hbm>>
    tpu.wait_indirect_dma semaphore(%arg15 : memref<!tpu.dma_semaphore, #tpu.memory_space<semaphore_mem>>) src(%dma_wait3A_659 : memref<1000000x64xf32, #tpu.memory_space<hbm>>) dst(%dma_wait3A_653 : memref<128x64xf32, #tpu.memory_space<vmem>>)
    %dma_start3A_660 = arith.constant 2 : i32
    %dma_start3A_661 = arith.constant 0 : i32
    %dma_start3A_662 = arith.constant 0 : i32
    %dma_start3A_663 = arith.constant 0 : i32
    %dma_start3A_664 = arith.constant 0 : i32
    %dma_start3A_665 = tpu.memref_slice %arg12[%dma_start3A_660, %dma_start3A_661, %dma_start3A_663, %dma_start3A_664] : memref<3x4x128x64xf32, #tpu.memory_space<vmem>> -> memref<1x1x128x64xf32, #tpu.memory_space<vmem>>
    %dma_start3A_666 = tpu.memref_squeeze %dma_start3A_665 : memref<1x1x128x64xf32, #tpu.memory_space<vmem>> -> memref<128x64xf32, #tpu.memory_space<vmem>>
    %dma_start3A_667 = arith.constant 0 : i32
    %dma_start3A_668 = tpu.memref_slice %arg10[%add3A_645, %dma_start3A_662, %dma_start3A_667] : memref<16384x4x64xf32, #tpu.memory_space<hbm>> -> memref<128x1x64xf32, #tpu.memory_space<hbm>>
    %dma_start3A_669 = tpu.memref_squeeze %dma_start3A_668 : memref<128x1x64xf32, #tpu.memory_space<hbm>> -> memref<128x64xf32, #tpu.memory_space<hbm>>
    %dma_start3A_670 = arith.constant 0 : i32
    %dma_start3A_671 = tpu.memref_slice %arg10[%add3A_645, %dma_start3A_662, %dma_start3A_670] : memref<16384x4x64xf32, #tpu.memory_space<hbm>> -> memref<128x1x64xf32, #tpu.memory_space<hbm>>
    %dma_start3A_672 = tpu.memref_squeeze %dma_start3A_671 : memref<128x1x64xf32, #tpu.memory_space<hbm>> -> memref<128x64xf32, #tpu.memory_space<hbm>>
    %dma_start3A_673 = arith.constant 0 : i32
    %dma_start3A_674 = arith.constant 0 : i32
    %dma_start3A_675 = tpu.memref_slice %arg12[%dma_start3A_660, %dma_start3A_661, %dma_start3A_673, %dma_start3A_674] : memref<3x4x128x64xf32, #tpu.memory_space<vmem>> -> memref<1x1x128x64xf32, #tpu.memory_space<vmem>>
    %dma_start3A_676 = tpu.memref_squeeze %dma_start3A_675 : memref<1x1x128x64xf32, #tpu.memory_space<vmem>> -> memref<128x64xf32, #tpu.memory_space<vmem>>
    tpu.enqueue_dma source(%dma_start3A_676 : memref<128x64xf32, #tpu.memory_space<vmem>>) target(%dma_start3A_672 : memref<128x64xf32, #tpu.memory_space<hbm>>) target_semaphore(%arg18 : memref<!tpu.dma_semaphore, #tpu.memory_space<semaphore_mem>>)
    %dma_wait3A_677 = arith.constant 1 : i32
    %dma_wait3A_678 = arith.constant 2 : i32
    %dma_wait3A_679 = arith.constant 2 : i32
    %dma_wait3A_680 = arith.constant 1 : i32
    %dma_wait3A_681 = arith.constant 0 : i32
    %dma_wait3A_682 = arith.constant 0 : i32
    %dma_wait3A_683 = tpu.memref_slice %arg12[%dma_wait3A_679, %dma_wait3A_680, %dma_wait3A_681, %dma_wait3A_682] : memref<3x4x128x64xf32, #tpu.memory_space<vmem>> -> memref<1x1x128x64xf32, #tpu.memory_space<vmem>>
    %dma_wait3A_684 = tpu.memref_squeeze %dma_wait3A_683 : memref<1x1x128x64xf32, #tpu.memory_space<vmem>> -> memref<128x64xf32, #tpu.memory_space<vmem>>
    %dma_wait3A_685 = arith.constant 0 : i32
    %dma_wait3A_686 = tpu.memref_slice %arg11[%dma_wait3A_677, %dma_wait3A_678, %dma_wait3A_685] : memref<4x4x128xi32, #tpu.memory_space<vmem>> -> memref<1x1x128xi32, #tpu.memory_space<vmem>>
    %dma_wait3A_687 = tpu.memref_squeeze %dma_wait3A_686 : memref<1x1x128xi32, #tpu.memory_space<vmem>> -> memref<128xi32, #tpu.memory_space<vmem>>
    %dma_wait3A_688 = arith.constant 0 : i32
    %dma_wait3A_689 = arith.constant 0 : i32
    %dma_wait3A_690 = tpu.memref_slice %arg7[%dma_wait3A_688, %dma_wait3A_689] : memref<100000x64xf32, #tpu.memory_space<hbm>> -> memref<100000x64xf32, #tpu.memory_space<hbm>>
    tpu.wait_indirect_dma semaphore(%arg15 : memref<!tpu.dma_semaphore, #tpu.memory_space<semaphore_mem>>) src(%dma_wait3A_690 : memref<100000x64xf32, #tpu.memory_space<hbm>>) dst(%dma_wait3A_684 : memref<128x64xf32, #tpu.memory_space<vmem>>)
    %dma_start3A_691 = arith.constant 2 : i32
    %dma_start3A_692 = arith.constant 1 : i32
    %dma_start3A_693 = arith.constant 1 : i32
    %dma_start3A_694 = arith.constant 0 : i32
    %dma_start3A_695 = arith.constant 0 : i32
    %dma_start3A_696 = tpu.memref_slice %arg12[%dma_start3A_691, %dma_start3A_692, %dma_start3A_694, %dma_start3A_695] : memref<3x4x128x64xf32, #tpu.memory_space<vmem>> -> memref<1x1x128x64xf32, #tpu.memory_space<vmem>>
    %dma_start3A_697 = tpu.memref_squeeze %dma_start3A_696 : memref<1x1x128x64xf32, #tpu.memory_space<vmem>> -> memref<128x64xf32, #tpu.memory_space<vmem>>
    %dma_start3A_698 = arith.constant 0 : i32
    %dma_start3A_699 = tpu.memref_slice %arg10[%add3A_645, %dma_start3A_693, %dma_start3A_698] : memref<16384x4x64xf32, #tpu.memory_space<hbm>> -> memref<128x1x64xf32, #tpu.memory_space<hbm>>
    %dma_start3A_700 = tpu.memref_squeeze %dma_start3A_699 : memref<128x1x64xf32, #tpu.memory_space<hbm>> -> memref<128x64xf32, #tpu.memory_space<hbm>>
    %dma_start3A_701 = arith.constant 0 : i32
    %dma_start3A_702 = tpu.memref_slice %arg10[%add3A_645, %dma_start3A_693, %dma_start3A_701] : memref<16384x4x64xf32, #tpu.memory_space<hbm>> -> memref<128x1x64xf32, #tpu.memory_space<hbm>>
    %dma_start3A_703 = tpu.memref_squeeze %dma_start3A_702 : memref<128x1x64xf32, #tpu.memory_space<hbm>> -> memref<128x64xf32, #tpu.memory_space<hbm>>
    %dma_start3A_704 = arith.constant 0 : i32
    %dma_start3A_705 = arith.constant 0 : i32
    %dma_start3A_706 = tpu.memref_slice %arg12[%dma_start3A_691, %dma_start3A_692, %dma_start3A_704, %dma_start3A_705] : memref<3x4x128x64xf32, #tpu.memory_space<vmem>> -> memref<1x1x128x64xf32, #tpu.memory_space<vmem>>
    %dma_start3A_707 = tpu.memref_squeeze %dma_start3A_706 : memref<1x1x128x64xf32, #tpu.memory_space<vmem>> -> memref<128x64xf32, #tpu.memory_space<vmem>>
    tpu.enqueue_dma source(%dma_start3A_707 : memref<128x64xf32, #tpu.memory_space<vmem>>) target(%dma_start3A_703 : memref<128x64xf32, #tpu.memory_space<hbm>>) target_semaphore(%arg18 : memref<!tpu.dma_semaphore, #tpu.memory_space<semaphore_mem>>)
    %dma_wait3A_708 = arith.constant 2 : i32
    %dma_wait3A_709 = arith.constant 2 : i32
    %dma_wait3A_710 = arith.constant 2 : i32
    %dma_wait3A_711 = arith.constant 2 : i32
    %dma_wait3A_712 = arith.constant 0 : i32
    %dma_wait3A_713 = arith.constant 0 : i32
    %dma_wait3A_714 = tpu.memref_slice %arg12[%dma_wait3A_710, %dma_wait3A_711, %dma_wait3A_712, %dma_wait3A_713] : memref<3x4x128x64xf32, #tpu.memory_space<vmem>> -> memref<1x1x128x64xf32, #tpu.memory_space<vmem>>
    %dma_wait3A_715 = tpu.memref_squeeze %dma_wait3A_714 : memref<1x1x128x64xf32, #tpu.memory_space<vmem>> -> memref<128x64xf32, #tpu.memory_space<vmem>>
    %dma_wait3A_716 = arith.constant 0 : i32
    %dma_wait3A_717 = tpu.memref_slice %arg11[%dma_wait3A_708, %dma_wait3A_709, %dma_wait3A_716] : memref<4x4x128xi32, #tpu.memory_space<vmem>> -> memref<1x1x128xi32, #tpu.memory_space<vmem>>
    %dma_wait3A_718 = tpu.memref_squeeze %dma_wait3A_717 : memref<1x1x128xi32, #tpu.memory_space<vmem>> -> memref<128xi32, #tpu.memory_space<vmem>>
    %dma_wait3A_719 = arith.constant 0 : i32
    %dma_wait3A_720 = arith.constant 0 : i32
    %dma_wait3A_721 = tpu.memref_slice %arg8[%dma_wait3A_719, %dma_wait3A_720] : memref<1000x64xf32, #tpu.memory_space<hbm>> -> memref<1000x64xf32, #tpu.memory_space<hbm>>
    tpu.wait_indirect_dma semaphore(%arg15 : memref<!tpu.dma_semaphore, #tpu.memory_space<semaphore_mem>>) src(%dma_wait3A_721 : memref<1000x64xf32, #tpu.memory_space<hbm>>) dst(%dma_wait3A_715 : memref<128x64xf32, #tpu.memory_space<vmem>>)
    %dma_start3A_722 = arith.constant 2 : i32
    %dma_start3A_723 = arith.constant 2 : i32
    %dma_start3A_724 = arith.constant 2 : i32
    %dma_start3A_725 = arith.constant 0 : i32
    %dma_start3A_726 = arith.constant 0 : i32
    %dma_start3A_727 = tpu.memref_slice %arg12[%dma_start3A_722, %dma_start3A_723, %dma_start3A_725, %dma_start3A_726] : memref<3x4x128x64xf32, #tpu.memory_space<vmem>> -> memref<1x1x128x64xf32, #tpu.memory_space<vmem>>
    %dma_start3A_728 = tpu.memref_squeeze %dma_start3A_727 : memref<1x1x128x64xf32, #tpu.memory_space<vmem>> -> memref<128x64xf32, #tpu.memory_space<vmem>>
    %dma_start3A_729 = arith.constant 0 : i32
    %dma_start3A_730 = tpu.memref_slice %arg10[%add3A_645, %dma_start3A_724, %dma_start3A_729] : memref<16384x4x64xf32, #tpu.memory_space<hbm>> -> memref<128x1x64xf32, #tpu.memory_space<hbm>>
    %dma_start3A_731 = tpu.memref_squeeze %dma_start3A_730 : memref<128x1x64xf32, #tpu.memory_space<hbm>> -> memref<128x64xf32, #tpu.memory_space<hbm>>
    %dma_start3A_732 = arith.constant 0 : i32
    %dma_start3A_733 = tpu.memref_slice %arg10[%add3A_645, %dma_start3A_724, %dma_start3A_732] : memref<16384x4x64xf32, #tpu.memory_space<hbm>> -> memref<128x1x64xf32, #tpu.memory_space<hbm>>
    %dma_start3A_734 = tpu.memref_squeeze %dma_start3A_733 : memref<128x1x64xf32, #tpu.memory_space<hbm>> -> memref<128x64xf32, #tpu.memory_space<hbm>>
    %dma_start3A_735 = arith.constant 0 : i32
    %dma_start3A_736 = arith.constant 0 : i32
    %dma_start3A_737 = tpu.memref_slice %arg12[%dma_start3A_722, %dma_start3A_723, %dma_start3A_735, %dma_start3A_736] : memref<3x4x128x64xf32, #tpu.memory_space<vmem>> -> memref<1x1x128x64xf32, #tpu.memory_space<vmem>>
    %dma_start3A_738 = tpu.memref_squeeze %dma_start3A_737 : memref<1x1x128x64xf32, #tpu.memory_space<vmem>> -> memref<128x64xf32, #tpu.memory_space<vmem>>
    tpu.enqueue_dma source(%dma_start3A_738 : memref<128x64xf32, #tpu.memory_space<vmem>>) target(%dma_start3A_734 : memref<128x64xf32, #tpu.memory_space<hbm>>) target_semaphore(%arg18 : memref<!tpu.dma_semaphore, #tpu.memory_space<semaphore_mem>>)
    %dma_wait3A_739 = arith.constant 3 : i32
    %dma_wait3A_740 = arith.constant 2 : i32
    %dma_wait3A_741 = arith.constant 2 : i32
    %dma_wait3A_742 = arith.constant 3 : i32
    %dma_wait3A_743 = arith.constant 0 : i32
    %dma_wait3A_744 = arith.constant 0 : i32
    %dma_wait3A_745 = tpu.memref_slice %arg12[%dma_wait3A_741, %dma_wait3A_742, %dma_wait3A_743, %dma_wait3A_744] : memref<3x4x128x64xf32, #tpu.memory_space<vmem>> -> memref<1x1x128x64xf32, #tpu.memory_space<vmem>>
    %dma_wait3A_746 = tpu.memref_squeeze %dma_wait3A_745 : memref<1x1x128x64xf32, #tpu.memory_space<vmem>> -> memref<128x64xf32, #tpu.memory_space<vmem>>
    %dma_wait3A_747 = arith.constant 0 : i32
    %dma_wait3A_748 = tpu.memref_slice %arg11[%dma_wait3A_739, %dma_wait3A_740, %dma_wait3A_747] : memref<4x4x128xi32, #tpu.memory_space<vmem>> -> memref<1x1x128xi32, #tpu.memory_space<vmem>>
    %dma_wait3A_749 = tpu.memref_squeeze %dma_wait3A_748 : memref<1x1x128xi32, #tpu.memory_space<vmem>> -> memref<128xi32, #tpu.memory_space<vmem>>
    %dma_wait3A_750 = arith.constant 0 : i32
    %dma_wait3A_751 = arith.constant 0 : i32
    %dma_wait3A_752 = tpu.memref_slice %arg9[%dma_wait3A_750, %dma_wait3A_751] : memref<1000x64xf32, #tpu.memory_space<hbm>> -> memref<1000x64xf32, #tpu.memory_space<hbm>>
    tpu.wait_indirect_dma semaphore(%arg15 : memref<!tpu.dma_semaphore, #tpu.memory_space<semaphore_mem>>) src(%dma_wait3A_752 : memref<1000x64xf32, #tpu.memory_space<hbm>>) dst(%dma_wait3A_746 : memref<128x64xf32, #tpu.memory_space<vmem>>)
    %dma_start3A_753 = arith.constant 2 : i32
    %dma_start3A_754 = arith.constant 3 : i32
    %dma_start3A_755 = arith.constant 3 : i32
    %dma_start3A_756 = arith.constant 0 : i32
    %dma_start3A_757 = arith.constant 0 : i32
    %dma_start3A_758 = tpu.memref_slice %arg12[%dma_start3A_753, %dma_start3A_754, %dma_start3A_756, %dma_start3A_757] : memref<3x4x128x64xf32, #tpu.memory_space<vmem>> -> memref<1x1x128x64xf32, #tpu.memory_space<vmem>>
    %dma_start3A_759 = tpu.memref_squeeze %dma_start3A_758 : memref<1x1x128x64xf32, #tpu.memory_space<vmem>> -> memref<128x64xf32, #tpu.memory_space<vmem>>
    %dma_start3A_760 = arith.constant 0 : i32
    %dma_start3A_761 = tpu.memref_slice %arg10[%add3A_645, %dma_start3A_755, %dma_start3A_760] : memref<16384x4x64xf32, #tpu.memory_space<hbm>> -> memref<128x1x64xf32, #tpu.memory_space<hbm>>
    %dma_start3A_762 = tpu.memref_squeeze %dma_start3A_761 : memref<128x1x64xf32, #tpu.memory_space<hbm>> -> memref<128x64xf32, #tpu.memory_space<hbm>>
    %dma_start3A_763 = arith.constant 0 : i32
    %dma_start3A_764 = tpu.memref_slice %arg10[%add3A_645, %dma_start3A_755, %dma_start3A_763] : memref<16384x4x64xf32, #tpu.memory_space<hbm>> -> memref<128x1x64xf32, #tpu.memory_space<hbm>>
    %dma_start3A_765 = tpu.memref_squeeze %dma_start3A_764 : memref<128x1x64xf32, #tpu.memory_space<hbm>> -> memref<128x64xf32, #tpu.memory_space<hbm>>
    %dma_start3A_766 = arith.constant 0 : i32
    %dma_start3A_767 = arith.constant 0 : i32
    %dma_start3A_768 = tpu.memref_slice %arg12[%dma_start3A_753, %dma_start3A_754, %dma_start3A_766, %dma_start3A_767] : memref<3x4x128x64xf32, #tpu.memory_space<vmem>> -> memref<1x1x128x64xf32, #tpu.memory_space<vmem>>
    %dma_start3A_769 = tpu.memref_squeeze %dma_start3A_768 : memref<1x1x128x64xf32, #tpu.memory_space<vmem>> -> memref<128x64xf32, #tpu.memory_space<vmem>>
    tpu.enqueue_dma source(%dma_start3A_769 : memref<128x64xf32, #tpu.memory_space<vmem>>) target(%dma_start3A_765 : memref<128x64xf32, #tpu.memory_space<hbm>>) target_semaphore(%arg18 : memref<!tpu.dma_semaphore, #tpu.memory_space<semaphore_mem>>)
    %mul3A_770 = arith.constant 512 : i32
    %mul3A_771 = arith.muli %add3A, %mul3A_770 : i32
    %add3A_772 = arith.constant 384 : i32
    %add3A_773 = arith.addi %mul3A_771, %add3A_772 : i32
    %dma_wait3A_774 = arith.constant 0 : i32
    %dma_wait3A_775 = arith.constant 3 : i32
    %dma_wait3A_776 = arith.constant 0 : i32
    %dma_wait3A_777 = arith.constant 0 : i32
    %dma_wait3A_778 = arith.constant 0 : i32
    %dma_wait3A_779 = arith.constant 0 : i32
    %dma_wait3A_780 = tpu.memref_slice %arg12[%dma_wait3A_776, %dma_wait3A_777, %dma_wait3A_778, %dma_wait3A_779] : memref<3x4x128x64xf32, #tpu.memory_space<vmem>> -> memref<1x1x128x64xf32, #tpu.memory_space<vmem>>
    %dma_wait3A_781 = tpu.memref_squeeze %dma_wait3A_780 : memref<1x1x128x64xf32, #tpu.memory_space<vmem>> -> memref<128x64xf32, #tpu.memory_space<vmem>>
    %dma_wait3A_782 = arith.constant 0 : i32
    %dma_wait3A_783 = tpu.memref_slice %arg11[%dma_wait3A_774, %dma_wait3A_775, %dma_wait3A_782] : memref<4x4x128xi32, #tpu.memory_space<vmem>> -> memref<1x1x128xi32, #tpu.memory_space<vmem>>
    %dma_wait3A_784 = tpu.memref_squeeze %dma_wait3A_783 : memref<1x1x128xi32, #tpu.memory_space<vmem>> -> memref<128xi32, #tpu.memory_space<vmem>>
    %dma_wait3A_785 = arith.constant 0 : i32
    %dma_wait3A_786 = arith.constant 0 : i32
    %dma_wait3A_787 = tpu.memref_slice %arg6[%dma_wait3A_785, %dma_wait3A_786] : memref<1000000x64xf32, #tpu.memory_space<hbm>> -> memref<1000000x64xf32, #tpu.memory_space<hbm>>
    tpu.wait_indirect_dma semaphore(%arg13 : memref<!tpu.dma_semaphore, #tpu.memory_space<semaphore_mem>>) src(%dma_wait3A_787 : memref<1000000x64xf32, #tpu.memory_space<hbm>>) dst(%dma_wait3A_781 : memref<128x64xf32, #tpu.memory_space<vmem>>)
    %dma_start3A_788 = arith.constant 0 : i32
    %dma_start3A_789 = arith.constant 0 : i32
    %dma_start3A_790 = arith.constant 0 : i32
    %dma_start3A_791 = arith.constant 0 : i32
    %dma_start3A_792 = arith.constant 0 : i32
    %dma_start3A_793 = tpu.memref_slice %arg12[%dma_start3A_788, %dma_start3A_789, %dma_start3A_791, %dma_start3A_792] : memref<3x4x128x64xf32, #tpu.memory_space<vmem>> -> memref<1x1x128x64xf32, #tpu.memory_space<vmem>>
    %dma_start3A_794 = tpu.memref_squeeze %dma_start3A_793 : memref<1x1x128x64xf32, #tpu.memory_space<vmem>> -> memref<128x64xf32, #tpu.memory_space<vmem>>
    %dma_start3A_795 = arith.constant 0 : i32
    %dma_start3A_796 = tpu.memref_slice %arg10[%add3A_773, %dma_start3A_790, %dma_start3A_795] : memref<16384x4x64xf32, #tpu.memory_space<hbm>> -> memref<128x1x64xf32, #tpu.memory_space<hbm>>
    %dma_start3A_797 = tpu.memref_squeeze %dma_start3A_796 : memref<128x1x64xf32, #tpu.memory_space<hbm>> -> memref<128x64xf32, #tpu.memory_space<hbm>>
    %dma_start3A_798 = arith.constant 0 : i32
    %dma_start3A_799 = tpu.memref_slice %arg10[%add3A_773, %dma_start3A_790, %dma_start3A_798] : memref<16384x4x64xf32, #tpu.memory_space<hbm>> -> memref<128x1x64xf32, #tpu.memory_space<hbm>>
    %dma_start3A_800 = tpu.memref_squeeze %dma_start3A_799 : memref<128x1x64xf32, #tpu.memory_space<hbm>> -> memref<128x64xf32, #tpu.memory_space<hbm>>
    %dma_start3A_801 = arith.constant 0 : i32
    %dma_start3A_802 = arith.constant 0 : i32
    %dma_start3A_803 = tpu.memref_slice %arg12[%dma_start3A_788, %dma_start3A_789, %dma_start3A_801, %dma_start3A_802] : memref<3x4x128x64xf32, #tpu.memory_space<vmem>> -> memref<1x1x128x64xf32, #tpu.memory_space<vmem>>
    %dma_start3A_804 = tpu.memref_squeeze %dma_start3A_803 : memref<1x1x128x64xf32, #tpu.memory_space<vmem>> -> memref<128x64xf32, #tpu.memory_space<vmem>>
    tpu.enqueue_dma source(%dma_start3A_804 : memref<128x64xf32, #tpu.memory_space<vmem>>) target(%dma_start3A_800 : memref<128x64xf32, #tpu.memory_space<hbm>>) target_semaphore(%arg16 : memref<!tpu.dma_semaphore, #tpu.memory_space<semaphore_mem>>)
    %dma_wait3A_805 = arith.constant 1 : i32
    %dma_wait3A_806 = arith.constant 3 : i32
    %dma_wait3A_807 = arith.constant 0 : i32
    %dma_wait3A_808 = arith.constant 1 : i32
    %dma_wait3A_809 = arith.constant 0 : i32
    %dma_wait3A_810 = arith.constant 0 : i32
    %dma_wait3A_811 = tpu.memref_slice %arg12[%dma_wait3A_807, %dma_wait3A_808, %dma_wait3A_809, %dma_wait3A_810] : memref<3x4x128x64xf32, #tpu.memory_space<vmem>> -> memref<1x1x128x64xf32, #tpu.memory_space<vmem>>
    %dma_wait3A_812 = tpu.memref_squeeze %dma_wait3A_811 : memref<1x1x128x64xf32, #tpu.memory_space<vmem>> -> memref<128x64xf32, #tpu.memory_space<vmem>>
    %dma_wait3A_813 = arith.constant 0 : i32
    %dma_wait3A_814 = tpu.memref_slice %arg11[%dma_wait3A_805, %dma_wait3A_806, %dma_wait3A_813] : memref<4x4x128xi32, #tpu.memory_space<vmem>> -> memref<1x1x128xi32, #tpu.memory_space<vmem>>
    %dma_wait3A_815 = tpu.memref_squeeze %dma_wait3A_814 : memref<1x1x128xi32, #tpu.memory_space<vmem>> -> memref<128xi32, #tpu.memory_space<vmem>>
    %dma_wait3A_816 = arith.constant 0 : i32
    %dma_wait3A_817 = arith.constant 0 : i32
    %dma_wait3A_818 = tpu.memref_slice %arg7[%dma_wait3A_816, %dma_wait3A_817] : memref<100000x64xf32, #tpu.memory_space<hbm>> -> memref<100000x64xf32, #tpu.memory_space<hbm>>
    tpu.wait_indirect_dma semaphore(%arg13 : memref<!tpu.dma_semaphore, #tpu.memory_space<semaphore_mem>>) src(%dma_wait3A_818 : memref<100000x64xf32, #tpu.memory_space<hbm>>) dst(%dma_wait3A_812 : memref<128x64xf32, #tpu.memory_space<vmem>>)
    %dma_start3A_819 = arith.constant 0 : i32
    %dma_start3A_820 = arith.constant 1 : i32
    %dma_start3A_821 = arith.constant 1 : i32
    %dma_start3A_822 = arith.constant 0 : i32
    %dma_start3A_823 = arith.constant 0 : i32
    %dma_start3A_824 = tpu.memref_slice %arg12[%dma_start3A_819, %dma_start3A_820, %dma_start3A_822, %dma_start3A_823] : memref<3x4x128x64xf32, #tpu.memory_space<vmem>> -> memref<1x1x128x64xf32, #tpu.memory_space<vmem>>
    %dma_start3A_825 = tpu.memref_squeeze %dma_start3A_824 : memref<1x1x128x64xf32, #tpu.memory_space<vmem>> -> memref<128x64xf32, #tpu.memory_space<vmem>>
    %dma_start3A_826 = arith.constant 0 : i32
    %dma_start3A_827 = tpu.memref_slice %arg10[%add3A_773, %dma_start3A_821, %dma_start3A_826] : memref<16384x4x64xf32, #tpu.memory_space<hbm>> -> memref<128x1x64xf32, #tpu.memory_space<hbm>>
    %dma_start3A_828 = tpu.memref_squeeze %dma_start3A_827 : memref<128x1x64xf32, #tpu.memory_space<hbm>> -> memref<128x64xf32, #tpu.memory_space<hbm>>
    %dma_start3A_829 = arith.constant 0 : i32
    %dma_start3A_830 = tpu.memref_slice %arg10[%add3A_773, %dma_start3A_821, %dma_start3A_829] : memref<16384x4x64xf32, #tpu.memory_space<hbm>> -> memref<128x1x64xf32, #tpu.memory_space<hbm>>
    %dma_start3A_831 = tpu.memref_squeeze %dma_start3A_830 : memref<128x1x64xf32, #tpu.memory_space<hbm>> -> memref<128x64xf32, #tpu.memory_space<hbm>>
    %dma_start3A_832 = arith.constant 0 : i32
    %dma_start3A_833 = arith.constant 0 : i32
    %dma_start3A_834 = tpu.memref_slice %arg12[%dma_start3A_819, %dma_start3A_820, %dma_start3A_832, %dma_start3A_833] : memref<3x4x128x64xf32, #tpu.memory_space<vmem>> -> memref<1x1x128x64xf32, #tpu.memory_space<vmem>>
    %dma_start3A_835 = tpu.memref_squeeze %dma_start3A_834 : memref<1x1x128x64xf32, #tpu.memory_space<vmem>> -> memref<128x64xf32, #tpu.memory_space<vmem>>
    tpu.enqueue_dma source(%dma_start3A_835 : memref<128x64xf32, #tpu.memory_space<vmem>>) target(%dma_start3A_831 : memref<128x64xf32, #tpu.memory_space<hbm>>) target_semaphore(%arg16 : memref<!tpu.dma_semaphore, #tpu.memory_space<semaphore_mem>>)
    %dma_wait3A_836 = arith.constant 2 : i32
    %dma_wait3A_837 = arith.constant 3 : i32
    %dma_wait3A_838 = arith.constant 0 : i32
    %dma_wait3A_839 = arith.constant 2 : i32
    %dma_wait3A_840 = arith.constant 0 : i32
    %dma_wait3A_841 = arith.constant 0 : i32
    %dma_wait3A_842 = tpu.memref_slice %arg12[%dma_wait3A_838, %dma_wait3A_839, %dma_wait3A_840, %dma_wait3A_841] : memref<3x4x128x64xf32, #tpu.memory_space<vmem>> -> memref<1x1x128x64xf32, #tpu.memory_space<vmem>>
    %dma_wait3A_843 = tpu.memref_squeeze %dma_wait3A_842 : memref<1x1x128x64xf32, #tpu.memory_space<vmem>> -> memref<128x64xf32, #tpu.memory_space<vmem>>
    %dma_wait3A_844 = arith.constant 0 : i32
    %dma_wait3A_845 = tpu.memref_slice %arg11[%dma_wait3A_836, %dma_wait3A_837, %dma_wait3A_844] : memref<4x4x128xi32, #tpu.memory_space<vmem>> -> memref<1x1x128xi32, #tpu.memory_space<vmem>>
    %dma_wait3A_846 = tpu.memref_squeeze %dma_wait3A_845 : memref<1x1x128xi32, #tpu.memory_space<vmem>> -> memref<128xi32, #tpu.memory_space<vmem>>
    %dma_wait3A_847 = arith.constant 0 : i32
    %dma_wait3A_848 = arith.constant 0 : i32
    %dma_wait3A_849 = tpu.memref_slice %arg8[%dma_wait3A_847, %dma_wait3A_848] : memref<1000x64xf32, #tpu.memory_space<hbm>> -> memref<1000x64xf32, #tpu.memory_space<hbm>>
    tpu.wait_indirect_dma semaphore(%arg13 : memref<!tpu.dma_semaphore, #tpu.memory_space<semaphore_mem>>) src(%dma_wait3A_849 : memref<1000x64xf32, #tpu.memory_space<hbm>>) dst(%dma_wait3A_843 : memref<128x64xf32, #tpu.memory_space<vmem>>)
    %dma_start3A_850 = arith.constant 0 : i32
    %dma_start3A_851 = arith.constant 2 : i32
    %dma_start3A_852 = arith.constant 2 : i32
    %dma_start3A_853 = arith.constant 0 : i32
    %dma_start3A_854 = arith.constant 0 : i32
    %dma_start3A_855 = tpu.memref_slice %arg12[%dma_start3A_850, %dma_start3A_851, %dma_start3A_853, %dma_start3A_854] : memref<3x4x128x64xf32, #tpu.memory_space<vmem>> -> memref<1x1x128x64xf32, #tpu.memory_space<vmem>>
    %dma_start3A_856 = tpu.memref_squeeze %dma_start3A_855 : memref<1x1x128x64xf32, #tpu.memory_space<vmem>> -> memref<128x64xf32, #tpu.memory_space<vmem>>
    %dma_start3A_857 = arith.constant 0 : i32
    %dma_start3A_858 = tpu.memref_slice %arg10[%add3A_773, %dma_start3A_852, %dma_start3A_857] : memref<16384x4x64xf32, #tpu.memory_space<hbm>> -> memref<128x1x64xf32, #tpu.memory_space<hbm>>
    %dma_start3A_859 = tpu.memref_squeeze %dma_start3A_858 : memref<128x1x64xf32, #tpu.memory_space<hbm>> -> memref<128x64xf32, #tpu.memory_space<hbm>>
    %dma_start3A_860 = arith.constant 0 : i32
    %dma_start3A_861 = tpu.memref_slice %arg10[%add3A_773, %dma_start3A_852, %dma_start3A_860] : memref<16384x4x64xf32, #tpu.memory_space<hbm>> -> memref<128x1x64xf32, #tpu.memory_space<hbm>>
    %dma_start3A_862 = tpu.memref_squeeze %dma_start3A_861 : memref<128x1x64xf32, #tpu.memory_space<hbm>> -> memref<128x64xf32, #tpu.memory_space<hbm>>
    %dma_start3A_863 = arith.constant 0 : i32
    %dma_start3A_864 = arith.constant 0 : i32
    %dma_start3A_865 = tpu.memref_slice %arg12[%dma_start3A_850, %dma_start3A_851, %dma_start3A_863, %dma_start3A_864] : memref<3x4x128x64xf32, #tpu.memory_space<vmem>> -> memref<1x1x128x64xf32, #tpu.memory_space<vmem>>
    %dma_start3A_866 = tpu.memref_squeeze %dma_start3A_865 : memref<1x1x128x64xf32, #tpu.memory_space<vmem>> -> memref<128x64xf32, #tpu.memory_space<vmem>>
    tpu.enqueue_dma source(%dma_start3A_866 : memref<128x64xf32, #tpu.memory_space<vmem>>) target(%dma_start3A_862 : memref<128x64xf32, #tpu.memory_space<hbm>>) target_semaphore(%arg16 : memref<!tpu.dma_semaphore, #tpu.memory_space<semaphore_mem>>)
    %dma_wait3A_867 = arith.constant 3 : i32
    %dma_wait3A_868 = arith.constant 3 : i32
    %dma_wait3A_869 = arith.constant 0 : i32
    %dma_wait3A_870 = arith.constant 3 : i32
    %dma_wait3A_871 = arith.constant 0 : i32
    %dma_wait3A_872 = arith.constant 0 : i32
    %dma_wait3A_873 = tpu.memref_slice %arg12[%dma_wait3A_869, %dma_wait3A_870, %dma_wait3A_871, %dma_wait3A_872] : memref<3x4x128x64xf32, #tpu.memory_space<vmem>> -> memref<1x1x128x64xf32, #tpu.memory_space<vmem>>
    %dma_wait3A_874 = tpu.memref_squeeze %dma_wait3A_873 : memref<1x1x128x64xf32, #tpu.memory_space<vmem>> -> memref<128x64xf32, #tpu.memory_space<vmem>>
    %dma_wait3A_875 = arith.constant 0 : i32
    %dma_wait3A_876 = tpu.memref_slice %arg11[%dma_wait3A_867, %dma_wait3A_868, %dma_wait3A_875] : memref<4x4x128xi32, #tpu.memory_space<vmem>> -> memref<1x1x128xi32, #tpu.memory_space<vmem>>
    %dma_wait3A_877 = tpu.memref_squeeze %dma_wait3A_876 : memref<1x1x128xi32, #tpu.memory_space<vmem>> -> memref<128xi32, #tpu.memory_space<vmem>>
    %dma_wait3A_878 = arith.constant 0 : i32
    %dma_wait3A_879 = arith.constant 0 : i32
    %dma_wait3A_880 = tpu.memref_slice %arg9[%dma_wait3A_878, %dma_wait3A_879] : memref<1000x64xf32, #tpu.memory_space<hbm>> -> memref<1000x64xf32, #tpu.memory_space<hbm>>
    tpu.wait_indirect_dma semaphore(%arg13 : memref<!tpu.dma_semaphore, #tpu.memory_space<semaphore_mem>>) src(%dma_wait3A_880 : memref<1000x64xf32, #tpu.memory_space<hbm>>) dst(%dma_wait3A_874 : memref<128x64xf32, #tpu.memory_space<vmem>>)
    %dma_start3A_881 = arith.constant 0 : i32
    %dma_start3A_882 = arith.constant 3 : i32
    %dma_start3A_883 = arith.constant 3 : i32
    %dma_start3A_884 = arith.constant 0 : i32
    %dma_start3A_885 = arith.constant 0 : i32
    %dma_start3A_886 = tpu.memref_slice %arg12[%dma_start3A_881, %dma_start3A_882, %dma_start3A_884, %dma_start3A_885] : memref<3x4x128x64xf32, #tpu.memory_space<vmem>> -> memref<1x1x128x64xf32, #tpu.memory_space<vmem>>
    %dma_start3A_887 = tpu.memref_squeeze %dma_start3A_886 : memref<1x1x128x64xf32, #tpu.memory_space<vmem>> -> memref<128x64xf32, #tpu.memory_space<vmem>>
    %dma_start3A_888 = arith.constant 0 : i32
    %dma_start3A_889 = tpu.memref_slice %arg10[%add3A_773, %dma_start3A_883, %dma_start3A_888] : memref<16384x4x64xf32, #tpu.memory_space<hbm>> -> memref<128x1x64xf32, #tpu.memory_space<hbm>>
    %dma_start3A_890 = tpu.memref_squeeze %dma_start3A_889 : memref<128x1x64xf32, #tpu.memory_space<hbm>> -> memref<128x64xf32, #tpu.memory_space<hbm>>
    %dma_start3A_891 = arith.constant 0 : i32
    %dma_start3A_892 = tpu.memref_slice %arg10[%add3A_773, %dma_start3A_883, %dma_start3A_891] : memref<16384x4x64xf32, #tpu.memory_space<hbm>> -> memref<128x1x64xf32, #tpu.memory_space<hbm>>
    %dma_start3A_893 = tpu.memref_squeeze %dma_start3A_892 : memref<128x1x64xf32, #tpu.memory_space<hbm>> -> memref<128x64xf32, #tpu.memory_space<hbm>>
    %dma_start3A_894 = arith.constant 0 : i32
    %dma_start3A_895 = arith.constant 0 : i32
    %dma_start3A_896 = tpu.memref_slice %arg12[%dma_start3A_881, %dma_start3A_882, %dma_start3A_894, %dma_start3A_895] : memref<3x4x128x64xf32, #tpu.memory_space<vmem>> -> memref<1x1x128x64xf32, #tpu.memory_space<vmem>>
    %dma_start3A_897 = tpu.memref_squeeze %dma_start3A_896 : memref<1x1x128x64xf32, #tpu.memory_space<vmem>> -> memref<128x64xf32, #tpu.memory_space<vmem>>
    tpu.enqueue_dma source(%dma_start3A_897 : memref<128x64xf32, #tpu.memory_space<vmem>>) target(%dma_start3A_893 : memref<128x64xf32, #tpu.memory_space<hbm>>) target_semaphore(%arg16 : memref<!tpu.dma_semaphore, #tpu.memory_space<semaphore_mem>>)
    %dma_wait3A_898 = arith.constant 1 : i32
    %dma_wait3A_899 = arith.constant 0 : i32
    %dma_wait3A_900 = arith.constant 0 : i32
    %dma_wait3A_901 = arith.constant 0 : i32
    %dma_wait3A_902 = arith.constant 0 : i32
    %dma_wait3A_903 = tpu.memref_slice %arg12[%dma_wait3A_898, %dma_wait3A_899, %dma_wait3A_901, %dma_wait3A_902] : memref<3x4x128x64xf32, #tpu.memory_space<vmem>> -> memref<1x1x128x64xf32, #tpu.memory_space<vmem>>
    %dma_wait3A_904 = tpu.memref_squeeze %dma_wait3A_903 : memref<1x1x128x64xf32, #tpu.memory_space<vmem>> -> memref<128x64xf32, #tpu.memory_space<vmem>>
    %dma_wait3A_905 = arith.constant 0 : i32
    %dma_wait3A_906 = tpu.memref_slice %arg10[%add3A_393, %dma_wait3A_900, %dma_wait3A_905] : memref<16384x4x64xf32, #tpu.memory_space<hbm>> -> memref<128x1x64xf32, #tpu.memory_space<hbm>>
    %dma_wait3A_907 = tpu.memref_squeeze %dma_wait3A_906 : memref<128x1x64xf32, #tpu.memory_space<hbm>> -> memref<128x64xf32, #tpu.memory_space<hbm>>
    %dma_wait3A_908 = arith.constant 0 : i32
    %dma_wait3A_909 = tpu.memref_slice %arg10[%add3A_393, %dma_wait3A_900, %dma_wait3A_908] : memref<16384x4x64xf32, #tpu.memory_space<hbm>> -> memref<128x1x64xf32, #tpu.memory_space<hbm>>
    %dma_wait3A_910 = tpu.memref_squeeze %dma_wait3A_909 : memref<128x1x64xf32, #tpu.memory_space<hbm>> -> memref<128x64xf32, #tpu.memory_space<hbm>>
    %dma_wait3A_911 = arith.constant 0 : i32
    %dma_wait3A_912 = arith.constant 0 : i32
    %dma_wait3A_913 = tpu.memref_slice %arg12[%dma_wait3A_898, %dma_wait3A_899, %dma_wait3A_911, %dma_wait3A_912] : memref<3x4x128x64xf32, #tpu.memory_space<vmem>> -> memref<1x1x128x64xf32, #tpu.memory_space<vmem>>
    %dma_wait3A_914 = tpu.memref_squeeze %dma_wait3A_913 : memref<1x1x128x64xf32, #tpu.memory_space<vmem>> -> memref<128x64xf32, #tpu.memory_space<vmem>>
    tpu.wait_dma2 semaphore(%arg17 : memref<!tpu.dma_semaphore, #tpu.memory_space<semaphore_mem>>) src(%dma_wait3A_914 : memref<128x64xf32, #tpu.memory_space<vmem>>) dst(%dma_wait3A_910 : memref<128x64xf32, #tpu.memory_space<hbm>>)
    %dma_wait3A_915 = arith.constant 1 : i32
    %dma_wait3A_916 = arith.constant 1 : i32
    %dma_wait3A_917 = arith.constant 1 : i32
    %dma_wait3A_918 = arith.constant 0 : i32
    %dma_wait3A_919 = arith.constant 0 : i32
    %dma_wait3A_920 = tpu.memref_slice %arg12[%dma_wait3A_915, %dma_wait3A_916, %dma_wait3A_918, %dma_wait3A_919] : memref<3x4x128x64xf32, #tpu.memory_space<vmem>> -> memref<1x1x128x64xf32, #tpu.memory_space<vmem>>
    %dma_wait3A_921 = tpu.memref_squeeze %dma_wait3A_920 : memref<1x1x128x64xf32, #tpu.memory_space<vmem>> -> memref<128x64xf32, #tpu.memory_space<vmem>>
    %dma_wait3A_922 = arith.constant 0 : i32
    %dma_wait3A_923 = tpu.memref_slice %arg10[%add3A_393, %dma_wait3A_917, %dma_wait3A_922] : memref<16384x4x64xf32, #tpu.memory_space<hbm>> -> memref<128x1x64xf32, #tpu.memory_space<hbm>>
    %dma_wait3A_924 = tpu.memref_squeeze %dma_wait3A_923 : memref<128x1x64xf32, #tpu.memory_space<hbm>> -> memref<128x64xf32, #tpu.memory_space<hbm>>
    %dma_wait3A_925 = arith.constant 0 : i32
    %dma_wait3A_926 = tpu.memref_slice %arg10[%add3A_393, %dma_wait3A_917, %dma_wait3A_925] : memref<16384x4x64xf32, #tpu.memory_space<hbm>> -> memref<128x1x64xf32, #tpu.memory_space<hbm>>
    %dma_wait3A_927 = tpu.memref_squeeze %dma_wait3A_926 : memref<128x1x64xf32, #tpu.memory_space<hbm>> -> memref<128x64xf32, #tpu.memory_space<hbm>>
    %dma_wait3A_928 = arith.constant 0 : i32
    %dma_wait3A_929 = arith.constant 0 : i32
    %dma_wait3A_930 = tpu.memref_slice %arg12[%dma_wait3A_915, %dma_wait3A_916, %dma_wait3A_928, %dma_wait3A_929] : memref<3x4x128x64xf32, #tpu.memory_space<vmem>> -> memref<1x1x128x64xf32, #tpu.memory_space<vmem>>
    %dma_wait3A_931 = tpu.memref_squeeze %dma_wait3A_930 : memref<1x1x128x64xf32, #tpu.memory_space<vmem>> -> memref<128x64xf32, #tpu.memory_space<vmem>>
    tpu.wait_dma2 semaphore(%arg17 : memref<!tpu.dma_semaphore, #tpu.memory_space<semaphore_mem>>) src(%dma_wait3A_931 : memref<128x64xf32, #tpu.memory_space<vmem>>) dst(%dma_wait3A_927 : memref<128x64xf32, #tpu.memory_space<hbm>>)
    %dma_wait3A_932 = arith.constant 1 : i32
    %dma_wait3A_933 = arith.constant 2 : i32
    %dma_wait3A_934 = arith.constant 2 : i32
    %dma_wait3A_935 = arith.constant 0 : i32
    %dma_wait3A_936 = arith.constant 0 : i32
    %dma_wait3A_937 = tpu.memref_slice %arg12[%dma_wait3A_932, %dma_wait3A_933, %dma_wait3A_935, %dma_wait3A_936] : memref<3x4x128x64xf32, #tpu.memory_space<vmem>> -> memref<1x1x128x64xf32, #tpu.memory_space<vmem>>
    %dma_wait3A_938 = tpu.memref_squeeze %dma_wait3A_937 : memref<1x1x128x64xf32, #tpu.memory_space<vmem>> -> memref<128x64xf32, #tpu.memory_space<vmem>>
    %dma_wait3A_939 = arith.constant 0 : i32
    %dma_wait3A_940 = tpu.memref_slice %arg10[%add3A_393, %dma_wait3A_934, %dma_wait3A_939] : memref<16384x4x64xf32, #tpu.memory_space<hbm>> -> memref<128x1x64xf32, #tpu.memory_space<hbm>>
    %dma_wait3A_941 = tpu.memref_squeeze %dma_wait3A_940 : memref<128x1x64xf32, #tpu.memory_space<hbm>> -> memref<128x64xf32, #tpu.memory_space<hbm>>
    %dma_wait3A_942 = arith.constant 0 : i32
    %dma_wait3A_943 = tpu.memref_slice %arg10[%add3A_393, %dma_wait3A_934, %dma_wait3A_942] : memref<16384x4x64xf32, #tpu.memory_space<hbm>> -> memref<128x1x64xf32, #tpu.memory_space<hbm>>
    %dma_wait3A_944 = tpu.memref_squeeze %dma_wait3A_943 : memref<128x1x64xf32, #tpu.memory_space<hbm>> -> memref<128x64xf32, #tpu.memory_space<hbm>>
    %dma_wait3A_945 = arith.constant 0 : i32
    %dma_wait3A_946 = arith.constant 0 : i32
    %dma_wait3A_947 = tpu.memref_slice %arg12[%dma_wait3A_932, %dma_wait3A_933, %dma_wait3A_945, %dma_wait3A_946] : memref<3x4x128x64xf32, #tpu.memory_space<vmem>> -> memref<1x1x128x64xf32, #tpu.memory_space<vmem>>
    %dma_wait3A_948 = tpu.memref_squeeze %dma_wait3A_947 : memref<1x1x128x64xf32, #tpu.memory_space<vmem>> -> memref<128x64xf32, #tpu.memory_space<vmem>>
    tpu.wait_dma2 semaphore(%arg17 : memref<!tpu.dma_semaphore, #tpu.memory_space<semaphore_mem>>) src(%dma_wait3A_948 : memref<128x64xf32, #tpu.memory_space<vmem>>) dst(%dma_wait3A_944 : memref<128x64xf32, #tpu.memory_space<hbm>>)
    %dma_wait3A_949 = arith.constant 1 : i32
    %dma_wait3A_950 = arith.constant 3 : i32
    %dma_wait3A_951 = arith.constant 3 : i32
    %dma_wait3A_952 = arith.constant 0 : i32
    %dma_wait3A_953 = arith.constant 0 : i32
    %dma_wait3A_954 = tpu.memref_slice %arg12[%dma_wait3A_949, %dma_wait3A_950, %dma_wait3A_952, %dma_wait3A_953] : memref<3x4x128x64xf32, #tpu.memory_space<vmem>> -> memref<1x1x128x64xf32, #tpu.memory_space<vmem>>
    %dma_wait3A_955 = tpu.memref_squeeze %dma_wait3A_954 : memref<1x1x128x64xf32, #tpu.memory_space<vmem>> -> memref<128x64xf32, #tpu.memory_space<vmem>>
    %dma_wait3A_956 = arith.constant 0 : i32
    %dma_wait3A_957 = tpu.memref_slice %arg10[%add3A_393, %dma_wait3A_951, %dma_wait3A_956] : memref<16384x4x64xf32, #tpu.memory_space<hbm>> -> memref<128x1x64xf32, #tpu.memory_space<hbm>>
    %dma_wait3A_958 = tpu.memref_squeeze %dma_wait3A_957 : memref<128x1x64xf32, #tpu.memory_space<hbm>> -> memref<128x64xf32, #tpu.memory_space<hbm>>
    %dma_wait3A_959 = arith.constant 0 : i32
    %dma_wait3A_960 = tpu.memref_slice %arg10[%add3A_393, %dma_wait3A_951, %dma_wait3A_959] : memref<16384x4x64xf32, #tpu.memory_space<hbm>> -> memref<128x1x64xf32, #tpu.memory_space<hbm>>
    %dma_wait3A_961 = tpu.memref_squeeze %dma_wait3A_960 : memref<128x1x64xf32, #tpu.memory_space<hbm>> -> memref<128x64xf32, #tpu.memory_space<hbm>>
    %dma_wait3A_962 = arith.constant 0 : i32
    %dma_wait3A_963 = arith.constant 0 : i32
    %dma_wait3A_964 = tpu.memref_slice %arg12[%dma_wait3A_949, %dma_wait3A_950, %dma_wait3A_962, %dma_wait3A_963] : memref<3x4x128x64xf32, #tpu.memory_space<vmem>> -> memref<1x1x128x64xf32, #tpu.memory_space<vmem>>
    %dma_wait3A_965 = tpu.memref_squeeze %dma_wait3A_964 : memref<1x1x128x64xf32, #tpu.memory_space<vmem>> -> memref<128x64xf32, #tpu.memory_space<vmem>>
    tpu.wait_dma2 semaphore(%arg17 : memref<!tpu.dma_semaphore, #tpu.memory_space<semaphore_mem>>) src(%dma_wait3A_965 : memref<128x64xf32, #tpu.memory_space<vmem>>) dst(%dma_wait3A_961 : memref<128x64xf32, #tpu.memory_space<hbm>>)
    %dma_wait3A_966 = arith.constant 2 : i32
    %dma_wait3A_967 = arith.constant 0 : i32
    %dma_wait3A_968 = arith.constant 0 : i32
    %dma_wait3A_969 = arith.constant 0 : i32
    %dma_wait3A_970 = arith.constant 0 : i32
    %dma_wait3A_971 = tpu.memref_slice %arg12[%dma_wait3A_966, %dma_wait3A_967, %dma_wait3A_969, %dma_wait3A_970] : memref<3x4x128x64xf32, #tpu.memory_space<vmem>> -> memref<1x1x128x64xf32, #tpu.memory_space<vmem>>
    %dma_wait3A_972 = tpu.memref_squeeze %dma_wait3A_971 : memref<1x1x128x64xf32, #tpu.memory_space<vmem>> -> memref<128x64xf32, #tpu.memory_space<vmem>>
    %dma_wait3A_973 = arith.constant 0 : i32
    %dma_wait3A_974 = tpu.memref_slice %arg10[%add3A_645, %dma_wait3A_968, %dma_wait3A_973] : memref<16384x4x64xf32, #tpu.memory_space<hbm>> -> memref<128x1x64xf32, #tpu.memory_space<hbm>>
    %dma_wait3A_975 = tpu.memref_squeeze %dma_wait3A_974 : memref<128x1x64xf32, #tpu.memory_space<hbm>> -> memref<128x64xf32, #tpu.memory_space<hbm>>
    %dma_wait3A_976 = arith.constant 0 : i32
    %dma_wait3A_977 = tpu.memref_slice %arg10[%add3A_645, %dma_wait3A_968, %dma_wait3A_976] : memref<16384x4x64xf32, #tpu.memory_space<hbm>> -> memref<128x1x64xf32, #tpu.memory_space<hbm>>
    %dma_wait3A_978 = tpu.memref_squeeze %dma_wait3A_977 : memref<128x1x64xf32, #tpu.memory_space<hbm>> -> memref<128x64xf32, #tpu.memory_space<hbm>>
    %dma_wait3A_979 = arith.constant 0 : i32
    %dma_wait3A_980 = arith.constant 0 : i32
    %dma_wait3A_981 = tpu.memref_slice %arg12[%dma_wait3A_966, %dma_wait3A_967, %dma_wait3A_979, %dma_wait3A_980] : memref<3x4x128x64xf32, #tpu.memory_space<vmem>> -> memref<1x1x128x64xf32, #tpu.memory_space<vmem>>
    %dma_wait3A_982 = tpu.memref_squeeze %dma_wait3A_981 : memref<1x1x128x64xf32, #tpu.memory_space<vmem>> -> memref<128x64xf32, #tpu.memory_space<vmem>>
    tpu.wait_dma2 semaphore(%arg18 : memref<!tpu.dma_semaphore, #tpu.memory_space<semaphore_mem>>) src(%dma_wait3A_982 : memref<128x64xf32, #tpu.memory_space<vmem>>) dst(%dma_wait3A_978 : memref<128x64xf32, #tpu.memory_space<hbm>>)
    %dma_wait3A_983 = arith.constant 2 : i32
    %dma_wait3A_984 = arith.constant 1 : i32
    %dma_wait3A_985 = arith.constant 1 : i32
    %dma_wait3A_986 = arith.constant 0 : i32
    %dma_wait3A_987 = arith.constant 0 : i32
    %dma_wait3A_988 = tpu.memref_slice %arg12[%dma_wait3A_983, %dma_wait3A_984, %dma_wait3A_986, %dma_wait3A_987] : memref<3x4x128x64xf32, #tpu.memory_space<vmem>> -> memref<1x1x128x64xf32, #tpu.memory_space<vmem>>
    %dma_wait3A_989 = tpu.memref_squeeze %dma_wait3A_988 : memref<1x1x128x64xf32, #tpu.memory_space<vmem>> -> memref<128x64xf32, #tpu.memory_space<vmem>>
    %dma_wait3A_990 = arith.constant 0 : i32
    %dma_wait3A_991 = tpu.memref_slice %arg10[%add3A_645, %dma_wait3A_985, %dma_wait3A_990] : memref<16384x4x64xf32, #tpu.memory_space<hbm>> -> memref<128x1x64xf32, #tpu.memory_space<hbm>>
    %dma_wait3A_992 = tpu.memref_squeeze %dma_wait3A_991 : memref<128x1x64xf32, #tpu.memory_space<hbm>> -> memref<128x64xf32, #tpu.memory_space<hbm>>
    %dma_wait3A_993 = arith.constant 0 : i32
    %dma_wait3A_994 = tpu.memref_slice %arg10[%add3A_645, %dma_wait3A_985, %dma_wait3A_993] : memref<16384x4x64xf32, #tpu.memory_space<hbm>> -> memref<128x1x64xf32, #tpu.memory_space<hbm>>
    %dma_wait3A_995 = tpu.memref_squeeze %dma_wait3A_994 : memref<128x1x64xf32, #tpu.memory_space<hbm>> -> memref<128x64xf32, #tpu.memory_space<hbm>>
    %dma_wait3A_996 = arith.constant 0 : i32
    %dma_wait3A_997 = arith.constant 0 : i32
    %dma_wait3A_998 = tpu.memref_slice %arg12[%dma_wait3A_983, %dma_wait3A_984, %dma_wait3A_996, %dma_wait3A_997] : memref<3x4x128x64xf32, #tpu.memory_space<vmem>> -> memref<1x1x128x64xf32, #tpu.memory_space<vmem>>
    %dma_wait3A_999 = tpu.memref_squeeze %dma_wait3A_998 : memref<1x1x128x64xf32, #tpu.memory_space<vmem>> -> memref<128x64xf32, #tpu.memory_space<vmem>>
    tpu.wait_dma2 semaphore(%arg18 : memref<!tpu.dma_semaphore, #tpu.memory_space<semaphore_mem>>) src(%dma_wait3A_999 : memref<128x64xf32, #tpu.memory_space<vmem>>) dst(%dma_wait3A_995 : memref<128x64xf32, #tpu.memory_space<hbm>>)
    %dma_wait3A_1000 = arith.constant 2 : i32
    %dma_wait3A_1001 = arith.constant 2 : i32
    %dma_wait3A_1002 = arith.constant 2 : i32
    %dma_wait3A_1003 = arith.constant 0 : i32
    %dma_wait3A_1004 = arith.constant 0 : i32
    %dma_wait3A_1005 = tpu.memref_slice %arg12[%dma_wait3A_1000, %dma_wait3A_1001, %dma_wait3A_1003, %dma_wait3A_1004] : memref<3x4x128x64xf32, #tpu.memory_space<vmem>> -> memref<1x1x128x64xf32, #tpu.memory_space<vmem>>
    %dma_wait3A_1006 = tpu.memref_squeeze %dma_wait3A_1005 : memref<1x1x128x64xf32, #tpu.memory_space<vmem>> -> memref<128x64xf32, #tpu.memory_space<vmem>>
    %dma_wait3A_1007 = arith.constant 0 : i32
    %dma_wait3A_1008 = tpu.memref_slice %arg10[%add3A_645, %dma_wait3A_1002, %dma_wait3A_1007] : memref<16384x4x64xf32, #tpu.memory_space<hbm>> -> memref<128x1x64xf32, #tpu.memory_space<hbm>>
    %dma_wait3A_1009 = tpu.memref_squeeze %dma_wait3A_1008 : memref<128x1x64xf32, #tpu.memory_space<hbm>> -> memref<128x64xf32, #tpu.memory_space<hbm>>
    %dma_wait3A_1010 = arith.constant 0 : i32
    %dma_wait3A_1011 = tpu.memref_slice %arg10[%add3A_645, %dma_wait3A_1002, %dma_wait3A_1010] : memref<16384x4x64xf32, #tpu.memory_space<hbm>> -> memref<128x1x64xf32, #tpu.memory_space<hbm>>
    %dma_wait3A_1012 = tpu.memref_squeeze %dma_wait3A_1011 : memref<128x1x64xf32, #tpu.memory_space<hbm>> -> memref<128x64xf32, #tpu.memory_space<hbm>>
    %dma_wait3A_1013 = arith.constant 0 : i32
    %dma_wait3A_1014 = arith.constant 0 : i32
    %dma_wait3A_1015 = tpu.memref_slice %arg12[%dma_wait3A_1000, %dma_wait3A_1001, %dma_wait3A_1013, %dma_wait3A_1014] : memref<3x4x128x64xf32, #tpu.memory_space<vmem>> -> memref<1x1x128x64xf32, #tpu.memory_space<vmem>>
    %dma_wait3A_1016 = tpu.memref_squeeze %dma_wait3A_1015 : memref<1x1x128x64xf32, #tpu.memory_space<vmem>> -> memref<128x64xf32, #tpu.memory_space<vmem>>
    tpu.wait_dma2 semaphore(%arg18 : memref<!tpu.dma_semaphore, #tpu.memory_space<semaphore_mem>>) src(%dma_wait3A_1016 : memref<128x64xf32, #tpu.memory_space<vmem>>) dst(%dma_wait3A_1012 : memref<128x64xf32, #tpu.memory_space<hbm>>)
    %dma_wait3A_1017 = arith.constant 2 : i32
    %dma_wait3A_1018 = arith.constant 3 : i32
    %dma_wait3A_1019 = arith.constant 3 : i32
    %dma_wait3A_1020 = arith.constant 0 : i32
    %dma_wait3A_1021 = arith.constant 0 : i32
    %dma_wait3A_1022 = tpu.memref_slice %arg12[%dma_wait3A_1017, %dma_wait3A_1018, %dma_wait3A_1020, %dma_wait3A_1021] : memref<3x4x128x64xf32, #tpu.memory_space<vmem>> -> memref<1x1x128x64xf32, #tpu.memory_space<vmem>>
    %dma_wait3A_1023 = tpu.memref_squeeze %dma_wait3A_1022 : memref<1x1x128x64xf32, #tpu.memory_space<vmem>> -> memref<128x64xf32, #tpu.memory_space<vmem>>
    %dma_wait3A_1024 = arith.constant 0 : i32
    %dma_wait3A_1025 = tpu.memref_slice %arg10[%add3A_645, %dma_wait3A_1019, %dma_wait3A_1024] : memref<16384x4x64xf32, #tpu.memory_space<hbm>> -> memref<128x1x64xf32, #tpu.memory_space<hbm>>
    %dma_wait3A_1026 = tpu.memref_squeeze %dma_wait3A_1025 : memref<128x1x64xf32, #tpu.memory_space<hbm>> -> memref<128x64xf32, #tpu.memory_space<hbm>>
    %dma_wait3A_1027 = arith.constant 0 : i32
    %dma_wait3A_1028 = tpu.memref_slice %arg10[%add3A_645, %dma_wait3A_1019, %dma_wait3A_1027] : memref<16384x4x64xf32, #tpu.memory_space<hbm>> -> memref<128x1x64xf32, #tpu.memory_space<hbm>>
    %dma_wait3A_1029 = tpu.memref_squeeze %dma_wait3A_1028 : memref<128x1x64xf32, #tpu.memory_space<hbm>> -> memref<128x64xf32, #tpu.memory_space<hbm>>
    %dma_wait3A_1030 = arith.constant 0 : i32
    %dma_wait3A_1031 = arith.constant 0 : i32
    %dma_wait3A_1032 = tpu.memref_slice %arg12[%dma_wait3A_1017, %dma_wait3A_1018, %dma_wait3A_1030, %dma_wait3A_1031] : memref<3x4x128x64xf32, #tpu.memory_space<vmem>> -> memref<1x1x128x64xf32, #tpu.memory_space<vmem>>
    %dma_wait3A_1033 = tpu.memref_squeeze %dma_wait3A_1032 : memref<1x1x128x64xf32, #tpu.memory_space<vmem>> -> memref<128x64xf32, #tpu.memory_space<vmem>>
    tpu.wait_dma2 semaphore(%arg18 : memref<!tpu.dma_semaphore, #tpu.memory_space<semaphore_mem>>) src(%dma_wait3A_1033 : memref<128x64xf32, #tpu.memory_space<vmem>>) dst(%dma_wait3A_1029 : memref<128x64xf32, #tpu.memory_space<hbm>>)
    %dma_wait3A_1034 = arith.constant 0 : i32
    %dma_wait3A_1035 = arith.constant 0 : i32
    %dma_wait3A_1036 = arith.constant 0 : i32
    %dma_wait3A_1037 = arith.constant 0 : i32
    %dma_wait3A_1038 = arith.constant 0 : i32
    %dma_wait3A_1039 = tpu.memref_slice %arg12[%dma_wait3A_1034, %dma_wait3A_1035, %dma_wait3A_1037, %dma_wait3A_1038] : memref<3x4x128x64xf32, #tpu.memory_space<vmem>> -> memref<1x1x128x64xf32, #tpu.memory_space<vmem>>
    %dma_wait3A_1040 = tpu.memref_squeeze %dma_wait3A_1039 : memref<1x1x128x64xf32, #tpu.memory_space<vmem>> -> memref<128x64xf32, #tpu.memory_space<vmem>>
    %dma_wait3A_1041 = arith.constant 0 : i32
    %dma_wait3A_1042 = tpu.memref_slice %arg10[%add3A_773, %dma_wait3A_1036, %dma_wait3A_1041] : memref<16384x4x64xf32, #tpu.memory_space<hbm>> -> memref<128x1x64xf32, #tpu.memory_space<hbm>>
    %dma_wait3A_1043 = tpu.memref_squeeze %dma_wait3A_1042 : memref<128x1x64xf32, #tpu.memory_space<hbm>> -> memref<128x64xf32, #tpu.memory_space<hbm>>
    %dma_wait3A_1044 = arith.constant 0 : i32
    %dma_wait3A_1045 = tpu.memref_slice %arg10[%add3A_773, %dma_wait3A_1036, %dma_wait3A_1044] : memref<16384x4x64xf32, #tpu.memory_space<hbm>> -> memref<128x1x64xf32, #tpu.memory_space<hbm>>
    %dma_wait3A_1046 = tpu.memref_squeeze %dma_wait3A_1045 : memref<128x1x64xf32, #tpu.memory_space<hbm>> -> memref<128x64xf32, #tpu.memory_space<hbm>>
    %dma_wait3A_1047 = arith.constant 0 : i32
    %dma_wait3A_1048 = arith.constant 0 : i32
    %dma_wait3A_1049 = tpu.memref_slice %arg12[%dma_wait3A_1034, %dma_wait3A_1035, %dma_wait3A_1047, %dma_wait3A_1048] : memref<3x4x128x64xf32, #tpu.memory_space<vmem>> -> memref<1x1x128x64xf32, #tpu.memory_space<vmem>>
    %dma_wait3A_1050 = tpu.memref_squeeze %dma_wait3A_1049 : memref<1x1x128x64xf32, #tpu.memory_space<vmem>> -> memref<128x64xf32, #tpu.memory_space<vmem>>
    tpu.wait_dma2 semaphore(%arg16 : memref<!tpu.dma_semaphore, #tpu.memory_space<semaphore_mem>>) src(%dma_wait3A_1050 : memref<128x64xf32, #tpu.memory_space<vmem>>) dst(%dma_wait3A_1046 : memref<128x64xf32, #tpu.memory_space<hbm>>)
    %dma_wait3A_1051 = arith.constant 0 : i32
    %dma_wait3A_1052 = arith.constant 1 : i32
    %dma_wait3A_1053 = arith.constant 1 : i32
    %dma_wait3A_1054 = arith.constant 0 : i32
    %dma_wait3A_1055 = arith.constant 0 : i32
    %dma_wait3A_1056 = tpu.memref_slice %arg12[%dma_wait3A_1051, %dma_wait3A_1052, %dma_wait3A_1054, %dma_wait3A_1055] : memref<3x4x128x64xf32, #tpu.memory_space<vmem>> -> memref<1x1x128x64xf32, #tpu.memory_space<vmem>>
    %dma_wait3A_1057 = tpu.memref_squeeze %dma_wait3A_1056 : memref<1x1x128x64xf32, #tpu.memory_space<vmem>> -> memref<128x64xf32, #tpu.memory_space<vmem>>
    %dma_wait3A_1058 = arith.constant 0 : i32
    %dma_wait3A_1059 = tpu.memref_slice %arg10[%add3A_773, %dma_wait3A_1053, %dma_wait3A_1058] : memref<16384x4x64xf32, #tpu.memory_space<hbm>> -> memref<128x1x64xf32, #tpu.memory_space<hbm>>
    %dma_wait3A_1060 = tpu.memref_squeeze %dma_wait3A_1059 : memref<128x1x64xf32, #tpu.memory_space<hbm>> -> memref<128x64xf32, #tpu.memory_space<hbm>>
    %dma_wait3A_1061 = arith.constant 0 : i32
    %dma_wait3A_1062 = tpu.memref_slice %arg10[%add3A_773, %dma_wait3A_1053, %dma_wait3A_1061] : memref<16384x4x64xf32, #tpu.memory_space<hbm>> -> memref<128x1x64xf32, #tpu.memory_space<hbm>>
    %dma_wait3A_1063 = tpu.memref_squeeze %dma_wait3A_1062 : memref<128x1x64xf32, #tpu.memory_space<hbm>> -> memref<128x64xf32, #tpu.memory_space<hbm>>
    %dma_wait3A_1064 = arith.constant 0 : i32
    %dma_wait3A_1065 = arith.constant 0 : i32
    %dma_wait3A_1066 = tpu.memref_slice %arg12[%dma_wait3A_1051, %dma_wait3A_1052, %dma_wait3A_1064, %dma_wait3A_1065] : memref<3x4x128x64xf32, #tpu.memory_space<vmem>> -> memref<1x1x128x64xf32, #tpu.memory_space<vmem>>
    %dma_wait3A_1067 = tpu.memref_squeeze %dma_wait3A_1066 : memref<1x1x128x64xf32, #tpu.memory_space<vmem>> -> memref<128x64xf32, #tpu.memory_space<vmem>>
    tpu.wait_dma2 semaphore(%arg16 : memref<!tpu.dma_semaphore, #tpu.memory_space<semaphore_mem>>) src(%dma_wait3A_1067 : memref<128x64xf32, #tpu.memory_space<vmem>>) dst(%dma_wait3A_1063 : memref<128x64xf32, #tpu.memory_space<hbm>>)
    %dma_wait3A_1068 = arith.constant 0 : i32
    %dma_wait3A_1069 = arith.constant 2 : i32
    %dma_wait3A_1070 = arith.constant 2 : i32
    %dma_wait3A_1071 = arith.constant 0 : i32
    %dma_wait3A_1072 = arith.constant 0 : i32
    %dma_wait3A_1073 = tpu.memref_slice %arg12[%dma_wait3A_1068, %dma_wait3A_1069, %dma_wait3A_1071, %dma_wait3A_1072] : memref<3x4x128x64xf32, #tpu.memory_space<vmem>> -> memref<1x1x128x64xf32, #tpu.memory_space<vmem>>
    %dma_wait3A_1074 = tpu.memref_squeeze %dma_wait3A_1073 : memref<1x1x128x64xf32, #tpu.memory_space<vmem>> -> memref<128x64xf32, #tpu.memory_space<vmem>>
    %dma_wait3A_1075 = arith.constant 0 : i32
    %dma_wait3A_1076 = tpu.memref_slice %arg10[%add3A_773, %dma_wait3A_1070, %dma_wait3A_1075] : memref<16384x4x64xf32, #tpu.memory_space<hbm>> -> memref<128x1x64xf32, #tpu.memory_space<hbm>>
    %dma_wait3A_1077 = tpu.memref_squeeze %dma_wait3A_1076 : memref<128x1x64xf32, #tpu.memory_space<hbm>> -> memref<128x64xf32, #tpu.memory_space<hbm>>
    %dma_wait3A_1078 = arith.constant 0 : i32
    %dma_wait3A_1079 = tpu.memref_slice %arg10[%add3A_773, %dma_wait3A_1070, %dma_wait3A_1078] : memref<16384x4x64xf32, #tpu.memory_space<hbm>> -> memref<128x1x64xf32, #tpu.memory_space<hbm>>
    %dma_wait3A_1080 = tpu.memref_squeeze %dma_wait3A_1079 : memref<128x1x64xf32, #tpu.memory_space<hbm>> -> memref<128x64xf32, #tpu.memory_space<hbm>>
    %dma_wait3A_1081 = arith.constant 0 : i32
    %dma_wait3A_1082 = arith.constant 0 : i32
    %dma_wait3A_1083 = tpu.memref_slice %arg12[%dma_wait3A_1068, %dma_wait3A_1069, %dma_wait3A_1081, %dma_wait3A_1082] : memref<3x4x128x64xf32, #tpu.memory_space<vmem>> -> memref<1x1x128x64xf32, #tpu.memory_space<vmem>>
    %dma_wait3A_1084 = tpu.memref_squeeze %dma_wait3A_1083 : memref<1x1x128x64xf32, #tpu.memory_space<vmem>> -> memref<128x64xf32, #tpu.memory_space<vmem>>
    tpu.wait_dma2 semaphore(%arg16 : memref<!tpu.dma_semaphore, #tpu.memory_space<semaphore_mem>>) src(%dma_wait3A_1084 : memref<128x64xf32, #tpu.memory_space<vmem>>) dst(%dma_wait3A_1080 : memref<128x64xf32, #tpu.memory_space<hbm>>)
    %dma_wait3A_1085 = arith.constant 0 : i32
    %dma_wait3A_1086 = arith.constant 3 : i32
    %dma_wait3A_1087 = arith.constant 3 : i32
    %dma_wait3A_1088 = arith.constant 0 : i32
    %dma_wait3A_1089 = arith.constant 0 : i32
    %dma_wait3A_1090 = tpu.memref_slice %arg12[%dma_wait3A_1085, %dma_wait3A_1086, %dma_wait3A_1088, %dma_wait3A_1089] : memref<3x4x128x64xf32, #tpu.memory_space<vmem>> -> memref<1x1x128x64xf32, #tpu.memory_space<vmem>>
    %dma_wait3A_1091 = tpu.memref_squeeze %dma_wait3A_1090 : memref<1x1x128x64xf32, #tpu.memory_space<vmem>> -> memref<128x64xf32, #tpu.memory_space<vmem>>
    %dma_wait3A_1092 = arith.constant 0 : i32
    %dma_wait3A_1093 = tpu.memref_slice %arg10[%add3A_773, %dma_wait3A_1087, %dma_wait3A_1092] : memref<16384x4x64xf32, #tpu.memory_space<hbm>> -> memref<128x1x64xf32, #tpu.memory_space<hbm>>
    %dma_wait3A_1094 = tpu.memref_squeeze %dma_wait3A_1093 : memref<128x1x64xf32, #tpu.memory_space<hbm>> -> memref<128x64xf32, #tpu.memory_space<hbm>>
    %dma_wait3A_1095 = arith.constant 0 : i32
    %dma_wait3A_1096 = tpu.memref_slice %arg10[%add3A_773, %dma_wait3A_1087, %dma_wait3A_1095] : memref<16384x4x64xf32, #tpu.memory_space<hbm>> -> memref<128x1x64xf32, #tpu.memory_space<hbm>>
    %dma_wait3A_1097 = tpu.memref_squeeze %dma_wait3A_1096 : memref<128x1x64xf32, #tpu.memory_space<hbm>> -> memref<128x64xf32, #tpu.memory_space<hbm>>
    %dma_wait3A_1098 = arith.constant 0 : i32
    %dma_wait3A_1099 = arith.constant 0 : i32
    %dma_wait3A_1100 = tpu.memref_slice %arg12[%dma_wait3A_1085, %dma_wait3A_1086, %dma_wait3A_1098, %dma_wait3A_1099] : memref<3x4x128x64xf32, #tpu.memory_space<vmem>> -> memref<1x1x128x64xf32, #tpu.memory_space<vmem>>
    %dma_wait3A_1101 = tpu.memref_squeeze %dma_wait3A_1100 : memref<1x1x128x64xf32, #tpu.memory_space<vmem>> -> memref<128x64xf32, #tpu.memory_space<vmem>>
    tpu.wait_dma2 semaphore(%arg16 : memref<!tpu.dma_semaphore, #tpu.memory_space<semaphore_mem>>) src(%dma_wait3A_1101 : memref<128x64xf32, #tpu.memory_space<vmem>>) dst(%dma_wait3A_1097 : memref<128x64xf32, #tpu.memory_space<hbm>>)
    return
  }
}

</mosaic_0001>

<sc_bundles>
// kernel: kernel.3.cloned.1.call-start
scs
__scs_entry_jumppad:
0x0: {  	(pc) =	sbr.rel $0x88, $3  }
0x1: {  	(tag) =	ssettag $0x0;
	lr =	simm.s32 $0x1  }
0x2: {  	[smem:$0x3F99] =	sst lr;
	_ =	strace $0xD0000000  }
0x3: {  	_ = 	snop  }
0x4: {  	_ = 	snop  }
0x5: {  	_ = 	snop  }
0x6: {  	_ = 	snop  }
0x7: {  	_ = 	snop  }
__scs_overlays_trampoline_lowered:
0x8: {  	[smem:$0x3FA8] =	sst s0  }
0x9: {  	[smem:$0x3FA9] =	sst s1  }
0xa: {  	[smem:$0x3FAA] =	sst s2  }
0xb: {  	[smem:$0x3FAB] =	sst s3  }
0xc: {  	[smem:$0x3FAC] =	sst s4  }
0xd: {  	[smem:$0x3FAD] =	sst s5  }
0xe: {  	[smem:$0x3FAE] =	sst s6  }
0xf: {  	[smem:$0x3FAF] =	sst s7  }
0x10: {  	[smem:$0x3FB0] =	sst s8  }
0x11: {  	[smem:$0x3FB1] =	sst s9;
	s0 =	simm.s32 @!p0 $0x0  }
0x12: {  	s1 =	sld [smem:$0x3F97];
	s0 =	simm.s32 @p0 $0x1  }
0x13: {  	[smem:$0x3FB2] =	sst s0;
	s0 =	simm.s32 @!p1 $0x0  }
0x14: {  	s2 =	sld [smem:$0x3F96];
	s0 =	simm.s32 @p1 $0x1  }
0x15: {  	[smem:$0x3FB3] =	sst s0;
	s0 =	simm.s32 @!p2 $0x0  }
0x16: {  	s3 =	sld [smem:$0x3FDB];
	s0 =	simm.s32 @p2 $0x1  }
0x17: {  	s4 =	simm.s32 $0x1BF5;
	[smem:$0x3FB5] =	sst s0  }
0x18: {  	s0 =	sld [smem:$0x3F98];
	_ =	swait.ge [sflag:s4], $0x0  }
0x19: {  	s7 =	sld [smem:$0x3F99]  }
0x1a: {  	s8 =	sadd.s32 $0xFFFFE003, lr  }
0x1b: {  	s9 =	sadd.s32 $0xFFFFFEF7, lr;
	s5 =	simm.s32 $0xFFFFFFFF;
	p2 =	slt.u32 s8, $0xFFFFF086  }
0x1c: {  	p1 =	slt.u32 s9, $0xF7A;
	s5 =	simm.s32 @!p2 $0x0  }
0x1d: {  	s5 =	simm.s32 @p1 $0x1;
	p0 =	seq.s32 s7, s2  }
0x1e: {  	s7 =	smul.u32 @!p0 $0xF7A, s2;
	p2 =	seq.s32 @!p0 s5, $0x0  }
0x1f: {  	s9 =	smul.u32 $0xF7A, s1;
	s8 =	simm.s32 @!p0 $0x1BF5;
	p2 =	por !p2, p0  }
0x20: {  	[sflag:s8] =	ssyncset.s32 @!p0 $0xFFFFF086;
	s6 =	sadd.s32 @!p0 s3, s7;
	s7 =	simm.s32 @!p0 $0x108  }
0x21: {  	s3 =	sadd.s32 s3, s9;
	s6 =	sadd.s32 @!p0 $0x88, s6;
	s7 =	simm.s32 @p2 $0x1082  }
0x22: {  	[simem:s7], [sflag:s8] =	dma.local @!p0 [hbm:s6], $0xF7A  }
0x23: {  	s9 =	sor.u32 $0xD0000000, s2;
	s6 =	simm.s32 $0x108;
	_ =	swait.ge @!p0 [sflag:s8], $0x0  }
0x24: {  	s3 =	sadd.s32 $0x88, s3;
	s6 =	simm.s32 @!p1 $0x1082;
	[sflag:s4] =	ssyncset.s32 $0xFFFFF086  }
0x25: {  	[simem:s6], [sflag:s4] =	dma.local [hbm:s3], $0xF7A  }
0x26: {  	[smem:$0x3F99] =	sst s1;
	(tag) =	ssettag s2;
	_ =	strace s9  }
0x27: {  	s1 =	sld [smem:$0x3FA9]  }
0x28: {  	s2 =	sld [smem:$0x3FAA]  }
0x29: {  	s4 =	sld [smem:$0x3FAC]  }
0x2a: {  	p0 =	seq.s32 s5, $0x0;
	s5 =	sld [smem:$0x3FAD]  }
0x2b: {  	s6 =	sld [smem:$0x3FAE]  }
0x2c: {  	s7 =	sld [smem:$0x3FAF]  }
0x2d: {  	s3 =	simm.s32 $0x108;
	s8 =	sld [smem:$0x3FB0]  }
0x2e: {  	s3 =	simm.s32 @!p0 $0x1082;
	s9 =	sld [smem:$0x3FB1]  }
0x2f: {  	lr =	sadd.s32 s0, s3;
	s0 =	sld [smem:$0x3FA8]  }
0x30: {  	s3 =	sld [smem:$0x3FAB]  }
0x31: {  	[smem:$0x3FB4] =	sst s10  }
0x32: {  	s10 =	sld [smem:$0x3FB2];
	_ =	sdelay $0x3  }
0x33: {  	p0 =	seq.s32 s10, $0x1;
	s10 =	sld [smem:$0x3FB4];
	_ =	sdelay $0x3  }
0x34: {  	[smem:$0x3FB4] =	sst s10  }
0x35: {  	s10 =	sld [smem:$0x3FB3];
	_ =	sdelay $0x3  }
0x36: {  	p1 =	seq.s32 s10, $0x1;
	s10 =	sld [smem:$0x3FB4];
	_ =	sdelay $0x3  }
0x37: {  	[smem:$0x3FB4] =	sst s10  }
0x38: {  	s10 =	sld [smem:$0x3FB5]  }
0x39: {  	_ = 	snop;
	(pc) =	sbr.ind lr, $3  }
0x3a: {  	_ = 	snop  }
0x3b: {  	_ = 	snop  }
0x3c: {  	p2 =	seq.s32 s10, $0x1;
	s10 =	sld [smem:$0x3FB4]  }
0x3d: {  	_ =	shalt  }
0x3e: {  	_ =	shalt  }
0x3f: {  	_ =	shalt  }
0x40: {  	_ =	shalt  }
0x41: {  	_ =	shalt  }
0x42: {  	_ =	shalt  }
0x43: {  	_ =	shalt  }
0x44: {  	_ =	shalt  }
0x45: {  	_ =	shalt  }
0x46: {  	_ =	shalt  }
0x47: {  	_ =	shalt  }
0x48: {  	_ =	shalt  }
0x49: {  	_ =	shalt  }
0x4a: {  	_ =	shalt  }
0x4b: {  	_ =	shalt  }
0x4c: {  	_ =	shalt  }
0x4d: {  	_ =	shalt  }
0x4e: {  	_ =	shalt  }
0x4f: {  	_ =	shalt  }
0x50: {  	_ =	shalt  }
0x51: {  	_ =	shalt  }
0x52: {  	_ =	shalt  }
0x53: {  	_ =	shalt  }
0x54: {  	_ =	shalt  }
0x55: {  	_ =	shalt  }
0x56: {  	_ =	shalt  }
0x57: {  	_ =	shalt  }
0x58: {  	_ =	shalt  }
0x59: {  	_ =	shalt  }
0x5a: {  	_ =	shalt  }
0x5b: {  	_ =	shalt  }
0x5c: {  	_ =	shalt  }
0x5d: {  	_ =	shalt  }
0x5e: {  	_ =	shalt  }
0x5f: {  	_ =	shalt  }
0x60: {  	_ =	shalt  }
0x61: {  	_ =	shalt  }
0x62: {  	_ =	shalt  }
0x63: {  	_ =	shalt  }
0x64: {  	_ =	shalt  }
0x65: {  	_ =	shalt  }
0x66: {  	_ =	shalt  }
0x67: {  	_ =	shalt  }
0x68: {  	_ =	shalt  }
0x69: {  	_ =	shalt  }
0x6a: {  	_ =	shalt  }
0x6b: {  	_ =	shalt  }
0x6c: {  	_ =	shalt  }
0x6d: {  	_ =	shalt  }
0x6e: {  	_ =	shalt  }
0x6f: {  	_ =	shalt  }
0x70: {  	_ =	shalt  }
0x71: {  	_ =	shalt  }
0x72: {  	_ =	shalt  }
0x73: {  	_ =	shalt  }
0x74: {  	_ =	shalt  }
0x75: {  	_ =	shalt  }
0x76: {  	_ =	shalt  }
0x77: {  	_ =	shalt  }
0x78: {  	_ =	shalt  }
0x79: {  	_ =	shalt  }
0x7a: {  	_ =	shalt  }
0x7b: {  	_ =	shalt  }
0x7c: {  	_ =	shalt  }
0x7d: {  	_ =	shalt  }
0x7e: {  	_ =	shalt  }
0x7f: {  	_ =	shalt  }
0x80: {  	_ =	shalt  }
0x81: {  	_ =	shalt  }
0x82: {  	_ =	shalt  }
0x83: {  	_ =	shalt  }
0x84: {  	_ =	shalt  }
0x85: {  	_ =	shalt  }
0x86: {  	_ =	shalt  }
0x87: {  	_ =	shalt  }
.Lfunc_end0:
.L_simem_size_0:
called_computation_lowered:
.L_overlay_start_0:
0x88: {  	s2 =	sld [smem:$0x3FD9]  }
0x89: {  	s3 =	sld [smem:$0x3FFE];
	_ =	sdelay $0x1  }
0x8a: {  	s1 =	srdreg.scid  }
0x8b: {  	s0 =	sand.u32 $0x1, s1  }
0x8c: {  	s17 =	sshll.u32 s0, $0xA;
	s2 =	sadd.s32 s3, s2  }
0x8d: {  	s2 =	sadd.s32 s2, s17  }
0x8e: {  	[smem:$0x3FC0] =	sst s2  }
0x8f: {  	_ = 	snop  }
0x90: {  	s2 =	sld [smem:$0x3FC9]  }
0x91: {  	s18 =	sld [smem:$0x3FC8]  }
0x92: {  	s4 =	sld [smem:$0x3FC7]  }
0x93: {  	s5 =	sld [smem:$0x3FC6]  }
0x94: {  	s6 =	sld [smem:$0x3FD0];
	(tm) =	ssettm $0x1  }
0x95: {  	s7 =	sld [smem:$0x3FFB];
	_ =	sdelay $0x3  }
0x96: {  	_ =	strace s7  }
0x97: {  	s7 =	sld [smem:$0x3FFC];
	_ =	sdelay $0x3  }
0x98: {  	_ =	strace s7  }
0x99: {  	s7 =	sld [smem:$0x3FFD];
	_ =	sdelay $0x3  }
0x9a: {  	_ =	strace s7  }
0x9b: {  	_ =	strace $0x8FFFFFFF  }
0x9c: {  	s19 =	sld [smem:$0x3FDB];
	_ =	sdelay $0x1  }
0x9d: {  	s8 =	simm.s32 $_scs_section_size  }
0x9e: {  	s9 =	simm.s32 $_size__tile_overlayer_lowered;
	s10 =	simm.s32 $_tile_overlayer_lowered  }
0x9f: {  	s22 =	simm.s32 $0x1BFF;
	s21 =	sshll.u32 s10, $0x1;
	s7 =	sadd.s32 s8, s19  }
0xa0: {  	s11 =	simm.s32 $0x0;
	s20 =	sshll.u32 s9, $0x1;
	s9 =	sadd.s32 s21, s7  }
0xa1: {  	[timem:s11], [sflag:s22] =	dma.local [hbm:s9], s20  }
0xa2: {  	_ =	swait.ge [sflag:s22], s20  }
0xa3: {  	s8 =	ssub.s32 $0x0, s20;
	[sflag:s22] =	ssyncset.done $0x0  }
0xa4: {  	[sflag:s22] =	ssyncadd.s32 s8;
	_ =	sdelay $0x1  }
0xa5: {  	s23 =	simm.s32 $0x1B8B  }
0xa6: {  	_ =	swait.ge [sflag:s23], $0x1  }
0xa7: {  	[sflag:s23] =	ssyncset.done $0x0  }
0xa8: {  	s25 =	simm.s32 $0x1B8E;
	s24 =	sld [smem:$0x3FFE];
	[sflag:s23] =	ssyncadd.s32 $0xFFFFFFFF  }
0xa9: {  	s26 =	simm.s32 $execute0_lowered;
	[smem:$0x3FD2] =	sst s25  }
0xaa: {  	s9 =	sshll.u32 s26, $0x1;
	_ =	strace $0x80000046;
	[dreg:$0x1] =	wrdreg $0xFFFFFFFF  }
0xab: {  	s28 =	simm.s32 $_size_execute0_lowered;
	s7 =	sadd.s32 s7, s9;
	[dreg:$0x0] =	wrdreg $0x0  }
0xac: {  	s9 =	sshll.u32 s28, $0x1;
	[dreg:$0x2] =	wrdreg s7  }
0xad: {  	[dreg:$0x3] =	wrdreg s9  }
0xae: {  	[dreg:$0x4] =	wrdreg $0xC0  }
0xaf: {  	_ =	task [dreg:s11], $0x5FFFF  }
0xb0: {  	[dreg:$0x1] =	wrdreg $0xFFFFFFFF  }
0xb1: {  	[dreg:$0x0] =	wrdreg $0x60  }
0xb2: {  	[dreg:$0x2] =	wrdreg s2  }
0xb3: {  	[dreg:$0x3] =	wrdreg s18  }
0xb4: {  	[dreg:$0x4] =	wrdreg s4  }
0xb5: {  	[dreg:$0x5] =	wrdreg s5  }
0xb6: {  	[dreg:$0x6] =	wrdreg s24  }
0xb7: {  	[dreg:$0x7] =	wrdreg s6  }
0xb8: {  	[dreg:$0x8] =	wrdreg $0x9  }
0xb9: {  	_ =	task.clear_ibuf [dreg:s11], $0x9FFFF;
	_ =	strace $0x90000046  }
0xba: {  	s29 =	simm.s32 $0x9;
	_ =	strace $0x80000048  }
0xbb: {  	_ =	swait.ge [sflag:s29], $0x1  }
0xbc: {  	[sflag:s29] =	ssyncadd.s32 $0xFFFFFFFF  }
0xbd: {  	_ =	strace $0x90000048  }
0xbe: {  	_ =	sfence  }
0xbf: {  	s30 =	sld [smem:$0x0];
	_ =	sdelay $0x2  }
0xc0: {  	s31 =	sshll.u32 s1, $0xD;
	s1 =	sshrl.u32 s1, $0x2  }
0xc1: {  	s3 =	sand.u32 $0x4000, s31;
	s1 =	sadd.s32 s1, s30  }
0xc2: {  	s0 =	sor.u32 s3, s0;
	s1 =	sshll.u32 s1, $0x11  }
0xc3: {  	s0 =	sor.u32 s1, s0  }
0xc4: {  	s0 =	sadd.s32 $0x8F2B, s0  }
0xc5: {  	[sflag:s0] =	ssyncadd.remote.s32 $0x1  }
0xc6: {  	_ =	sfence.sel $0xFFFF  }
0xc7: {  	[dreg:$0x0] =	wrdreg $0xFFFFFFFF;
	(pc) =	sbr.abs _section_cstart, $3  }
0xc8: {  	[dreg:$0x1] =	wrdreg $0xFFFFFFFF  }
0xc9: {  	_ =	task.clear_ibuf [dreg:s11], $0x2FFFF;
	_ =	strace $0x9FFFFFFF  }
0xca: {  	(tm) =	ssettm $0x7FFFFFFF  }
0xcb: {  	_ =	shalt  }
tec
execute0_lowered:
.L_overlay_start_1:
0x0: {  	(tag) =	ssettag $0x1  }
0x1: {  	s3 =	rddreg [dreg:$0x0]  }
0x2: {  	s4 =	rddreg [dreg:$0x1]  }
0x3: {  	s6 =	rddreg [dreg:$0x2];
	s1 =	srdreg.scid  }
0x4: {  	s7 =	rddreg [dreg:$0x3];
	s5 =	stileid.u32;
	s1 =	sand.u32 $0x1, s1  }
0x5: {  	s0 =	rddreg [dreg:$0x4];
	s8 =	sshll.u32 s5, $0xA;
	s9 =	sshll.u32 s1, $0x9  }
0x6: {  	s2 =	rddreg [dreg:$0x5];
	s5 =	simm.s32 $0x0;
	s8 =	sor.u32 s9, s8  }
0x7: {  	[smem:$0x7FF] =	sst s5;
	s9 =	sshrl.u32 s8, $0x3  }
0x8: {  	_ =	strace $0x80000047;
	s11 =	sor.u32 $0x80, s8;
	s10 =	sadd.s32 s3, s9  }
0x9: {  	s12 =	sor.u32 $0x100, s8;
	s24 =	sadd.s32 s4, s9;
	[dreg:$0x7] =	wrdreg s10  }
0xa: {  	s15 =	sor.u32 $0x180, s8;
	s29 =	sadd.s32 s6, s9;
	[dreg:$0xb] =	wrdreg s24  }
0xb: {  	s22 =	sshrl.u32 s11, $0x3;
	s18 =	sadd.s32 s7, s9;
	[dreg:$0xf] =	wrdreg s29  }
0xc: {  	s14 =	sshrl.u32 s12, $0x3;
	s13 =	sadd.s32 s3, s22;
	[dreg:$0x13] =	wrdreg s18  }
0xd: {  	s16 =	sshrl.u32 s15, $0x3;
	s23 =	sadd.s32 s3, s14;
	[dreg:$0x8] =	wrdreg s13  }
0xe: {  	s3 =	sadd.s32 s3, s16;
	[dreg:$0x9] =	wrdreg s23  }
0xf: {  	s25 =	sadd.s32 s4, s22;
	[dreg:$0xa] =	wrdreg s3  }
0x10: {  	s26 =	sadd.s32 s4, s14;
	[dreg:$0xc] =	wrdreg s25  }
0x11: {  	s28 =	sadd.s32 s4, s16;
	[dreg:$0xd] =	wrdreg s26  }
0x12: {  	p0 =	por $0x0, $0x0;
	s4 =	sadd.s32 s6, s22;
	[dreg:$0xe] =	wrdreg s28  }
0x13: {  	s31 =	simm.s32 $0x2;
	s17 =	sadd.s32 s6, s16;
	[dreg:$0x10] =	wrdreg s4  }
0x14: {  	s1 =	ssub.s32 $0x2, s1;
	s19 =	sadd.s32 s7, s22;
	[dreg:$0x12] =	wrdreg s17  }
0x15: {  	s9 =	simm.s32 $0x5;
	s20 =	sadd.s32 s7, s14;
	[dreg:$0x14] =	wrdreg s19  }
0x16: {  	s21 =	sadd.s32 s7, s16;
	s22 =	sshll.u32 s8, $0x5;
	[dreg:$0x15] =	wrdreg s20  }
0x17: {  	s24 =	sadd.s32 $0x8, s2;
	s29 =	sadd.s32 $0x18, s2;
	[dreg:$0x16] =	wrdreg s21  }
0x18: {  	s10 =	sshll.u32 s11, $0x5;
	s13 =	sadd.s32 s6, s14;
	s30 =	rddreg [dreg:$0x7]  }
0x19: {  	s18 =	sshll.u32 s12, $0x5;
	s23 =	sadd.s32 s2, s22;
	[dreg:$0x11] =	wrdreg s13  }
0x1a: {  	s12 =	simm.s32 $0x2800;
	s25 =	sadd.s32 s22, s24;
	[dreg:$0x17] =	wrdreg s23  }
0x1b: {  	s8 =	simm.s32 $0x6800;
	s7 =	sadd.s32 s22, s29;
	[dreg:$0x18] =	wrdreg s25  }
0x1c: {  	s26 =	sadd.s32 $0x10, s2;
	s11 =	sadd.s32 s2, s10;
	[dreg:$0x1a] =	wrdreg s7  }
0x1d: {  	s14 =	sadd.s32 s10, s24;
	s17 =	sadd.s32 s10, s29;
	[dreg:$0x1b] =	wrdreg s11  }
0x1e: {  	s19 =	sadd.s32 s2, s18;
	s6 =	sadd.s32 $0xF42E00, s0;
	[dreg:$0x1c] =	wrdreg s14  }
0x1f: {  	s20 =	sadd.s32 s18, s24;
	s3 =	simm.s32 $0x100;
	[dreg:$0x1e] =	wrdreg s17  }
0x20: {  	s28 =	sadd.s32 s22, s26;
	s16 =	sadd.s32 s10, s26;
	[dreg:$0x1f] =	wrdreg s19  }
0x21: {  	s7 =	sadd.s32 $0x187400, s0;
	[smem:$0x7F7] =	sst s20;
	s21 =	sadd.s32 s18, s26  }
0x22: {  	s22 =	sadd.s32 s18, s29;
	s23 =	sshll.u32 s15, $0x5;
	s10 =	sadd.s32 $0x2A00, s0  }
0x23: {  	s25 =	sshrl.u32 s1, $0x1;
	s20 =	simm.s32 $0x7;
	[dreg:$0x19] =	wrdreg s28  }
0x24: {  	s17 =	simm.s32 $0x80;
	[dreg:$0x1d] =	wrdreg s16;
	s1 =	ssub.s32 s1, s25  }
0x25: {  	[smem:$0x7F8] =	sst s21;
	s28 =	sadd.s32 s23, s29;
	s29 =	smax.u32 s1, $0x1  }
0x26: {  	[smem:$0x7F9] =	sst s22;
	s2 =	sadd.s32 s2, s23;
	p1 =	sne.s32 s29, $0x1  }
.Ltmp0:
0x27: {  	s24 =	sadd.s32 s23, s24;
	[smem:$0x7FA] =	sst s2;
	(pc) =	sbr.rel @!p1 .LBB2_4-.Ltmp0, $4  }
0x28: {  	s13 =	simm.s32 $0x800;
	s26 =	sadd.s32 s23, s26;
	[smem:$0x7FB] =	sst s24  }
0x29: {  	s14 =	simm.s32 $0x1;
	s15 =	simm.s32 $0x40;
	[smem:$0x7FC] =	sst s26  }
0x2a: {  	s18 =	simm.s32 $0x6;
	s16 =	sadd.s32 $0xA00, s0;
	[smem:$0x7FD] =	sst s28  }
0x2b: {  	s2 =	simm.s32 $0x4;
	s24 =	simm.s32 $0x3;
	s22 =	sadd.s32 $0xFFFFFFFF, s29  }
0x2c: {  	[tilespmem:s5], [sflag:$0x7] =	stream.linear.gather [hbm4b:s30+s5], $0x80, $0x38;
	[tilespmem:$0x18800] =	vst v63  }
0x2d: {  	_ =	swait.ge [sflag:s20], $0x80  }
0x2e: {  	[sflag:s20] =	ssyncset.done $0x0  }
0x2f: {  	s30 =	rddreg [dreg:$0x8];
	[sflag:s20] =	ssyncadd.s32 $0xFFFFFF80  }
0x30: {  	[tilespmem:s17], [sflag:$0x7] =	stream.linear.gather [hbm4b:s30+s5], $0x80, $0x38;
	[tilespmem:$0x18800] =	vst v63  }
0x31: {  	_ =	swait.ge [sflag:s20], $0x80  }
0x32: {  	[sflag:s20] =	ssyncset.done $0x0  }
0x33: {  	s30 =	rddreg [dreg:$0x9];
	[sflag:s20] =	ssyncadd.s32 $0xFFFFFF80  }
0x34: {  	[tilespmem:s3], [sflag:$0x7] =	stream.linear.gather [hbm4b:s30+s5], $0x80, $0x38;
	[tilespmem:$0x18800] =	vst v63  }
0x35: {  	_ =	swait.ge [sflag:s20], $0x80  }
0x36: {  	[sflag:s20] =	ssyncset.done $0x0  }
0x37: {  	s0 =	simm.s32 $0x180;
	s30 =	rddreg [dreg:$0xa];
	[sflag:s20] =	ssyncadd.s32 $0xFFFFFF80  }
0x38: {  	[tilespmem:s0], [sflag:$0x7] =	stream.linear.gather [hbm4b:s30+s5], $0x80, $0x38;
	[tilespmem:$0x18800] =	vst v63  }
0x39: {  	_ =	swait.ge [sflag:s20], $0x80  }
0x3a: {  	[sflag:s20] =	ssyncset.done $0x0  }
0x3b: {  	s0 =	simm.s32 $0x200;
	s30 =	rddreg [dreg:$0xb];
	[sflag:s20] =	ssyncadd.s32 $0xFFFFFF80  }
0x3c: {  	[tilespmem:s0], [sflag:$0x7] =	stream.linear.gather [hbm4b:s30+s5], $0x80, $0x38;
	[tilespmem:$0x18800] =	vst v63  }
0x3d: {  	_ =	swait.ge [sflag:s20], $0x80  }
0x3e: {  	[sflag:s20] =	ssyncset.done $0x0  }
0x3f: {  	s19 =	simm.s32 $0x280;
	s30 =	rddreg [dreg:$0xc];
	[sflag:s20] =	ssyncadd.s32 $0xFFFFFF80  }
0x40: {  	[tilespmem:s19], [sflag:$0x7] =	stream.linear.gather [hbm4b:s30+s5], $0x80, $0x38;
	[tilespmem:$0x18800] =	vst v63  }
0x41: {  	_ =	swait.ge [sflag:s20], $0x80  }
0x42: {  	[sflag:s20] =	ssyncset.done $0x0  }
0x43: {  	s21 =	simm.s32 $0x300;
	s30 =	rddreg [dreg:$0xd];
	[sflag:s20] =	ssyncadd.s32 $0xFFFFFF80  }
0x44: {  	[tilespmem:s21], [sflag:$0x7] =	stream.linear.gather [hbm4b:s30+s5], $0x80, $0x38;
	[tilespmem:$0x18800] =	vst v63  }
0x45: {  	_ =	swait.ge [sflag:s20], $0x80  }
0x46: {  	[sflag:s20] =	ssyncset.done $0x0  }
0x47: {  	s1 =	simm.s32 $0x380;
	s30 =	rddreg [dreg:$0xe];
	[sflag:s20] =	ssyncadd.s32 $0xFFFFFF80  }
0x48: {  	[tilespmem:s1], [sflag:$0x7] =	stream.linear.gather [hbm4b:s30+s5], $0x80, $0x38;
	[tilespmem:$0x18800] =	vst v63  }
0x49: {  	_ =	swait.ge [sflag:s20], $0x80  }
0x4a: {  	[sflag:s20] =	ssyncset.done $0x0  }
0x4b: {  	s18 =	simm.s32 $0x400;
	s30 =	rddreg [dreg:$0xf];
	[sflag:s20] =	ssyncadd.s32 $0xFFFFFF80  }
0x4c: {  	[tilespmem:s18], [sflag:$0x7] =	stream.linear.gather [hbm4b:s30+s5], $0x80, $0x38;
	[tilespmem:$0x18800] =	vst v63  }
0x4d: {  	_ =	swait.ge [sflag:s20], $0x80  }
0x4e: {  	[sflag:s20] =	ssyncset.done $0x0  }
0x4f: {  	s23 =	simm.s32 $0x480;
	s30 =	rddreg [dreg:$0x10];
	[sflag:s20] =	ssyncadd.s32 $0xFFFFFF80  }
0x50: {  	[tilespmem:s23], [sflag:$0x7] =	stream.linear.gather [hbm4b:s30+s5], $0x80, $0x38;
	[tilespmem:$0x18800] =	vst v63  }
0x51: {  	_ =	swait.ge [sflag:s20], $0x80  }
0x52: {  	[sflag:s20] =	ssyncset.done $0x0  }
0x53: {  	s28 =	simm.s32 $0x500;
	s30 =	rddreg [dreg:$0x11];
	[sflag:s20] =	ssyncadd.s32 $0xFFFFFF80  }
0x54: {  	[tilespmem:s28], [sflag:$0x7] =	stream.linear.gather [hbm4b:s30+s5], $0x80, $0x38;
	[tilespmem:$0x18800] =	vst v63  }
0x55: {  	_ =	swait.ge [sflag:s20], $0x80  }
0x56: {  	[sflag:s20] =	ssyncset.done $0x0  }
0x57: {  	s25 =	simm.s32 $0x580;
	s30 =	rddreg [dreg:$0x12];
	[sflag:s20] =	ssyncadd.s32 $0xFFFFFF80  }
0x58: {  	[tilespmem:s25], [sflag:$0x7] =	stream.linear.gather [hbm4b:s30+s5], $0x80, $0x38;
	[tilespmem:$0x18800] =	vst v63  }
0x59: {  	_ =	swait.ge [sflag:s20], $0x80  }
0x5a: {  	[sflag:s20] =	ssyncset.done $0x0  }
0x5b: {  	s29 =	simm.s32 $0x600;
	s30 =	rddreg [dreg:$0x13];
	[sflag:s20] =	ssyncadd.s32 $0xFFFFFF80  }
0x5c: {  	[tilespmem:s29], [sflag:$0x7] =	stream.linear.gather [hbm4b:s30+s5], $0x80, $0x38;
	[tilespmem:$0x18800] =	vst v63  }
0x5d: {  	_ =	swait.ge [sflag:s20], $0x80  }
0x5e: {  	[sflag:s20] =	ssyncset.done $0x0  }
0x5f: {  	s11 =	simm.s32 $0x680;
	s30 =	rddreg [dreg:$0x14];
	[sflag:s20] =	ssyncadd.s32 $0xFFFFFF80  }
0x60: {  	[tilespmem:s11], [sflag:$0x7] =	stream.linear.gather [hbm4b:s30+s5], $0x80, $0x38;
	[tilespmem:$0x18800] =	vst v63  }
0x61: {  	_ =	swait.ge [sflag:s20], $0x80  }
0x62: {  	[sflag:s20] =	ssyncset.done $0x0  }
0x63: {  	s4 =	simm.s32 $0x700;
	s30 =	rddreg [dreg:$0x15];
	[sflag:s20] =	ssyncadd.s32 $0xFFFFFF80  }
0x64: {  	[tilespmem:s4], [sflag:$0x7] =	stream.linear.gather [hbm4b:s30+s5], $0x80, $0x38;
	[tilespmem:$0x18800] =	vst v63  }
0x65: {  	_ =	swait.ge [sflag:s20], $0x80  }
0x66: {  	[sflag:s20] =	ssyncset.done $0x0  }
0x67: {  	s26 =	simm.s32 $0x780;
	s30 =	rddreg [dreg:$0x16];
	[sflag:s20] =	ssyncadd.s32 $0xFFFFFF80  }
0x68: {  	[tilespmem:s26], [sflag:$0x7] =	stream.linear.gather [hbm4b:s30+s5], $0x80, $0x38;
	[tilespmem:$0x18800] =	vst v63  }
0x69: {  	_ =	swait.ge [sflag:s20], $0x80  }
0x6a: {  	[sflag:s20] =	ssyncset.done $0x0  }
0x6b: {  	[sflag:s20] =	ssyncadd.s32 $0xFFFFFF80  }
0x6c: {  	[tilespmem:s13], [sflag:$0x1] =	stream.indirect.gather [hbm4b:s6+s17], $0x40, s5, s17, $0xb8;
	[tilespmem:$0x18800] =	vst v63  }
0x6d: {  	_ = 	snop  }
0x6e: {  	[tilespmem:s12], [sflag:$0x1] =	stream.indirect.gather [hbm4b:s7+s17], $0x40, s0, s17, $0xb8;
	[tilespmem:$0x18800] =	vst v63  }
0x6f: {  	s0 =	simm.s32 $0x4800  }
0x70: {  	[tilespmem:s0], [sflag:$0x1] =	stream.indirect.gather [hbm4b:s10+s17], $0x40, s18, s17, $0xb8;
	[tilespmem:$0x18800] =	vst v63  }
0x71: {  	_ = 	snop  }
0x72: {  	[tilespmem:s8], [sflag:$0x1] =	stream.indirect.gather [hbm4b:s16+s17], $0x40, s29, s17, $0xb8;
	[tilespmem:$0x18800] =	vst v63  }
0x73: {  	s1 =	simm.s32 $0x8800  }
0x74: {  	[tilespmem:s1], [sflag:$0x2] =	stream.indirect.gather [hbm4b:s6+s17], $0x40, s17, s17, $0xb8;
	[tilespmem:$0x18800] =	vst v63  }
0x75: {  	s29 =	simm.s32 $0xA800  }
0x76: {  	[tilespmem:s29], [sflag:$0x2] =	stream.indirect.gather [hbm4b:s7+s17], $0x40, s19, s17, $0xb8;
	[tilespmem:$0x18800] =	vst v63  }
0x77: {  	s19 =	simm.s32 $0xC800  }
0x78: {  	[tilespmem:s19], [sflag:$0x2] =	stream.indirect.gather [hbm4b:s10+s17], $0x40, s23, s17, $0xb8;
	[tilespmem:$0x18800] =	vst v63  }
0x79: {  	s23 =	simm.s32 $0xE800  }
0x7a: {  	[tilespmem:s23], [sflag:$0x2] =	stream.indirect.gather [hbm4b:s16+s17], $0x40, s11, s17, $0xb8;
	[tilespmem:$0x18800] =	vst v63  }
0x7b: {  	s11 =	simm.s32 $0x10800  }
0x7c: {  	[tilespmem:s11], [sflag:$0x3] =	stream.indirect.gather [hbm4b:s6+s17], $0x40, s3, s17, $0xb8;
	[tilespmem:$0x18800] =	vst v63  }
0x7d: {  	s18 =	simm.s32 $0x12800  }
0x7e: {  	[tilespmem:s18], [sflag:$0x3] =	stream.indirect.gather [hbm4b:s7+s17], $0x40, s21, s17, $0xb8;
	[tilespmem:$0x18800] =	vst v63  }
0x7f: {  	s21 =	simm.s32 $0x14800  }
0x80: {  	[tilespmem:s21], [sflag:$0x3] =	stream.indirect.gather [hbm4b:s10+s17], $0x40, s28, s17, $0xb8;
	[tilespmem:$0x18800] =	vst v63  }
0x81: {  	s28 =	simm.s32 $0x16800  }
0x82: {  	[tilespmem:s28], [sflag:$0x3] =	stream.indirect.gather [hbm4b:s16+s17], $0x40, s4, s17, $0xb8;
	[tilespmem:$0x18800] =	vst v63  }
0x83: {  	_ =	swait.ge [sflag:s14], $0x2000  }
0x84: {  	[sflag:s14] =	ssyncset.done $0x0  }
0x85: {  	s30 =	rddreg [dreg:$0x17];
	[sflag:s14] =	ssyncadd.s32 $0xFFFFE000  }
0x86: {  	[hbm4b:s30+s15] =	stream.strided.scatter [tilespmem:s13], [sflag:$0x4], $0x2000, s3, s15, $0x38;
	[tilespmem:$0x18800] =	vst v63  }
0x87: {  	_ =	swait.ge [sflag:s14], $0x2000  }
0x88: {  	[sflag:s14] =	ssyncset.done $0x0  }
0x89: {  	s30 =	rddreg [dreg:$0x18];
	[sflag:s14] =	ssyncadd.s32 $0xFFFFE000  }
0x8a: {  	[hbm4b:s30+s15] =	stream.strided.scatter [tilespmem:s12], [sflag:$0x4], $0x2000, s3, s15, $0x38;
	[tilespmem:$0x18800] =	vst v63  }
0x8b: {  	_ =	swait.ge [sflag:s14], $0x2000  }
0x8c: {  	[sflag:s14] =	ssyncset.done $0x0  }
0x8d: {  	s30 =	rddreg [dreg:$0x19];
	[sflag:s14] =	ssyncadd.s32 $0xFFFFE000  }
0x8e: {  	[hbm4b:s30+s15] =	stream.strided.scatter [tilespmem:s0], [sflag:$0x4], $0x2000, s3, s15, $0x38;
	[tilespmem:$0x18800] =	vst v63  }
0x8f: {  	_ =	swait.ge [sflag:s14], $0x2000  }
0x90: {  	[sflag:s14] =	ssyncset.done $0x0  }
0x91: {  	s30 =	rddreg [dreg:$0x1a];
	[sflag:s14] =	ssyncadd.s32 $0xFFFFE000  }
0x92: {  	[hbm4b:s30+s15] =	stream.strided.scatter [tilespmem:s8], [sflag:$0x4], $0x2000, s3, s15, $0x38;
	[tilespmem:$0x18800] =	vst v63  }
0x93: {  	_ =	swait.ge [sflag:s31], $0x2000  }
0x94: {  	[sflag:s31] =	ssyncset.done $0x0  }
0x95: {  	s30 =	rddreg [dreg:$0x1b];
	[sflag:s31] =	ssyncadd.s32 $0xFFFFE000  }
0x96: {  	[hbm4b:s30+s15] =	stream.strided.scatter [tilespmem:s1], [sflag:$0x5], $0x2000, s3, s15, $0x38;
	[tilespmem:$0x18800] =	vst v63  }
0x97: {  	_ =	swait.ge [sflag:s31], $0x2000  }
0x98: {  	[sflag:s31] =	ssyncset.done $0x0  }
0x99: {  	s30 =	rddreg [dreg:$0x1c];
	[sflag:s31] =	ssyncadd.s32 $0xFFFFE000  }
0x9a: {  	[hbm4b:s30+s15] =	stream.strided.scatter [tilespmem:s29], [sflag:$0x5], $0x2000, s3, s15, $0x38;
	[tilespmem:$0x18800] =	vst v63  }
0x9b: {  	_ =	swait.ge [sflag:s31], $0x2000  }
0x9c: {  	[sflag:s31] =	ssyncset.done $0x0  }
0x9d: {  	s30 =	rddreg [dreg:$0x1d];
	[sflag:s31] =	ssyncadd.s32 $0xFFFFE000  }
0x9e: {  	[hbm4b:s30+s15] =	stream.strided.scatter [tilespmem:s19], [sflag:$0x5], $0x2000, s3, s15, $0x38;
	[tilespmem:$0x18800] =	vst v63  }
0x9f: {  	_ =	swait.ge [sflag:s31], $0x2000  }
0xa0: {  	[sflag:s31] =	ssyncset.done $0x0  }
0xa1: {  	s30 =	rddreg [dreg:$0x1e];
	[sflag:s31] =	ssyncadd.s32 $0xFFFFE000  }
0xa2: {  	[hbm4b:s30+s15] =	stream.strided.scatter [tilespmem:s23], [sflag:$0x5], $0x2000, s3, s15, $0x38;
	[tilespmem:$0x18800] =	vst v63  }
0xa3: {  	_ =	swait.ge [sflag:s2], $0x2000  }
0xa4: {  	[sflag:s2] =	ssyncset.done $0x0  }
0xa5: {  	[sflag:s2] =	ssyncadd.s32 $0xFFFFE000  }
0xa6: {  	_ =	swait.ge [sflag:s2], $0x2000  }
0xa7: {  	[sflag:s2] =	ssyncset.done $0x0  }
0xa8: {  	[sflag:s2] =	ssyncadd.s32 $0xFFFFE000  }
0xa9: {  	_ =	swait.ge [sflag:s2], $0x2000  }
0xaa: {  	[sflag:s2] =	ssyncset.done $0x0  }
0xab: {  	[sflag:s2] =	ssyncadd.s32 $0xFFFFE000  }
0xac: {  	_ =	swait.ge [sflag:s2], $0x2000  }
0xad: {  	[sflag:s2] =	ssyncset.done $0x0  }
0xae: {  	s19 =	simm.s32 $0x180;
	[sflag:s2] =	ssyncadd.s32 $0xFFFFE000  }
0xaf: {  	[tilespmem:s13], [sflag:$0x1] =	stream.indirect.gather [hbm4b:s6+s17], $0x40, s19, s17, $0xb8;
	[tilespmem:$0x18800] =	vst v63  }
0xb0: {  	s23 =	simm.s32 $0x380  }
0xb1: {  	[tilespmem:s12], [sflag:$0x1] =	stream.indirect.gather [hbm4b:s7+s17], $0x40, s23, s17, $0xb8;
	[tilespmem:$0x18800] =	vst v63  }
0xb2: {  	_ = 	snop  }
0xb3: {  	[tilespmem:s0], [sflag:$0x1] =	stream.indirect.gather [hbm4b:s10+s17], $0x40, s25, s17, $0xb8;
	[tilespmem:$0x18800] =	vst v63  }
0xb4: {  	_ = 	snop  }
0xb5: {  	[tilespmem:s8], [sflag:$0x1] =	stream.indirect.gather [hbm4b:s16+s17], $0x40, s26, s17, $0xb8;
	[tilespmem:$0x18800] =	vst v63  }
0xb6: {  	_ =	swait.ge [sflag:s24], $0x2000  }
0xb7: {  	[sflag:s24] =	ssyncset.done $0x0  }
0xb8: {  	s30 =	rddreg [dreg:$0x1f];
	[sflag:s24] =	ssyncadd.s32 $0xFFFFE000  }
0xb9: {  	[hbm4b:s30+s15] =	stream.strided.scatter [tilespmem:s11], [sflag:$0x6], $0x2000, s3, s15, $0x38;
	[tilespmem:$0x18800] =	vst v63  }
0xba: {  	_ =	swait.ge [sflag:s24], $0x2000  }
0xbb: {  	s30 =	sld [smem:$0x7F7]  }
0xbc: {  	[sflag:s24] =	ssyncset.done $0x0  }
0xbd: {  	[sflag:s24] =	ssyncadd.s32 $0xFFFFE000  }
0xbe: {  	[hbm4b:s30+s15] =	stream.strided.scatter [tilespmem:s18], [sflag:$0x6], $0x2000, s3, s15, $0x38;
	[tilespmem:$0x18800] =	vst v63  }
0xbf: {  	_ =	swait.ge [sflag:s24], $0x2000  }
0xc0: {  	s30 =	sld [smem:$0x7F8]  }
0xc1: {  	[sflag:s24] =	ssyncset.done $0x0  }
0xc2: {  	[sflag:s24] =	ssyncadd.s32 $0xFFFFE000  }
0xc3: {  	[hbm4b:s30+s15] =	stream.strided.scatter [tilespmem:s21], [sflag:$0x6], $0x2000, s3, s15, $0x38;
	[tilespmem:$0x18800] =	vst v63  }
0xc4: {  	_ =	swait.ge [sflag:s24], $0x2000  }
0xc5: {  	s30 =	sld [smem:$0x7F9]  }
0xc6: {  	[sflag:s24] =	ssyncset.done $0x0  }
0xc7: {  	[sflag:s24] =	ssyncadd.s32 $0xFFFFE000  }
0xc8: {  	[hbm4b:s30+s15] =	stream.strided.scatter [tilespmem:s28], [sflag:$0x6], $0x2000, s3, s15, $0x38;
	[tilespmem:$0x18800] =	vst v63  }
0xc9: {  	_ =	swait.ge [sflag:s14], $0x2000  }
0xca: {  	s30 =	sld [smem:$0x7FA]  }
0xcb: {  	[sflag:s14] =	ssyncset.done $0x0  }
0xcc: {  	[sflag:s14] =	ssyncadd.s32 $0xFFFFE000  }
0xcd: {  	[hbm4b:s30+s15] =	stream.strided.scatter [tilespmem:s13], [sflag:$0x4], $0x2000, s3, s15, $0x38;
	[tilespmem:$0x18800] =	vst v63  }
0xce: {  	_ =	swait.ge [sflag:s14], $0x2000  }
0xcf: {  	s30 =	sld [smem:$0x7FB]  }
0xd0: {  	[sflag:s14] =	ssyncset.done $0x0  }
0xd1: {  	[sflag:s14] =	ssyncadd.s32 $0xFFFFE000  }
0xd2: {  	[hbm4b:s30+s15] =	stream.strided.scatter [tilespmem:s12], [sflag:$0x4], $0x2000, s3, s15, $0x38;
	[tilespmem:$0x18800] =	vst v63  }
0xd3: {  	_ =	swait.ge [sflag:s14], $0x2000  }
0xd4: {  	s30 =	sld [smem:$0x7FC]  }
0xd5: {  	[sflag:s14] =	ssyncset.done $0x0  }
0xd6: {  	[sflag:s14] =	ssyncadd.s32 $0xFFFFE000  }
0xd7: {  	[hbm4b:s30+s15] =	stream.strided.scatter [tilespmem:s0], [sflag:$0x4], $0x2000, s3, s15, $0x38;
	[tilespmem:$0x18800] =	vst v63  }
0xd8: {  	_ =	swait.ge [sflag:s14], $0x2000  }
0xd9: {  	s30 =	sld [smem:$0x7FD]  }
0xda: {  	[sflag:s14] =	ssyncset.done $0x0  }
0xdb: {  	[sflag:s14] =	ssyncadd.s32 $0xFFFFE000  }
0xdc: {  	[hbm4b:s30+s15] =	stream.strided.scatter [tilespmem:s8], [sflag:$0x4], $0x2000, s3, s15, $0x38;
	[tilespmem:$0x18800] =	vst v63  }
0xdd: {  	_ =	swait.ge [sflag:s9], $0x2000  }
0xde: {  	[sflag:s9] =	ssyncset.done $0x0  }
0xdf: {  	[sflag:s9] =	ssyncadd.s32 $0xFFFFE000  }
0xe0: {  	_ =	swait.ge [sflag:s9], $0x2000  }
0xe1: {  	[sflag:s9] =	ssyncset.done $0x0  }
0xe2: {  	[sflag:s9] =	ssyncadd.s32 $0xFFFFE000  }
0xe3: {  	_ =	swait.ge [sflag:s9], $0x2000  }
0xe4: {  	[sflag:s9] =	ssyncset.done $0x0  }
0xe5: {  	[sflag:s9] =	ssyncadd.s32 $0xFFFFE000  }
0xe6: {  	_ =	swait.ge [sflag:s9], $0x2000  }
0xe7: {  	[sflag:s9] =	ssyncset.done $0x0  }
0xe8: {  	s18 =	simm.s32 $0x6;
	[sflag:s9] =	ssyncadd.s32 $0xFFFFE000  }
0xe9: {  	_ =	swait.ge [sflag:s18], $0x2000  }
0xea: {  	[sflag:s18] =	ssyncset.done $0x0  }
0xeb: {  	[sflag:s18] =	ssyncadd.s32 $0xFFFFE000  }
0xec: {  	_ =	swait.ge [sflag:s18], $0x2000  }
0xed: {  	[sflag:s18] =	ssyncset.done $0x0  }
0xee: {  	[sflag:s18] =	ssyncadd.s32 $0xFFFFE000  }
0xef: {  	_ =	swait.ge [sflag:s18], $0x2000  }
0xf0: {  	[sflag:s18] =	ssyncset.done $0x0  }
0xf1: {  	[sflag:s18] =	ssyncadd.s32 $0xFFFFE000  }
0xf2: {  	_ =	swait.ge [sflag:s18], $0x2000  }
0xf3: {  	[sflag:s18] =	ssyncset.done $0x0  }
0xf4: {  	[sflag:s18] =	ssyncadd.s32 $0xFFFFE000  }
0xf5: {  	_ =	swait.ge [sflag:s2], $0x2000  }
0xf6: {  	[sflag:s2] =	ssyncset.done $0x0  }
0xf7: {  	[sflag:s2] =	ssyncadd.s32 $0xFFFFE000  }
0xf8: {  	_ =	swait.ge [sflag:s2], $0x2000  }
0xf9: {  	[sflag:s2] =	ssyncset.done $0x0  }
0xfa: {  	p1 =	sne.s32 s22, $0x1;
	[sflag:s2] =	ssyncadd.s32 $0xFFFFE000  }
.Ltmp1:
0xfb: {  	_ =	swait.ge [sflag:s2], $0x2000;
	(pc) =	sbr.rel @!p1 .LBB2_4-.Ltmp1, $4  }
0xfc: {  	[sflag:s2] =	ssyncset.done $0x0  }
0xfd: {  	[sflag:s2] =	ssyncadd.s32 $0xFFFFE000  }
0xfe: {  	p0 =	por $0x1, $0x1;
	_ =	swait.ge [sflag:s2], $0x2000  }
0xff: {  	s29 =	sadd.s32 $0xFFFFFFFF, s22;
	s30 =	rddreg [dreg:$0x7];
	[sflag:s2] =	ssyncset.done $0x0  }
0x100: {  	s25 =	simm.s32 $0x580;
	s22 =	simm.s32 $0x700;
	s26 =	simm.s32 $0x780  }
.LBB2_3:
0x101: {  	[sflag:s2] =	ssyncadd.s32 $0xFFFFE000  }
0x102: {  	[tilespmem:s5], [sflag:$0x7] =	stream.linear.gather [hbm4b:s30+s5], $0x80, $0x38;
	[tilespmem:$0x18800] =	vst v63  }
0x103: {  	_ =	swait.ge [sflag:s20], $0x80  }
0x104: {  	[sflag:s20] =	ssyncset.done $0x0  }
0x105: {  	s30 =	rddreg [dreg:$0x8];
	[sflag:s20] =	ssyncadd.s32 $0xFFFFFF80  }
0x106: {  	[tilespmem:s17], [sflag:$0x7] =	stream.linear.gather [hbm4b:s30+s5], $0x80, $0x38;
	[tilespmem:$0x18800] =	vst v63  }
0x107: {  	_ =	swait.ge [sflag:s20], $0x80  }
0x108: {  	[sflag:s20] =	ssyncset.done $0x0  }
0x109: {  	s30 =	rddreg [dreg:$0x9];
	[sflag:s20] =	ssyncadd.s32 $0xFFFFFF80  }
0x10a: {  	[tilespmem:s3], [sflag:$0x7] =	stream.linear.gather [hbm4b:s30+s5], $0x80, $0x38;
	[tilespmem:$0x18800] =	vst v63  }
0x10b: {  	_ =	swait.ge [sflag:s20], $0x80  }
0x10c: {  	[sflag:s20] =	ssyncset.done $0x0  }
0x10d: {  	s0 =	simm.s32 $0x180;
	s30 =	rddreg [dreg:$0xa];
	[sflag:s20] =	ssyncadd.s32 $0xFFFFFF80  }
0x10e: {  	[tilespmem:s0], [sflag:$0x7] =	stream.linear.gather [hbm4b:s30+s5], $0x80, $0x38;
	[tilespmem:$0x18800] =	vst v63  }
0x10f: {  	_ =	swait.ge [sflag:s20], $0x80  }
0x110: {  	[sflag:s20] =	ssyncset.done $0x0  }
0x111: {  	s0 =	simm.s32 $0x200;
	s30 =	rddreg [dreg:$0xb];
	[sflag:s20] =	ssyncadd.s32 $0xFFFFFF80  }
0x112: {  	[tilespmem:s0], [sflag:$0x7] =	stream.linear.gather [hbm4b:s30+s5], $0x80, $0x38;
	[tilespmem:$0x18800] =	vst v63  }
0x113: {  	_ =	swait.ge [sflag:s20], $0x80  }
0x114: {  	[sflag:s20] =	ssyncset.done $0x0  }
0x115: {  	s19 =	simm.s32 $0x280;
	s30 =	rddreg [dreg:$0xc];
	[sflag:s20] =	ssyncadd.s32 $0xFFFFFF80  }
0x116: {  	[tilespmem:s19], [sflag:$0x7] =	stream.linear.gather [hbm4b:s30+s5], $0x80, $0x38;
	[tilespmem:$0x18800] =	vst v63  }
0x117: {  	_ =	swait.ge [sflag:s20], $0x80  }
0x118: {  	[sflag:s20] =	ssyncset.done $0x0  }
0x119: {  	s21 =	simm.s32 $0x300;
	s30 =	rddreg [dreg:$0xd];
	[sflag:s20] =	ssyncadd.s32 $0xFFFFFF80  }
0x11a: {  	[tilespmem:s21], [sflag:$0x7] =	stream.linear.gather [hbm4b:s30+s5], $0x80, $0x38;
	[tilespmem:$0x18800] =	vst v63  }
0x11b: {  	_ =	swait.ge [sflag:s20], $0x80  }
0x11c: {  	[sflag:s20] =	ssyncset.done $0x0  }
0x11d: {  	s1 =	simm.s32 $0x380;
	s30 =	rddreg [dreg:$0xe];
	[sflag:s20] =	ssyncadd.s32 $0xFFFFFF80  }
0x11e: {  	[tilespmem:s1], [sflag:$0x7] =	stream.linear.gather [hbm4b:s30+s5], $0x80, $0x38;
	[tilespmem:$0x18800] =	vst v63  }
0x11f: {  	_ =	swait.ge [sflag:s20], $0x80  }
0x120: {  	[sflag:s20] =	ssyncset.done $0x0  }
0x121: {  	s18 =	simm.s32 $0x400;
	s30 =	rddreg [dreg:$0xf];
	[sflag:s20] =	ssyncadd.s32 $0xFFFFFF80  }
0x122: {  	[tilespmem:s18], [sflag:$0x7] =	stream.linear.gather [hbm4b:s30+s5], $0x80, $0x38;
	[tilespmem:$0x18800] =	vst v63  }
0x123: {  	_ =	swait.ge [sflag:s20], $0x80  }
0x124: {  	[sflag:s20] =	ssyncset.done $0x0  }
0x125: {  	s23 =	simm.s32 $0x480;
	s30 =	rddreg [dreg:$0x10];
	[sflag:s20] =	ssyncadd.s32 $0xFFFFFF80  }
0x126: {  	[tilespmem:s23], [sflag:$0x7] =	stream.linear.gather [hbm4b:s30+s5], $0x80, $0x38;
	[tilespmem:$0x18800] =	vst v63  }
0x127: {  	_ =	swait.ge [sflag:s20], $0x80  }
0x128: {  	[sflag:s20] =	ssyncset.done $0x0  }
0x129: {  	s28 =	simm.s32 $0x500;
	s30 =	rddreg [dreg:$0x11];
	[sflag:s20] =	ssyncadd.s32 $0xFFFFFF80  }
0x12a: {  	[tilespmem:s28], [sflag:$0x7] =	stream.linear.gather [hbm4b:s30+s5], $0x80, $0x38;
	[tilespmem:$0x18800] =	vst v63  }
0x12b: {  	_ =	swait.ge [sflag:s20], $0x80  }
0x12c: {  	[sflag:s20] =	ssyncset.done $0x0  }
0x12d: {  	s30 =	rddreg [dreg:$0x12];
	[sflag:s20] =	ssyncadd.s32 $0xFFFFFF80  }
0x12e: {  	[tilespmem:s25], [sflag:$0x7] =	stream.linear.gather [hbm4b:s30+s5], $0x80, $0x38;
	[tilespmem:$0x18800] =	vst v63  }
0x12f: {  	_ =	swait.ge [sflag:s20], $0x80  }
0x130: {  	[sflag:s20] =	ssyncset.done $0x0  }
0x131: {  	s8 =	simm.s32 $0x600;
	s30 =	rddreg [dreg:$0x13];
	[sflag:s20] =	ssyncadd.s32 $0xFFFFFF80  }
0x132: {  	[tilespmem:s8], [sflag:$0x7] =	stream.linear.gather [hbm4b:s30+s5], $0x80, $0x38;
	[tilespmem:$0x18800] =	vst v63  }
0x133: {  	_ =	swait.ge [sflag:s20], $0x80  }
0x134: {  	[sflag:s20] =	ssyncset.done $0x0  }
0x135: {  	s12 =	simm.s32 $0x680;
	s30 =	rddreg [dreg:$0x14];
	[sflag:s20] =	ssyncadd.s32 $0xFFFFFF80  }
0x136: {  	[tilespmem:s12], [sflag:$0x7] =	stream.linear.gather [hbm4b:s30+s5], $0x80, $0x38;
	[tilespmem:$0x18800] =	vst v63  }
0x137: {  	_ =	swait.ge [sflag:s20], $0x80  }
0x138: {  	[sflag:s20] =	ssyncset.done $0x0  }
0x139: {  	s30 =	rddreg [dreg:$0x15];
	[sflag:s20] =	ssyncadd.s32 $0xFFFFFF80  }
0x13a: {  	[tilespmem:s22], [sflag:$0x7] =	stream.linear.gather [hbm4b:s30+s5], $0x80, $0x38;
	[tilespmem:$0x18800] =	vst v63  }
0x13b: {  	_ =	swait.ge [sflag:s20], $0x80  }
0x13c: {  	[sflag:s20] =	ssyncset.done $0x0  }
0x13d: {  	s30 =	rddreg [dreg:$0x16];
	[sflag:s20] =	ssyncadd.s32 $0xFFFFFF80  }
0x13e: {  	[tilespmem:s26], [sflag:$0x7] =	stream.linear.gather [hbm4b:s30+s5], $0x80, $0x38;
	[tilespmem:$0x18800] =	vst v63  }
0x13f: {  	_ =	swait.ge [sflag:s20], $0x80  }
0x140: {  	[sflag:s20] =	ssyncset.done $0x0  }
0x141: {  	s4 =	simm.s32 $0x800;
	[sflag:s20] =	ssyncadd.s32 $0xFFFFFF80  }
0x142: {  	[tilespmem:s4], [sflag:$0x1] =	stream.indirect.gather [hbm4b:s6+s17], $0x40, s5, s17, $0xb8;
	[tilespmem:$0x18800] =	vst v63  }
0x143: {  	s13 =	simm.s32 $0x2800  }
0x144: {  	[tilespmem:s13], [sflag:$0x1] =	stream.indirect.gather [hbm4b:s7+s17], $0x40, s0, s17, $0xb8;
	[tilespmem:$0x18800] =	vst v63  }
0x145: {  	s0 =	simm.s32 $0x4800  }
0x146: {  	[tilespmem:s0], [sflag:$0x1] =	stream.indirect.gather [hbm4b:s10+s17], $0x40, s18, s17, $0xb8;
	[tilespmem:$0x18800] =	vst v63  }
0x147: {  	s11 =	simm.s32 $0x6800  }
0x148: {  	[tilespmem:s11], [sflag:$0x1] =	stream.indirect.gather [hbm4b:s16+s17], $0x40, s8, s17, $0xb8;
	[tilespmem:$0x18800] =	vst v63  }
0x149: {  	s1 =	simm.s32 $0x8800  }
0x14a: {  	[tilespmem:s1], [sflag:$0x2] =	stream.indirect.gather [hbm4b:s6+s17], $0x40, s17, s17, $0xb8;
	[tilespmem:$0x18800] =	vst v63  }
0x14b: {  	s4 =	simm.s32 $0xA800  }
0x14c: {  	[tilespmem:s4], [sflag:$0x2] =	stream.indirect.gather [hbm4b:s7+s17], $0x40, s19, s17, $0xb8;
	[tilespmem:$0x18800] =	vst v63  }
0x14d: {  	s11 =	simm.s32 $0xC800  }
0x14e: {  	[tilespmem:s11], [sflag:$0x2] =	stream.indirect.gather [hbm4b:s10+s17], $0x40, s23, s17, $0xb8;
	[tilespmem:$0x18800] =	vst v63  }
0x14f: {  	s19 =	simm.s32 $0xE800  }
0x150: {  	[tilespmem:s19], [sflag:$0x2] =	stream.indirect.gather [hbm4b:s16+s17], $0x40, s12, s17, $0xb8;
	[tilespmem:$0x18800] =	vst v63  }
0x151: {  	s23 =	simm.s32 $0x10800  }
0x152: {  	[tilespmem:s23], [sflag:$0x3] =	stream.indirect.gather [hbm4b:s6+s17], $0x40, s3, s17, $0xb8;
	[tilespmem:$0x18800] =	vst v63  }
0x153: {  	s18 =	simm.s32 $0x12800  }
0x154: {  	[tilespmem:s18], [sflag:$0x3] =	stream.indirect.gather [hbm4b:s7+s17], $0x40, s21, s17, $0xb8;
	[tilespmem:$0x18800] =	vst v63  }
0x155: {  	s21 =	simm.s32 $0x14800  }
0x156: {  	[tilespmem:s21], [sflag:$0x3] =	stream.indirect.gather [hbm4b:s10+s17], $0x40, s28, s17, $0xb8;
	[tilespmem:$0x18800] =	vst v63  }
0x157: {  	s28 =	simm.s32 $0x16800  }
0x158: {  	[tilespmem:s28], [sflag:$0x3] =	stream.indirect.gather [hbm4b:s16+s17], $0x40, s22, s17, $0xb8;
	[tilespmem:$0x18800] =	vst v63  }
0x159: {  	_ =	swait.ge [sflag:s14], $0x2000  }
0x15a: {  	[sflag:s14] =	ssyncset.done $0x0  }
0x15b: {  	s13 =	simm.s32 $0x800;
	s30 =	rddreg [dreg:$0x17];
	[sflag:s14] =	ssyncadd.s32 $0xFFFFE000  }
0x15c: {  	[hbm4b:s30+s15] =	stream.strided.scatter [tilespmem:s13], [sflag:$0x4], $0x2000, s3, s15, $0x38;
	[tilespmem:$0x18800] =	vst v63  }
0x15d: {  	_ =	swait.ge [sflag:s14], $0x2000  }
0x15e: {  	[sflag:s14] =	ssyncset.done $0x0  }
0x15f: {  	s12 =	simm.s32 $0x2800;
	s30 =	rddreg [dreg:$0x18];
	[sflag:s14] =	ssyncadd.s32 $0xFFFFE000  }
0x160: {  	[hbm4b:s30+s15] =	stream.strided.scatter [tilespmem:s12], [sflag:$0x4], $0x2000, s3, s15, $0x38;
	[tilespmem:$0x18800] =	vst v63  }
0x161: {  	_ =	swait.ge [sflag:s14], $0x2000  }
0x162: {  	[sflag:s14] =	ssyncset.done $0x0  }
0x163: {  	s30 =	rddreg [dreg:$0x19];
	[sflag:s14] =	ssyncadd.s32 $0xFFFFE000  }
0x164: {  	[hbm4b:s30+s15] =	stream.strided.scatter [tilespmem:s0], [sflag:$0x4], $0x2000, s3, s15, $0x38;
	[tilespmem:$0x18800] =	vst v63  }
0x165: {  	_ =	swait.ge [sflag:s14], $0x2000  }
0x166: {  	[sflag:s14] =	ssyncset.done $0x0  }
0x167: {  	s8 =	simm.s32 $0x6800;
	s30 =	rddreg [dreg:$0x1a];
	[sflag:s14] =	ssyncadd.s32 $0xFFFFE000  }
0x168: {  	[hbm4b:s30+s15] =	stream.strided.scatter [tilespmem:s8], [sflag:$0x4], $0x2000, s3, s15, $0x38;
	[tilespmem:$0x18800] =	vst v63  }
0x169: {  	_ =	swait.ge [sflag:s31], $0x2000  }
0x16a: {  	[sflag:s31] =	ssyncset.done $0x0  }
0x16b: {  	s30 =	rddreg [dreg:$0x1b];
	[sflag:s31] =	ssyncadd.s32 $0xFFFFE000  }
0x16c: {  	[hbm4b:s30+s15] =	stream.strided.scatter [tilespmem:s1], [sflag:$0x5], $0x2000, s3, s15, $0x38;
	[tilespmem:$0x18800] =	vst v63  }
0x16d: {  	_ =	swait.ge [sflag:s31], $0x2000  }
0x16e: {  	[sflag:s31] =	ssyncset.done $0x0  }
0x16f: {  	s30 =	rddreg [dreg:$0x1c];
	[sflag:s31] =	ssyncadd.s32 $0xFFFFE000  }
0x170: {  	[hbm4b:s30+s15] =	stream.strided.scatter [tilespmem:s4], [sflag:$0x5], $0x2000, s3, s15, $0x38;
	[tilespmem:$0x18800] =	vst v63  }
0x171: {  	_ =	swait.ge [sflag:s31], $0x2000  }
0x172: {  	[sflag:s31] =	ssyncset.done $0x0  }
0x173: {  	s30 =	rddreg [dreg:$0x1d];
	[sflag:s31] =	ssyncadd.s32 $0xFFFFE000  }
0x174: {  	[hbm4b:s30+s15] =	stream.strided.scatter [tilespmem:s11], [sflag:$0x5], $0x2000, s3, s15, $0x38;
	[tilespmem:$0x18800] =	vst v63  }
0x175: {  	_ =	swait.ge [sflag:s31], $0x2000  }
0x176: {  	[sflag:s31] =	ssyncset.done $0x0  }
0x177: {  	s30 =	rddreg [dreg:$0x1e];
	[sflag:s31] =	ssyncadd.s32 $0xFFFFE000  }
0x178: {  	[hbm4b:s30+s15] =	stream.strided.scatter [tilespmem:s19], [sflag:$0x5], $0x2000, s3, s15, $0x38;
	[tilespmem:$0x18800] =	vst v63  }
0x179: {  	_ =	swait.ge [sflag:s2], $0x2000  }
0x17a: {  	[sflag:s2] =	ssyncset.done $0x0  }
0x17b: {  	[sflag:s2] =	ssyncadd.s32 $0xFFFFE000  }
0x17c: {  	_ =	swait.ge [sflag:s2], $0x2000  }
0x17d: {  	[sflag:s2] =	ssyncset.done $0x0  }
0x17e: {  	[sflag:s2] =	ssyncadd.s32 $0xFFFFE000  }
0x17f: {  	_ =	swait.ge [sflag:s2], $0x2000  }
0x180: {  	[sflag:s2] =	ssyncset.done $0x0  }
0x181: {  	[sflag:s2] =	ssyncadd.s32 $0xFFFFE000  }
0x182: {  	_ =	swait.ge [sflag:s2], $0x2000  }
0x183: {  	[sflag:s2] =	ssyncset.done $0x0  }
0x184: {  	s11 =	simm.s32 $0x180;
	[sflag:s2] =	ssyncadd.s32 $0xFFFFE000  }
0x185: {  	[tilespmem:s13], [sflag:$0x1] =	stream.indirect.gather [hbm4b:s6+s17], $0x40, s11, s17, $0xb8;
	[tilespmem:$0x18800] =	vst v63  }
0x186: {  	s19 =	simm.s32 $0x380  }
0x187: {  	[tilespmem:s12], [sflag:$0x1] =	stream.indirect.gather [hbm4b:s7+s17], $0x40, s19, s17, $0xb8;
	[tilespmem:$0x18800] =	vst v63  }
0x188: {  	_ = 	snop  }
0x189: {  	[tilespmem:s0], [sflag:$0x1] =	stream.indirect.gather [hbm4b:s10+s17], $0x40, s25, s17, $0xb8;
	[tilespmem:$0x18800] =	vst v63  }
0x18a: {  	_ = 	snop  }
0x18b: {  	[tilespmem:s8], [sflag:$0x1] =	stream.indirect.gather [hbm4b:s16+s17], $0x40, s26, s17, $0xb8;
	[tilespmem:$0x18800] =	vst v63  }
0x18c: {  	_ =	swait.ge [sflag:s24], $0x2000  }
0x18d: {  	[sflag:s24] =	ssyncset.done $0x0  }
0x18e: {  	s30 =	rddreg [dreg:$0x1f];
	[sflag:s24] =	ssyncadd.s32 $0xFFFFE000  }
0x18f: {  	[hbm4b:s30+s15] =	stream.strided.scatter [tilespmem:s23], [sflag:$0x6], $0x2000, s3, s15, $0x38;
	[tilespmem:$0x18800] =	vst v63  }
0x190: {  	_ =	swait.ge [sflag:s24], $0x2000  }
0x191: {  	s30 =	sld [smem:$0x7F7]  }
0x192: {  	[sflag:s24] =	ssyncset.done $0x0  }
0x193: {  	[sflag:s24] =	ssyncadd.s32 $0xFFFFE000  }
0x194: {  	[hbm4b:s30+s15] =	stream.strided.scatter [tilespmem:s18], [sflag:$0x6], $0x2000, s3, s15, $0x38;
	[tilespmem:$0x18800] =	vst v63  }
0x195: {  	_ =	swait.ge [sflag:s24], $0x2000  }
0x196: {  	s30 =	sld [smem:$0x7F8]  }
0x197: {  	[sflag:s24] =	ssyncset.done $0x0  }
0x198: {  	[sflag:s24] =	ssyncadd.s32 $0xFFFFE000  }
0x199: {  	[hbm4b:s30+s15] =	stream.strided.scatter [tilespmem:s21], [sflag:$0x6], $0x2000, s3, s15, $0x38;
	[tilespmem:$0x18800] =	vst v63  }
0x19a: {  	_ =	swait.ge [sflag:s24], $0x2000  }
0x19b: {  	s30 =	sld [smem:$0x7F9]  }
0x19c: {  	[sflag:s24] =	ssyncset.done $0x0  }
0x19d: {  	[sflag:s24] =	ssyncadd.s32 $0xFFFFE000  }
0x19e: {  	[hbm4b:s30+s15] =	stream.strided.scatter [tilespmem:s28], [sflag:$0x6], $0x2000, s3, s15, $0x38;
	[tilespmem:$0x18800] =	vst v63  }
0x19f: {  	_ =	swait.ge [sflag:s14], $0x2000  }
0x1a0: {  	s30 =	sld [smem:$0x7FA]  }
0x1a1: {  	[sflag:s14] =	ssyncset.done $0x0  }
0x1a2: {  	[sflag:s14] =	ssyncadd.s32 $0xFFFFE000  }
0x1a3: {  	[hbm4b:s30+s15] =	stream.strided.scatter [tilespmem:s13], [sflag:$0x4], $0x2000, s3, s15, $0x38;
	[tilespmem:$0x18800] =	vst v63  }
0x1a4: {  	_ =	swait.ge [sflag:s14], $0x2000  }
0x1a5: {  	s30 =	sld [smem:$0x7FB]  }
0x1a6: {  	[sflag:s14] =	ssyncset.done $0x0  }
0x1a7: {  	[sflag:s14] =	ssyncadd.s32 $0xFFFFE000  }
0x1a8: {  	[hbm4b:s30+s15] =	stream.strided.scatter [tilespmem:s12], [sflag:$0x4], $0x2000, s3, s15, $0x38;
	[tilespmem:$0x18800] =	vst v63  }
0x1a9: {  	_ =	swait.ge [sflag:s14], $0x2000  }
0x1aa: {  	s30 =	sld [smem:$0x7FC]  }
0x1ab: {  	[sflag:s14] =	ssyncset.done $0x0  }
0x1ac: {  	[sflag:s14] =	ssyncadd.s32 $0xFFFFE000  }
0x1ad: {  	[hbm4b:s30+s15] =	stream.strided.scatter [tilespmem:s0], [sflag:$0x4], $0x2000, s3, s15, $0x38;
	[tilespmem:$0x18800] =	vst v63  }
0x1ae: {  	_ =	swait.ge [sflag:s14], $0x2000  }
0x1af: {  	s30 =	sld [smem:$0x7FD]  }
0x1b0: {  	[sflag:s14] =	ssyncset.done $0x0  }
0x1b1: {  	[sflag:s14] =	ssyncadd.s32 $0xFFFFE000  }
0x1b2: {  	[hbm4b:s30+s15] =	stream.strided.scatter [tilespmem:s8], [sflag:$0x4], $0x2000, s3, s15, $0x38;
	[tilespmem:$0x18800] =	vst v63  }
0x1b3: {  	_ =	swait.ge [sflag:s9], $0x2000  }
0x1b4: {  	[sflag:s9] =	ssyncset.done $0x0  }
0x1b5: {  	[sflag:s9] =	ssyncadd.s32 $0xFFFFE000  }
0x1b6: {  	_ =	swait.ge [sflag:s9], $0x2000  }
0x1b7: {  	[sflag:s9] =	ssyncset.done $0x0  }
0x1b8: {  	[sflag:s9] =	ssyncadd.s32 $0xFFFFE000  }
0x1b9: {  	_ =	swait.ge [sflag:s9], $0x2000  }
0x1ba: {  	[sflag:s9] =	ssyncset.done $0x0  }
0x1bb: {  	[sflag:s9] =	ssyncadd.s32 $0xFFFFE000  }
0x1bc: {  	_ =	swait.ge [sflag:s9], $0x2000  }
0x1bd: {  	[sflag:s9] =	ssyncset.done $0x0  }
0x1be: {  	s18 =	simm.s32 $0x6;
	[sflag:s9] =	ssyncadd.s32 $0xFFFFE000  }
0x1bf: {  	_ =	swait.ge [sflag:s18], $0x2000  }
0x1c0: {  	[sflag:s18] =	ssyncset.done $0x0  }
0x1c1: {  	[sflag:s18] =	ssyncadd.s32 $0xFFFFE000  }
0x1c2: {  	_ =	swait.ge [sflag:s18], $0x2000  }
0x1c3: {  	[sflag:s18] =	ssyncset.done $0x0  }
0x1c4: {  	[sflag:s18] =	ssyncadd.s32 $0xFFFFE000  }
0x1c5: {  	_ =	swait.ge [sflag:s18], $0x2000  }
0x1c6: {  	[sflag:s18] =	ssyncset.done $0x0  }
0x1c7: {  	[sflag:s18] =	ssyncadd.s32 $0xFFFFE000  }
0x1c8: {  	_ =	swait.ge [sflag:s18], $0x2000  }
0x1c9: {  	[sflag:s18] =	ssyncset.done $0x0  }
0x1ca: {  	[sflag:s18] =	ssyncadd.s32 $0xFFFFE000  }
0x1cb: {  	_ =	swait.ge [sflag:s2], $0x2000  }
0x1cc: {  	[sflag:s2] =	ssyncset.done $0x0  }
0x1cd: {  	[sflag:s2] =	ssyncadd.s32 $0xFFFFE000  }
0x1ce: {  	_ =	swait.ge [sflag:s2], $0x2000  }
0x1cf: {  	[sflag:s2] =	ssyncset.done $0x0  }
0x1d0: {  	p1 =	sne.s32 s29, $0x1;
	[sflag:s2] =	ssyncadd.s32 $0xFFFFE000  }
.Ltmp2:
0x1d1: {  	_ =	swait.ge [sflag:s2], $0x2000;
	(pc) =	sbr.rel @p1 .LBB2_3-.Ltmp2, $4  }
0x1d2: {  	[sflag:s2] =	ssyncset.done $0x0  }
0x1d3: {  	[sflag:s2] =	ssyncadd.s32 $0xFFFFE000  }
0x1d4: {  	_ =	swait.ge [sflag:s2], $0x2000  }
0x1d5: {  	s29 =	sadd.s32 $0xFFFFFFFF, s29;
	s30 =	rddreg [dreg:$0x7];
	[sflag:s2] =	ssyncset.done $0x0  }
.LBB2_4:
0x1d6: {  	[sflag:s2] =	ssyncadd.s32 @p0 $0xFFFFE000  }
0x1d7: {  	[tilespmem:s5], [sflag:$0x7] =	stream.linear.gather [hbm4b:s30+s5], $0x80, $0x38;
	[tilespmem:$0x18800] =	vst v63  }
0x1d8: {  	_ =	swait.ge [sflag:s20], $0x80  }
0x1d9: {  	[sflag:s20] =	ssyncset.done $0x0  }
0x1da: {  	s29 =	rddreg [dreg:$0x8];
	[sflag:s20] =	ssyncadd.s32 $0xFFFFFF80  }
0x1db: {  	[tilespmem:s17], [sflag:$0x7] =	stream.linear.gather [hbm4b:s29+s5], $0x80, $0x38;
	[tilespmem:$0x18800] =	vst v63  }
0x1dc: {  	_ =	swait.ge [sflag:s20], $0x80  }
0x1dd: {  	[sflag:s20] =	ssyncset.done $0x0  }
0x1de: {  	s28 =	rddreg [dreg:$0x9];
	[sflag:s20] =	ssyncadd.s32 $0xFFFFFF80  }
0x1df: {  	[tilespmem:s3], [sflag:$0x7] =	stream.linear.gather [hbm4b:s28+s5], $0x80, $0x38;
	[tilespmem:$0x18800] =	vst v63  }
0x1e0: {  	_ =	swait.ge [sflag:s20], $0x80  }
0x1e1: {  	[sflag:s20] =	ssyncset.done $0x0  }
0x1e2: {  	s0 =	simm.s32 $0x180;
	s30 =	rddreg [dreg:$0xa];
	[sflag:s20] =	ssyncadd.s32 $0xFFFFFF80  }
0x1e3: {  	[tilespmem:s0], [sflag:$0x7] =	stream.linear.gather [hbm4b:s30+s5], $0x80, $0x38;
	[tilespmem:$0x18800] =	vst v63  }
0x1e4: {  	_ =	swait.ge [sflag:s20], $0x80  }
0x1e5: {  	[sflag:s20] =	ssyncset.done $0x0  }
0x1e6: {  	s25 =	simm.s32 $0x200;
	s0 =	rddreg [dreg:$0xb];
	[sflag:s20] =	ssyncadd.s32 $0xFFFFFF80  }
0x1e7: {  	[tilespmem:s25], [sflag:$0x7] =	stream.linear.gather [hbm4b:s0+s5], $0x80, $0x38;
	[tilespmem:$0x18800] =	vst v63  }
0x1e8: {  	_ =	swait.ge [sflag:s20], $0x80  }
0x1e9: {  	[sflag:s20] =	ssyncset.done $0x0  }
0x1ea: {  	s19 =	simm.s32 $0x280;
	s1 =	rddreg [dreg:$0xc];
	[sflag:s20] =	ssyncadd.s32 $0xFFFFFF80  }
0x1eb: {  	[tilespmem:s19], [sflag:$0x7] =	stream.linear.gather [hbm4b:s1+s5], $0x80, $0x38;
	[tilespmem:$0x18800] =	vst v63  }
0x1ec: {  	_ =	swait.ge [sflag:s20], $0x80  }
0x1ed: {  	[sflag:s20] =	ssyncset.done $0x0  }
0x1ee: {  	s22 =	simm.s32 $0x300;
	s4 =	rddreg [dreg:$0xd];
	[sflag:s20] =	ssyncadd.s32 $0xFFFFFF80  }
0x1ef: {  	[tilespmem:s22], [sflag:$0x7] =	stream.linear.gather [hbm4b:s4+s5], $0x80, $0x38;
	[tilespmem:$0x18800] =	vst v63  }
0x1f0: {  	_ =	swait.ge [sflag:s20], $0x80  }
0x1f1: {  	[sflag:s20] =	ssyncset.done $0x0  }
0x1f2: {  	s21 =	simm.s32 $0x380;
	s11 =	rddreg [dreg:$0xe];
	[sflag:s20] =	ssyncadd.s32 $0xFFFFFF80  }
0x1f3: {  	[tilespmem:s21], [sflag:$0x7] =	stream.linear.gather [hbm4b:s11+s5], $0x80, $0x38;
	[tilespmem:$0x18800] =	vst v63  }
0x1f4: {  	_ =	swait.ge [sflag:s20], $0x80  }
0x1f5: {  	[sflag:s20] =	ssyncset.done $0x0  }
0x1f6: {  	s26 =	simm.s32 $0x400;
	s23 =	rddreg [dreg:$0xf];
	[sflag:s20] =	ssyncadd.s32 $0xFFFFFF80  }
0x1f7: {  	[tilespmem:s26], [sflag:$0x7] =	stream.linear.gather [hbm4b:s23+s5], $0x80, $0x38;
	[tilespmem:$0x18800] =	vst v63  }
0x1f8: {  	_ =	swait.ge [sflag:s20], $0x80  }
0x1f9: {  	[sflag:s20] =	ssyncset.done $0x0  }
0x1fa: {  	s23 =	simm.s32 $0x480;
	s28 =	rddreg [dreg:$0x10];
	[sflag:s20] =	ssyncadd.s32 $0xFFFFFF80  }
0x1fb: {  	[tilespmem:s23], [sflag:$0x7] =	stream.linear.gather [hbm4b:s28+s5], $0x80, $0x38;
	[tilespmem:$0x18800] =	vst v63  }
0x1fc: {  	_ =	swait.ge [sflag:s20], $0x80  }
0x1fd: {  	[sflag:s20] =	ssyncset.done $0x0  }
0x1fe: {  	s4 =	simm.s32 $0x500;
	s30 =	rddreg [dreg:$0x11];
	[sflag:s20] =	ssyncadd.s32 $0xFFFFFF80  }
0x1ff: {  	[tilespmem:s4], [sflag:$0x7] =	stream.linear.gather [hbm4b:s30+s5], $0x80, $0x38;
	[tilespmem:$0x18800] =	vst v63  }
0x200: {  	_ =	swait.ge [sflag:s20], $0x80  }
0x201: {  	[sflag:s20] =	ssyncset.done $0x0  }
0x202: {  	s30 =	simm.s32 $0x580;
	s0 =	rddreg [dreg:$0x12];
	[sflag:s20] =	ssyncadd.s32 $0xFFFFFF80  }
0x203: {  	[tilespmem:s30], [sflag:$0x7] =	stream.linear.gather [hbm4b:s0+s5], $0x80, $0x38;
	[tilespmem:$0x18800] =	vst v63  }
0x204: {  	_ =	swait.ge [sflag:s20], $0x80  }
0x205: {  	[sflag:s20] =	ssyncset.done $0x0  }
0x206: {  	s28 =	simm.s32 $0x600;
	s1 =	rddreg [dreg:$0x13];
	[sflag:s20] =	ssyncadd.s32 $0xFFFFFF80  }
0x207: {  	[tilespmem:s28], [sflag:$0x7] =	stream.linear.gather [hbm4b:s1+s5], $0x80, $0x38;
	[tilespmem:$0x18800] =	vst v63  }
0x208: {  	_ =	swait.ge [sflag:s20], $0x80  }
0x209: {  	[sflag:s20] =	ssyncset.done $0x0  }
0x20a: {  	s1 =	simm.s32 $0x680;
	s11 =	rddreg [dreg:$0x14];
	[sflag:s20] =	ssyncadd.s32 $0xFFFFFF80  }
0x20b: {  	[tilespmem:s1], [sflag:$0x7] =	stream.linear.gather [hbm4b:s11+s5], $0x80, $0x38;
	[tilespmem:$0x18800] =	vst v63  }
0x20c: {  	_ =	swait.ge [sflag:s20], $0x80  }
0x20d: {  	[sflag:s20] =	ssyncset.done $0x0  }
0x20e: {  	s0 =	simm.s32 $0x700;
	s21 =	rddreg [dreg:$0x15];
	[sflag:s20] =	ssyncadd.s32 $0xFFFFFF80  }
0x20f: {  	[tilespmem:s0], [sflag:$0x7] =	stream.linear.gather [hbm4b:s21+s5], $0x80, $0x38;
	[tilespmem:$0x18800] =	vst v63  }
0x210: {  	_ =	swait.ge [sflag:s20], $0x80  }
0x211: {  	[sflag:s20] =	ssyncset.done $0x0  }
0x212: {  	s21 =	simm.s32 $0x780;
	s11 =	rddreg [dreg:$0x16];
	[sflag:s20] =	ssyncadd.s32 $0xFFFFFF80  }
0x213: {  	[tilespmem:s21], [sflag:$0x7] =	stream.linear.gather [hbm4b:s11+s5], $0x80, $0x38;
	[tilespmem:$0x18800] =	vst v63  }
0x214: {  	_ =	swait.ge [sflag:s20], $0x80  }
0x215: {  	[sflag:s20] =	ssyncset.done $0x0  }
0x216: {  	[sflag:s20] =	ssyncadd.s32 $0xFFFFFF80  }
0x217: {  	[tilespmem:s13], [sflag:$0x1] =	stream.indirect.gather [hbm4b:s6+s17], $0x40, s5, s17, $0xb8;
	[tilespmem:$0x18800] =	vst v63  }
0x218: {  	_ = 	snop  }
0x219: {  	[tilespmem:s12], [sflag:$0x1] =	stream.indirect.gather [hbm4b:s7+s17], $0x40, s25, s17, $0xb8;
	[tilespmem:$0x18800] =	vst v63  }
0x21a: {  	s11 =	simm.s32 $0x4800  }
0x21b: {  	[tilespmem:s11], [sflag:$0x1] =	stream.indirect.gather [hbm4b:s10+s17], $0x40, s26, s17, $0xb8;
	[tilespmem:$0x18800] =	vst v63  }
0x21c: {  	_ = 	snop  }
0x21d: {  	[tilespmem:s8], [sflag:$0x1] =	stream.indirect.gather [hbm4b:s16+s17], $0x40, s28, s17, $0xb8;
	[tilespmem:$0x18800] =	vst v63  }
0x21e: {  	s28 =	simm.s32 $0x8800  }
0x21f: {  	[tilespmem:s28], [sflag:$0x2] =	stream.indirect.gather [hbm4b:s6+s17], $0x40, s17, s17, $0xb8;
	[tilespmem:$0x18800] =	vst v63  }
0x220: {  	s26 =	simm.s32 $0xA800  }
0x221: {  	[tilespmem:s26], [sflag:$0x2] =	stream.indirect.gather [hbm4b:s7+s17], $0x40, s19, s17, $0xb8;
	[tilespmem:$0x18800] =	vst v63  }
0x222: {  	s25 =	simm.s32 $0xC800  }
0x223: {  	[tilespmem:s25], [sflag:$0x2] =	stream.indirect.gather [hbm4b:s10+s17], $0x40, s23, s17, $0xb8;
	[tilespmem:$0x18800] =	vst v63  }
0x224: {  	s23 =	simm.s32 $0xE800  }
0x225: {  	[tilespmem:s23], [sflag:$0x2] =	stream.indirect.gather [hbm4b:s16+s17], $0x40, s1, s17, $0xb8;
	[tilespmem:$0x18800] =	vst v63  }
0x226: {  	s29 =	simm.s32 $0x10800  }
0x227: {  	[tilespmem:s29], [sflag:$0x3] =	stream.indirect.gather [hbm4b:s6+s17], $0x40, s3, s17, $0xb8;
	[tilespmem:$0x18800] =	vst v63  }
0x228: {  	s20 =	simm.s32 $0x12800  }
0x229: {  	[tilespmem:s20], [sflag:$0x3] =	stream.indirect.gather [hbm4b:s7+s17], $0x40, s22, s17, $0xb8;
	[tilespmem:$0x18800] =	vst v63  }
0x22a: {  	s19 =	simm.s32 $0x14800  }
0x22b: {  	[tilespmem:s19], [sflag:$0x3] =	stream.indirect.gather [hbm4b:s10+s17], $0x40, s4, s17, $0xb8;
	[tilespmem:$0x18800] =	vst v63  }
0x22c: {  	s5 =	simm.s32 $0x16800  }
0x22d: {  	[tilespmem:s5], [sflag:$0x3] =	stream.indirect.gather [hbm4b:s16+s17], $0x40, s0, s17, $0xb8;
	[tilespmem:$0x18800] =	vst v63  }
0x22e: {  	_ =	swait.ge [sflag:s14], $0x2000  }
0x22f: {  	[sflag:s14] =	ssyncset.done $0x0  }
0x230: {  	s1 =	rddreg [dreg:$0x17];
	[sflag:s14] =	ssyncadd.s32 $0xFFFFE000  }
0x231: {  	[hbm4b:s1+s15] =	stream.strided.scatter [tilespmem:s13], [sflag:$0x4], $0x2000, s3, s15, $0x38;
	[tilespmem:$0x18800] =	vst v63  }
0x232: {  	_ =	swait.ge [sflag:s14], $0x2000  }
0x233: {  	[sflag:s14] =	ssyncset.done $0x0  }
0x234: {  	s4 =	rddreg [dreg:$0x18];
	[sflag:s14] =	ssyncadd.s32 $0xFFFFE000  }
0x235: {  	[hbm4b:s4+s15] =	stream.strided.scatter [tilespmem:s12], [sflag:$0x4], $0x2000, s3, s15, $0x38;
	[tilespmem:$0x18800] =	vst v63  }
0x236: {  	_ =	swait.ge [sflag:s14], $0x2000  }
0x237: {  	[sflag:s14] =	ssyncset.done $0x0  }
0x238: {  	s22 =	rddreg [dreg:$0x19];
	[sflag:s14] =	ssyncadd.s32 $0xFFFFE000  }
0x239: {  	[hbm4b:s22+s15] =	stream.strided.scatter [tilespmem:s11], [sflag:$0x4], $0x2000, s3, s15, $0x38;
	[tilespmem:$0x18800] =	vst v63  }
0x23a: {  	_ =	swait.ge [sflag:s14], $0x2000  }
0x23b: {  	[sflag:s14] =	ssyncset.done $0x0  }
0x23c: {  	s1 =	rddreg [dreg:$0x1a];
	[sflag:s14] =	ssyncadd.s32 $0xFFFFE000  }
0x23d: {  	[hbm4b:s1+s15] =	stream.strided.scatter [tilespmem:s8], [sflag:$0x4], $0x2000, s3, s15, $0x38;
	[tilespmem:$0x18800] =	vst v63  }
0x23e: {  	_ =	swait.ge [sflag:s31], $0x2000  }
0x23f: {  	[sflag:s31] =	ssyncset.done $0x0  }
0x240: {  	s4 =	rddreg [dreg:$0x1b];
	[sflag:s31] =	ssyncadd.s32 $0xFFFFE000  }
0x241: {  	[hbm4b:s4+s15] =	stream.strided.scatter [tilespmem:s28], [sflag:$0x5], $0x2000, s3, s15, $0x38;
	[tilespmem:$0x18800] =	vst v63  }
0x242: {  	_ =	swait.ge [sflag:s31], $0x2000  }
0x243: {  	[sflag:s31] =	ssyncset.done $0x0  }
0x244: {  	s22 =	rddreg [dreg:$0x1c];
	[sflag:s31] =	ssyncadd.s32 $0xFFFFE000  }
0x245: {  	[hbm4b:s22+s15] =	stream.strided.scatter [tilespmem:s26], [sflag:$0x5], $0x2000, s3, s15, $0x38;
	[tilespmem:$0x18800] =	vst v63  }
0x246: {  	_ =	swait.ge [sflag:s31], $0x2000  }
0x247: {  	[sflag:s31] =	ssyncset.done $0x0  }
0x248: {  	s28 =	rddreg [dreg:$0x1d];
	[sflag:s31] =	ssyncadd.s32 $0xFFFFE000  }
0x249: {  	[hbm4b:s28+s15] =	stream.strided.scatter [tilespmem:s25], [sflag:$0x5], $0x2000, s3, s15, $0x38;
	[tilespmem:$0x18800] =	vst v63  }
0x24a: {  	_ =	swait.ge [sflag:s31], $0x2000  }
0x24b: {  	[sflag:s31] =	ssyncset.done $0x0  }
0x24c: {  	s1 =	rddreg [dreg:$0x1e];
	[sflag:s31] =	ssyncadd.s32 $0xFFFFE000  }
0x24d: {  	[hbm4b:s1+s15] =	stream.strided.scatter [tilespmem:s23], [sflag:$0x5], $0x2000, s3, s15, $0x38;
	[tilespmem:$0x18800] =	vst v63  }
0x24e: {  	_ =	swait.ge [sflag:s2], $0x2000  }
0x24f: {  	[sflag:s2] =	ssyncset.done $0x0  }
0x250: {  	[sflag:s2] =	ssyncadd.s32 $0xFFFFE000  }
0x251: {  	_ =	swait.ge [sflag:s2], $0x2000  }
0x252: {  	[sflag:s2] =	ssyncset.done $0x0  }
0x253: {  	[sflag:s2] =	ssyncadd.s32 $0xFFFFE000  }
0x254: {  	_ =	swait.ge [sflag:s2], $0x2000  }
0x255: {  	[sflag:s2] =	ssyncset.done $0x0  }
0x256: {  	[sflag:s2] =	ssyncadd.s32 $0xFFFFE000  }
0x257: {  	_ =	swait.ge [sflag:s2], $0x2000  }
0x258: {  	[sflag:s2] =	ssyncset.done $0x0  }
0x259: {  	s4 =	simm.s32 $0x180;
	[sflag:s2] =	ssyncadd.s32 $0xFFFFE000  }
0x25a: {  	[tilespmem:s13], [sflag:$0x1] =	stream.indirect.gather [hbm4b:s6+s17], $0x40, s4, s17, $0xb8;
	[tilespmem:$0x18800] =	vst v63  }
0x25b: {  	s6 =	simm.s32 $0x380  }
0x25c: {  	[tilespmem:s12], [sflag:$0x1] =	stream.indirect.gather [hbm4b:s7+s17], $0x40, s6, s17, $0xb8;
	[tilespmem:$0x18800] =	vst v63  }
0x25d: {  	_ = 	snop  }
0x25e: {  	[tilespmem:s11], [sflag:$0x1] =	stream.indirect.gather [hbm4b:s10+s17], $0x40, s30, s17, $0xb8;
	[tilespmem:$0x18800] =	vst v63  }
0x25f: {  	_ = 	snop  }
0x260: {  	[tilespmem:s8], [sflag:$0x1] =	stream.indirect.gather [hbm4b:s16+s17], $0x40, s21, s17, $0xb8;
	[tilespmem:$0x18800] =	vst v63  }
0x261: {  	_ =	swait.ge [sflag:s24], $0x2000  }
0x262: {  	[sflag:s24] =	ssyncset.done $0x0  }
0x263: {  	s21 =	rddreg [dreg:$0x1f];
	[sflag:s24] =	ssyncadd.s32 $0xFFFFE000  }
0x264: {  	[hbm4b:s21+s15] =	stream.strided.scatter [tilespmem:s29], [sflag:$0x6], $0x2000, s3, s15, $0x38;
	[tilespmem:$0x18800] =	vst v63  }
0x265: {  	_ =	swait.ge [sflag:s24], $0x2000  }
0x266: {  	s22 =	sld [smem:$0x7F7]  }
0x267: {  	[sflag:s24] =	ssyncset.done $0x0  }
0x268: {  	[sflag:s24] =	ssyncadd.s32 $0xFFFFE000  }
0x269: {  	[hbm4b:s22+s15] =	stream.strided.scatter [tilespmem:s20], [sflag:$0x6], $0x2000, s3, s15, $0x38;
	[tilespmem:$0x18800] =	vst v63  }
0x26a: {  	_ =	swait.ge [sflag:s24], $0x2000  }
0x26b: {  	s23 =	sld [smem:$0x7F8]  }
0x26c: {  	[sflag:s24] =	ssyncset.done $0x0  }
0x26d: {  	[sflag:s24] =	ssyncadd.s32 $0xFFFFE000  }
0x26e: {  	[hbm4b:s23+s15] =	stream.strided.scatter [tilespmem:s19], [sflag:$0x6], $0x2000, s3, s15, $0x38;
	[tilespmem:$0x18800] =	vst v63  }
0x26f: {  	_ =	swait.ge [sflag:s24], $0x2000  }
0x270: {  	s25 =	sld [smem:$0x7F9]  }
0x271: {  	[sflag:s24] =	ssyncset.done $0x0  }
0x272: {  	[sflag:s24] =	ssyncadd.s32 $0xFFFFE000  }
0x273: {  	[hbm4b:s25+s15] =	stream.strided.scatter [tilespmem:s5], [sflag:$0x6], $0x2000, s3, s15, $0x38;
	[tilespmem:$0x18800] =	vst v63  }
0x274: {  	_ =	swait.ge [sflag:s14], $0x2000  }
0x275: {  	s26 =	sld [smem:$0x7FA]  }
0x276: {  	[sflag:s14] =	ssyncset.done $0x0  }
0x277: {  	[sflag:s14] =	ssyncadd.s32 $0xFFFFE000  }
0x278: {  	[hbm4b:s26+s15] =	stream.strided.scatter [tilespmem:s13], [sflag:$0x4], $0x2000, s3, s15, $0x38;
	[tilespmem:$0x18800] =	vst v63  }
0x279: {  	_ =	swait.ge [sflag:s14], $0x2000  }
0x27a: {  	s28 =	sld [smem:$0x7FB]  }
0x27b: {  	[sflag:s14] =	ssyncset.done $0x0  }
0x27c: {  	[sflag:s14] =	ssyncadd.s32 $0xFFFFE000  }
0x27d: {  	[hbm4b:s28+s15] =	stream.strided.scatter [tilespmem:s12], [sflag:$0x4], $0x2000, s3, s15, $0x38;
	[tilespmem:$0x18800] =	vst v63  }
0x27e: {  	_ =	swait.ge [sflag:s14], $0x2000  }
0x27f: {  	s29 =	sld [smem:$0x7FC]  }
0x280: {  	[sflag:s14] =	ssyncset.done $0x0  }
0x281: {  	[sflag:s14] =	ssyncadd.s32 $0xFFFFE000  }
0x282: {  	[hbm4b:s29+s15] =	stream.strided.scatter [tilespmem:s11], [sflag:$0x4], $0x2000, s3, s15, $0x38;
	[tilespmem:$0x18800] =	vst v63  }
0x283: {  	_ =	swait.ge [sflag:s14], $0x2000  }
0x284: {  	s30 =	sld [smem:$0x7FD]  }
0x285: {  	[sflag:s14] =	ssyncset.done $0x0  }
0x286: {  	[sflag:s14] =	ssyncadd.s32 $0xFFFFE000  }
0x287: {  	[hbm4b:s30+s15] =	stream.strided.scatter [tilespmem:s8], [sflag:$0x4], $0x2000, s3, s15, $0x38;
	[tilespmem:$0x18800] =	vst v63  }
0x288: {  	_ =	swait.ge [sflag:s9], $0x2000  }
0x289: {  	[sflag:s9] =	ssyncset.done $0x0  }
0x28a: {  	[sflag:s9] =	ssyncadd.s32 $0xFFFFE000  }
0x28b: {  	_ =	swait.ge [sflag:s9], $0x2000  }
0x28c: {  	[sflag:s9] =	ssyncset.done $0x0  }
0x28d: {  	[sflag:s9] =	ssyncadd.s32 $0xFFFFE000  }
0x28e: {  	_ =	swait.ge [sflag:s9], $0x2000  }
0x28f: {  	[sflag:s9] =	ssyncset.done $0x0  }
0x290: {  	[sflag:s9] =	ssyncadd.s32 $0xFFFFE000  }
0x291: {  	_ =	swait.ge [sflag:s9], $0x2000  }
0x292: {  	[sflag:s9] =	ssyncset.done $0x0  }
0x293: {  	[sflag:s9] =	ssyncadd.s32 $0xFFFFE000  }
0x294: {  	_ =	swait.ge [sflag:s18], $0x2000  }
0x295: {  	[sflag:s18] =	ssyncset.done $0x0  }
0x296: {  	[sflag:s18] =	ssyncadd.s32 $0xFFFFE000  }
0x297: {  	_ =	swait.ge [sflag:s18], $0x2000  }
0x298: {  	[sflag:s18] =	ssyncset.done $0x0  }
0x299: {  	[sflag:s18] =	ssyncadd.s32 $0xFFFFE000  }
0x29a: {  	_ =	swait.ge [sflag:s18], $0x2000  }
0x29b: {  	[sflag:s18] =	ssyncset.done $0x0  }
0x29c: {  	[sflag:s18] =	ssyncadd.s32 $0xFFFFE000  }
0x29d: {  	_ =	swait.ge [sflag:s18], $0x2000  }
0x29e: {  	[sflag:s18] =	ssyncset.done $0x0  }
0x29f: {  	[sflag:s18] =	ssyncadd.s32 $0xFFFFE000  }
0x2a0: {  	_ =	swait.ge [sflag:s2], $0x2000  }
0x2a1: {  	[sflag:s2] =	ssyncset.done $0x0  }
0x2a2: {  	[sflag:s2] =	ssyncadd.s32 $0xFFFFE000  }
0x2a3: {  	_ =	swait.ge [sflag:s2], $0x2000  }
0x2a4: {  	[sflag:s2] =	ssyncset.done $0x0  }
0x2a5: {  	[sflag:s2] =	ssyncadd.s32 $0xFFFFE000  }
0x2a6: {  	_ =	swait.ge [sflag:s2], $0x2000  }
0x2a7: {  	[sflag:s2] =	ssyncset.done $0x0  }
0x2a8: {  	[sflag:s2] =	ssyncadd.s32 $0xFFFFE000  }
0x2a9: {  	_ =	swait.ge [sflag:s2], $0x2000  }
0x2aa: {  	[sflag:s2] =	ssyncset.done $0x0  }
0x2ab: {  	[sflag:s2] =	ssyncadd.s32 $0xFFFFE000  }
0x2ac: {  	_ =	sfence.sel $0x180000  }
0x2ad: {  	[bflag:$0x0] =	sbarrier.arrive $0xFFFF  }
0x2ae: {  	_ =	strace $0x90000047  }
0x2af: {  	s31 =	stileid.u32;
	[bflag:$0x2] =	sbarrier.arrive $0xFFFF  }
0x2b0: {  	p0 =	sne.s32 s31, $0x0;
	s0 =	rddreg [dreg:$0x6]  }
0x2b1: {  	s0 =	sadd.s32 @!p0 $0x100000, s0  }
0x2b2: {  	[sflag:s0] =	ssyncadd.tile.s32 @!p0 $0x1;
	_ =	shalt  }
.Lfunc_end2:
_tile_overlayer_lowered:
.L_overlay_start_2:
0x2b3: {  	(tag) =	ssettag $0x2  }
0x2b4: {  	s0 =	rddreg [dreg:$0x0];
	s2 =	stileid.u32  }
0x2b5: {  	s1 =	rddreg [dreg:$0x1];
	p0 =	sne.s32 s2, $0x0  }
0x2b6: {  	s3 =	rddreg [dreg:$0x2];
	[bflag:$0x3] =	sbarrier.arrive $0xFFFF;
	s2 =	simm.s32 @!p0 $0x1C07  }
0x2b7: {  	[timem:s3], [sflag:s2] =	dma.local @!p0 [hbm:s0], s1  }
0x2b8: {  	s0 =	simm.s32 @!p0 $0x7  }
0x2b9: {  	_ =	swait.ge @!p0 [sflag:s0], s1  }
0x2ba: {  	s1 =	ssub.s32 @!p0 $0x0, s1;
	[sflag:s0] =	ssyncset.done @!p0 $0x0  }
0x2bb: {  	[sflag:s0] =	ssyncadd.s32 @!p0 s1  }
0x2bc: {  	[bflag:$0x3] =	sbarrier.arrive $0xFFFF  }
0x2bd: {  	_ =	shalt  }

</sc_bundles>
